<compile_context>
chip_gen: v7x
topology: tpu7x:2x2x1
jax: 0.10.2.dev20260603
libtpu: 0.0.44.dev20260713+nightly
codegen_flags: <defaults>
</compile_context>

<pallas_src>
import functools

import jax
import jax.numpy as jnp
from jax import lax
from jax.experimental import pallas as pl
from jax.experimental.pallas import tpu as pltpu
from jax.experimental.pallas import tpu_sc as plsc

N = 10000
E = 640000
NG = 64
HID = 128
OUT = 512

NP = 10240
NC, NS = 2, 16
NW = NC * NS
K = 128
NCHUNK = 160
EPT = NCHUNK * K
EP = NW * EPT
RPT = NP // NS
NB = 4
RB = 2048


def _mesh():
    return plsc.VectorSubcoreMesh(core_axis_name="c", subcore_axis_name="s")


def _build_deg():
    GRP = 8

    @functools.partial(
        pl.kernel,
        out_type=jax.ShapeDtypeStruct((NC * NP, 16), jnp.float32),
        mesh=_mesh(),
        compiler_params=pltpu.CompilerParams(use_tc_tiling_on_sc=False),
        scratch_types=[
            pltpu.VMEM((NCHUNK, K), jnp.int32),
            pltpu.VMEM((K, 16), jnp.float32),
            pltpu.VMEM_SHARED((NP, 16), jnp.float32),
            pltpu.SemaphoreType.DMA,
        ],
    )
    def deg_kernel(dst3, ones_hbm, out_hbm, didx, ones_v, acc, sem):
        cid = lax.axis_index("c")
        sid = lax.axis_index("s")
        r0 = sid * RPT
        for t in range(RPT // K):
            pltpu.sync_copy(ones_hbm, acc.at[pl.ds(r0 + t * K, K)])
        pltpu.sync_copy(ones_hbm, ones_v)
        pltpu.sync_copy(dst3.at[cid * NS + sid], didx)
        plsc.subcore_barrier()

        def group(g, c):
            base = g * GRP
            ds = [pltpu.async_copy(ones_v, acc.at[didx.at[base + b]], sem,
                                   add=True)
                  for b in range(GRP)]
            for d in ds:
                d.wait()
            return c

        lax.fori_loop(0, NCHUNK // GRP, group, 0)
        plsc.subcore_barrier()
        pltpu.sync_copy(acc.at[pl.ds(r0, RPT)],
                        out_hbm.at[pl.ds(cid * NP + r0, RPT)])

    return deg_kernel


def _build_agg(F, k, slab, nb):
    nchunk = EPT // k
    nslab = nchunk // slab

    @functools.partial(
        pl.kernel,
        out_type=jax.ShapeDtypeStruct((NC * NP, F), jnp.float32),
        mesh=_mesh(),
        compiler_params=pltpu.CompilerParams(use_tc_tiling_on_sc=False),
        scratch_types=[
            pltpu.VMEM((slab, k), jnp.int32),
            pltpu.VMEM((slab, k), jnp.int32),
            [pltpu.VMEM((k, F), jnp.float32)] * nb,
            pltpu.VMEM_SHARED((NP, F), jnp.float32),
            pltpu.SemaphoreType.DMA,
            pltpu.SemaphoreType.DMA,
        ],
    )
    def agg_kernel(src4, dst4, p_hbm, out_hbm,
                   sidx, didx, rows, acc, gsem, ssem):
        cid = lax.axis_index("c")
        sid = lax.axis_index("s")
        wid = cid * NS + sid
        r0 = sid * RPT
        pltpu.sync_copy(p_hbm.at[pl.ds(r0, RPT)], acc.at[pl.ds(r0, RPT)])
        plsc.subcore_barrier()

        def group(g, c):
            base = g * nb
            gds = [pltpu.async_copy(p_hbm.at[sidx.at[base + b]], rows[b],
                                    gsem)
                   for b in range(nb)]
            for d in gds:
                d.wait()
            sds = [pltpu.async_copy(rows[b], acc.at[didx.at[base + b]], ssem,
                                    add=True)
                   for b in range(nb)]
            for d in sds:
                d.wait()
            return c

        def slab_body(s, c):
            pltpu.sync_copy(src4.at[wid, s], sidx)
            pltpu.sync_copy(dst4.at[wid, s], didx)
            lax.fori_loop(0, slab // nb, group, 0)
            return c

        lax.fori_loop(0, nslab, slab_body, 0)
        plsc.subcore_barrier()
        pltpu.sync_copy(acc.at[pl.ds(r0, RPT)],
                        out_hbm.at[pl.ds(cid * NP + r0, RPT)])

    return agg_kernel


def _build_norm():
    def body(dd, xr, dinv_o, p1_o):
        deg = dd[:NP, :] + dd[NP:, :] - 1.0
        dinv = lax.rsqrt(deg)
        dinv_o[...] = dinv
        p1_o[...] = xr[...] * dinv

    return pl.pallas_call(
        body,
        out_shape=(jax.ShapeDtypeStruct((NP, 16), jnp.float32),
                   jax.ShapeDtypeStruct((NP, 16), jnp.float32)),
    )


def _ab_specs(F):
    nb_off = NP // RB
    return [pl.BlockSpec((RB, F), lambda i: (i, 0)),
            pl.BlockSpec((RB, F), lambda i, _o=nb_off: (i + _o, 0))]


def _build_mm(F_in, F_out):
    def body(aa, ab, p, dv, W, b, o):
        d = dv[...][:, :1]
        m = (aa[...] + ab[...] - p[...]) * d
        h = jnp.dot(m, W[...], preferred_element_type=jnp.float32) + b[...]
        o[...] = jnp.maximum(h, 0.0) * d

    rb = pl.BlockSpec((RB, F_in), lambda i: (i, 0))
    return pl.pallas_call(
        body,
        grid=(NP // RB,),
        in_specs=_ab_specs(F_in) + [rb,
                  pl.BlockSpec((RB, 16), lambda i: (i, 0)),
                  pl.BlockSpec((F_in, F_out), lambda i: (0, 0)),
                  pl.BlockSpec((1, F_out), lambda i: (0, 0))],
        out_specs=pl.BlockSpec((RB, F_out), lambda i: (i, 0)),
        out_shape=jax.ShapeDtypeStruct((NP, F_out), jnp.float32),
    )


def _build_final():
    G = NP // RB

    def body(aa, ab, p, dv, bt, W, b, o, seg, cnt):
        i = pl.program_id(0)

        @pl.when(i == 0)
        def _():
            seg[...] = jnp.zeros_like(seg)
            cnt[...] = jnp.zeros_like(cnt)

        g = (aa[...] + ab[...] - p[...]) * dv[...][:, :1]
        rows = i * RB + lax.broadcasted_iota(jnp.int32, (RB, 1), 0)
        valid = (rows < N).astype(jnp.float32)
        oh = (bt[...] == lax.broadcasted_iota(jnp.int32, (1, NG), 1))
        oh = oh.astype(jnp.float32) * valid
        seg[...] += lax.dot_general(oh, g, (((0,), (0,)), ((), ())),
                                    preferred_element_type=jnp.float32)
        cnt[...] += lax.dot_general(oh, valid, (((0,), (0,)), ((), ())),
                                    preferred_element_type=jnp.float32)

        @pl.when(i == G - 1)
        def _():
            pooled = seg[...] / jnp.maximum(cnt[...], 1.0)
            o[...] = jnp.dot(pooled, W[...],
                             preferred_element_type=jnp.float32) + b[...]

    rb128 = pl.BlockSpec((RB, HID), lambda i: (i, 0))
    return pl.pallas_call(
        body,
        grid=(G,),
        in_specs=_ab_specs(HID) + [rb128,
                  pl.BlockSpec((RB, 16), lambda i: (i, 0)),
                  pl.BlockSpec((RB, 1), lambda i: (i, 0)),
                  pl.BlockSpec((HID, OUT), lambda i: (0, 0)),
                  pl.BlockSpec((1, OUT), lambda i: (0, 0))],
        out_specs=pl.BlockSpec((NG, OUT), lambda i: (0, 0)),
        out_shape=jax.ShapeDtypeStruct((NG, OUT), jnp.float32),
        scratch_shapes=[pltpu.VMEM((NG, HID), jnp.float32),
                        pltpu.VMEM((NG, 1), jnp.float32)],
    )


_deg_k = _build_deg()
_agg16 = _build_agg(16, k=K, slab=NCHUNK, nb=8)
_agg128 = _build_agg(HID, k=64, slab=40, nb=5)
_norm_k = _build_norm()
_mm1 = _build_mm(16, HID)
_mm2 = _build_mm(HID, HID)
_final_k = _build_final()


def kernel(x, edge_index, batch, W1, b1, W2, b2, W3, b3):
    f32 = jnp.float32
    pad_r = jnp.arange(EP - E, dtype=jnp.int32)
    srcf = jnp.concatenate([edge_index[0], pad_r % N])
    dstf = jnp.concatenate([edge_index[1], N + pad_r % (NP - N)])
    dst3 = dstf.reshape(NW, NCHUNK, K)
    src4a = srcf.reshape(NW, 1, NCHUNK, K)
    dst4a = dstf.reshape(NW, 1, NCHUNK, K)
    src4b = srcf.reshape(NW, 8, 40, 64)
    dst4b = dstf.reshape(NW, 8, 40, 64)
    x16 = jnp.zeros((NP, 16), f32).at[:N, :8].set(x)
    batchp = jnp.pad(batch, (0, NP - N)).reshape(NP, 1)
    ones16 = jnp.ones((K, 16), f32)
    W1p = jnp.zeros((16, HID), f32).at[:8].set(W1)

    deg = _deg_k(dst3, ones16)
    dinv, p1 = _norm_k(deg, x16)
    a1 = _agg16(src4a, dst4a, p1)
    p2 = _mm1(a1, a1, p1, dinv, W1p, b1.reshape(1, HID))
    a2 = _agg128(src4b, dst4b, p2)
    p3 = _mm2(a2, a2, p2, dinv, W2, b2.reshape(1, HID))
    a3 = _agg128(src4b, dst4b, p3)
    return _final_k(a3, a3, p3, dinv, batchp, W3, b3.reshape(1, OUT))

# --- scband reference (transcript-rebuilt; emitter-appended) ---
"""Pipeline reference for scband-glycan-gcnencoder-62654982914335 (READ-ONLY COPY).

The authoritative reference and input builder live on the scoring server;
editing this copy changes nothing except your own understanding.
"""

import jax, jax.numpy as jnp
import numpy as np

N = 10000
E = 640000
NG = 64
ATOM = 8
HID = 128
OUT = 512


def setup_inputs(seed: int = 0) -> dict:
    key = jax.random.key(seed)
    ks = jax.random.split(key, 10)
    x = jax.random.normal(ks[0], (N, ATOM), dtype=jnp.float32)
    edge_index = jax.random.randint(ks[1], (2, E), 0, N, dtype=jnp.int32)
    batch = jnp.sort(jax.random.randint(ks[2], (N,), 0, NG, dtype=jnp.int32))
    W1 = jax.random.normal(ks[3], (ATOM, HID), dtype=jnp.float32) * (1.0 / np.sqrt(ATOM))
    b1 = jnp.zeros((HID,), dtype=jnp.float32)
    W2 = jax.random.normal(ks[4], (HID, HID), dtype=jnp.float32) * (1.0 / np.sqrt(HID))
    b2 = jnp.zeros((HID,), dtype=jnp.float32)
    W3 = jax.random.normal(ks[5], (HID, OUT), dtype=jnp.float32) * (1.0 / np.sqrt(HID))
    b3 = jnp.zeros((OUT,), dtype=jnp.float32)
    return {"x": x, "edge_index": edge_index, "batch": batch,
            "W1": W1, "b1": b1, "W2": W2, "b2": b2, "W3": W3, "b3": b3}


def _gcn_conv(x, edge_index, W, b):
    # GCNConv with add_self_loops=True, symmetric normalization, bias
    src = edge_index[0]
    dst = edge_index[1]
    n = x.shape[0]
    loop = jnp.arange(n, dtype=src.dtype)
    s = jnp.concatenate([src, loop])
    d = jnp.concatenate([dst, loop])
    deg = jnp.zeros((n,), dtype=x.dtype).at[d].add(1.0)
    dinv = jnp.where(deg > 0, jax.lax.rsqrt(deg), 0.0)
    norm = dinv[s] * dinv[d]
    h = x @ W
    msg = h[s] * norm[:, None]
    out = jnp.zeros((n, W.shape[1]), dtype=x.dtype).at[d].add(msg)
    return out + b


def reference(x, edge_index, batch, W1, b1, W2, b2, W3, b3):
    h = jax.nn.relu(_gcn_conv(x, edge_index, W1, b1))
    h = jax.nn.relu(_gcn_conv(h, edge_index, W2, b2))
    h = _gcn_conv(h, edge_index, W3, b3)
    # global mean pool over batch segments
    seg_sum = jax.ops.segment_sum(h, batch, num_segments=NG)
    cnt = jax.ops.segment_sum(jnp.ones((h.shape[0], 1), dtype=h.dtype), batch, num_segments=NG)
    pooled = seg_sum / jnp.maximum(cnt, 1.0)
    return pooled

if __name__ == "__main__":
    import jax
    _d = setup_inputs()
    print(jax.jit(kernel)(*tuple(_d.values())))

</pallas_src>

<mosaic_0001>
#map = affine_map<(d0, d1) -> (0, 0, 0)>
#map1 = affine_map<(d0, d1) -> (0, 0)>
module attributes {stable_mosaic.version = 14 : i64} {
  func.func @deg_kernel(%arg0: i32, %arg1: i32, %arg2: memref<32x160x128xi32, #tpu.memory_space<hbm>>, %arg3: memref<128x16xf32, #tpu.memory_space<hbm>>, %arg4: memref<20480x16xf32, #tpu.memory_space<hbm>>, %arg5: memref<160x128xi32, #tpu.memory_space<vmem>>, %arg6: memref<128x16xf32, #tpu.memory_space<vmem>>, %arg7: memref<10240x16xf32, #tpu.memory_space<vmem_shared>>, %arg8: memref<!tpu.dma_semaphore, #tpu.memory_space<semaphore_mem>>) attributes {dimension_semantics = [#tpu.dimension_semantics<core_parallel>, #tpu.dimension_semantics<subcore_parallel>], iteration_bounds = array<i64: 2, 16>, scalar_prefetch = 0 : i64, scratch_operands = 4 : i64, tpu.core_type = #tpu.core_type<sc_vector_subcore>, window_params = [{transform_indices = #map}, {transform_indices = #map1}, {transform_indices = #map1}]} {
    %mul3A = arith.constant 640 : i32
    %mul3A_0 = arith.muli %arg1, %mul3A : i32
    %add3A = arith.constant 0 : i32
    %add3A_1 = arith.addi %mul3A_0, %add3A : i32
    "tpu.region"() ({
      %run_scoped3A = tpu.sem_alloc : memref<!tpu.dma_semaphore, #tpu.memory_space<semaphore_mem>>
      %dma_start3A = arith.constant 0 : i32
      %dma_start3A_22 = tpu.memref_slice %arg7[%add3A_1, %dma_start3A] : memref<10240x16xf32, #tpu.memory_space<vmem_shared>> -> memref<128x16xf32, #tpu.memory_space<vmem_shared>>
      tpu.enqueue_dma source(%arg3 : memref<128x16xf32, #tpu.memory_space<hbm>>) target(%dma_start3A_22 : memref<128x16xf32, #tpu.memory_space<vmem_shared>>) target_semaphore(%run_scoped3A : memref<!tpu.dma_semaphore, #tpu.memory_space<semaphore_mem>>)
      %dma_wait3A = arith.constant 0 : i32
      %dma_wait3A_23 = tpu.memref_slice %arg7[%add3A_1, %dma_wait3A] : memref<10240x16xf32, #tpu.memory_space<vmem_shared>> -> memref<128x16xf32, #tpu.memory_space<vmem_shared>>
      tpu.wait_dma2 semaphore(%run_scoped3A : memref<!tpu.dma_semaphore, #tpu.memory_space<semaphore_mem>>) src(%arg3 : memref<128x16xf32, #tpu.memory_space<hbm>>) dst(%dma_wait3A_23 : memref<128x16xf32, #tpu.memory_space<vmem_shared>>)
      tpu.yield
    }) : () -> ()
    %add3A_2 = arith.constant 128 : i32
    %add3A_3 = arith.addi %mul3A_0, %add3A_2 : i32
    "tpu.region"() ({
      %run_scoped3A = tpu.sem_alloc : memref<!tpu.dma_semaphore, #tpu.memory_space<semaphore_mem>>
      %dma_start3A = arith.constant 0 : i32
      %dma_start3A_22 = tpu.memref_slice %arg7[%add3A_3, %dma_start3A] : memref<10240x16xf32, #tpu.memory_space<vmem_shared>> -> memref<128x16xf32, #tpu.memory_space<vmem_shared>>
      tpu.enqueue_dma source(%arg3 : memref<128x16xf32, #tpu.memory_space<hbm>>) target(%dma_start3A_22 : memref<128x16xf32, #tpu.memory_space<vmem_shared>>) target_semaphore(%run_scoped3A : memref<!tpu.dma_semaphore, #tpu.memory_space<semaphore_mem>>)
      %dma_wait3A = arith.constant 0 : i32
      %dma_wait3A_23 = tpu.memref_slice %arg7[%add3A_3, %dma_wait3A] : memref<10240x16xf32, #tpu.memory_space<vmem_shared>> -> memref<128x16xf32, #tpu.memory_space<vmem_shared>>
      tpu.wait_dma2 semaphore(%run_scoped3A : memref<!tpu.dma_semaphore, #tpu.memory_space<semaphore_mem>>) src(%arg3 : memref<128x16xf32, #tpu.memory_space<hbm>>) dst(%dma_wait3A_23 : memref<128x16xf32, #tpu.memory_space<vmem_shared>>)
      tpu.yield
    }) : () -> ()
    %add3A_4 = arith.constant 256 : i32
    %add3A_5 = arith.addi %mul3A_0, %add3A_4 : i32
    "tpu.region"() ({
      %run_scoped3A = tpu.sem_alloc : memref<!tpu.dma_semaphore, #tpu.memory_space<semaphore_mem>>
      %dma_start3A = arith.constant 0 : i32
      %dma_start3A_22 = tpu.memref_slice %arg7[%add3A_5, %dma_start3A] : memref<10240x16xf32, #tpu.memory_space<vmem_shared>> -> memref<128x16xf32, #tpu.memory_space<vmem_shared>>
      tpu.enqueue_dma source(%arg3 : memref<128x16xf32, #tpu.memory_space<hbm>>) target(%dma_start3A_22 : memref<128x16xf32, #tpu.memory_space<vmem_shared>>) target_semaphore(%run_scoped3A : memref<!tpu.dma_semaphore, #tpu.memory_space<semaphore_mem>>)
      %dma_wait3A = arith.constant 0 : i32
      %dma_wait3A_23 = tpu.memref_slice %arg7[%add3A_5, %dma_wait3A] : memref<10240x16xf32, #tpu.memory_space<vmem_shared>> -> memref<128x16xf32, #tpu.memory_space<vmem_shared>>
      tpu.wait_dma2 semaphore(%run_scoped3A : memref<!tpu.dma_semaphore, #tpu.memory_space<semaphore_mem>>) src(%arg3 : memref<128x16xf32, #tpu.memory_space<hbm>>) dst(%dma_wait3A_23 : memref<128x16xf32, #tpu.memory_space<vmem_shared>>)
      tpu.yield
    }) : () -> ()
    %add3A_6 = arith.constant 384 : i32
    %add3A_7 = arith.addi %mul3A_0, %add3A_6 : i32
    "tpu.region"() ({
      %run_scoped3A = tpu.sem_alloc : memref<!tpu.dma_semaphore, #tpu.memory_space<semaphore_mem>>
      %dma_start3A = arith.constant 0 : i32
      %dma_start3A_22 = tpu.memref_slice %arg7[%add3A_7, %dma_start3A] : memref<10240x16xf32, #tpu.memory_space<vmem_shared>> -> memref<128x16xf32, #tpu.memory_space<vmem_shared>>
      tpu.enqueue_dma source(%arg3 : memref<128x16xf32, #tpu.memory_space<hbm>>) target(%dma_start3A_22 : memref<128x16xf32, #tpu.memory_space<vmem_shared>>) target_semaphore(%run_scoped3A : memref<!tpu.dma_semaphore, #tpu.memory_space<semaphore_mem>>)
      %dma_wait3A = arith.constant 0 : i32
      %dma_wait3A_23 = tpu.memref_slice %arg7[%add3A_7, %dma_wait3A] : memref<10240x16xf32, #tpu.memory_space<vmem_shared>> -> memref<128x16xf32, #tpu.memory_space<vmem_shared>>
      tpu.wait_dma2 semaphore(%run_scoped3A : memref<!tpu.dma_semaphore, #tpu.memory_space<semaphore_mem>>) src(%arg3 : memref<128x16xf32, #tpu.memory_space<hbm>>) dst(%dma_wait3A_23 : memref<128x16xf32, #tpu.memory_space<vmem_shared>>)
      tpu.yield
    }) : () -> ()
    %add3A_8 = arith.constant 512 : i32
    %add3A_9 = arith.addi %mul3A_0, %add3A_8 : i32
    "tpu.region"() ({
      %run_scoped3A = tpu.sem_alloc : memref<!tpu.dma_semaphore, #tpu.memory_space<semaphore_mem>>
      %dma_start3A = arith.constant 0 : i32
      %dma_start3A_22 = tpu.memref_slice %arg7[%add3A_9, %dma_start3A] : memref<10240x16xf32, #tpu.memory_space<vmem_shared>> -> memref<128x16xf32, #tpu.memory_space<vmem_shared>>
      tpu.enqueue_dma source(%arg3 : memref<128x16xf32, #tpu.memory_space<hbm>>) target(%dma_start3A_22 : memref<128x16xf32, #tpu.memory_space<vmem_shared>>) target_semaphore(%run_scoped3A : memref<!tpu.dma_semaphore, #tpu.memory_space<semaphore_mem>>)
      %dma_wait3A = arith.constant 0 : i32
      %dma_wait3A_23 = tpu.memref_slice %arg7[%add3A_9, %dma_wait3A] : memref<10240x16xf32, #tpu.memory_space<vmem_shared>> -> memref<128x16xf32, #tpu.memory_space<vmem_shared>>
      tpu.wait_dma2 semaphore(%run_scoped3A : memref<!tpu.dma_semaphore, #tpu.memory_space<semaphore_mem>>) src(%arg3 : memref<128x16xf32, #tpu.memory_space<hbm>>) dst(%dma_wait3A_23 : memref<128x16xf32, #tpu.memory_space<vmem_shared>>)
      tpu.yield
    }) : () -> ()
    "tpu.region"() ({
      %run_scoped3A = tpu.sem_alloc : memref<!tpu.dma_semaphore, #tpu.memory_space<semaphore_mem>>
      tpu.enqueue_dma source(%arg3 : memref<128x16xf32, #tpu.memory_space<hbm>>) target(%arg6 : memref<128x16xf32, #tpu.memory_space<vmem>>) target_semaphore(%run_scoped3A : memref<!tpu.dma_semaphore, #tpu.memory_space<semaphore_mem>>)
      tpu.wait_dma2 semaphore(%run_scoped3A : memref<!tpu.dma_semaphore, #tpu.memory_space<semaphore_mem>>) src(%arg3 : memref<128x16xf32, #tpu.memory_space<hbm>>) dst(%arg6 : memref<128x16xf32, #tpu.memory_space<vmem>>)
      tpu.yield
    }) : () -> ()
    %mul3A_10 = arith.constant 16 : i32
    %mul3A_11 = arith.muli %arg0, %mul3A_10 : i32
    %add3A_12 = arith.addi %mul3A_11, %arg1 : i32
    "tpu.region"() ({
      %run_scoped3A = tpu.sem_alloc : memref<!tpu.dma_semaphore, #tpu.memory_space<semaphore_mem>>
      %dma_start3A = arith.constant 0 : i32
      %dma_start3A_22 = arith.constant 0 : i32
      %dma_start3A_23 = tpu.memref_slice %arg2[%add3A_12, %dma_start3A, %dma_start3A_22] : memref<32x160x128xi32, #tpu.memory_space<hbm>> -> memref<1x160x128xi32, #tpu.memory_space<hbm>>
      %dma_start3A_24 = tpu.memref_squeeze %dma_start3A_23 : memref<1x160x128xi32, #tpu.memory_space<hbm>> -> memref<160x128xi32, #tpu.memory_space<hbm>>
      %dma_start3A_25 = arith.constant 0 : i32
      %dma_start3A_26 = arith.constant 0 : i32
      %dma_start3A_27 = tpu.memref_slice %arg2[%add3A_12, %dma_start3A_25, %dma_start3A_26] : memref<32x160x128xi32, #tpu.memory_space<hbm>> -> memref<1x160x128xi32, #tpu.memory_space<hbm>>
      %dma_start3A_28 = tpu.memref_squeeze %dma_start3A_27 : memref<1x160x128xi32, #tpu.memory_space<hbm>> -> memref<160x128xi32, #tpu.memory_space<hbm>>
      tpu.enqueue_dma source(%dma_start3A_28 : memref<160x128xi32, #tpu.memory_space<hbm>>) target(%arg5 : memref<160x128xi32, #tpu.memory_space<vmem>>) target_semaphore(%run_scoped3A : memref<!tpu.dma_semaphore, #tpu.memory_space<semaphore_mem>>)
      %dma_wait3A = arith.constant 0 : i32
      %dma_wait3A_29 = arith.constant 0 : i32
      %dma_wait3A_30 = tpu.memref_slice %arg2[%add3A_12, %dma_wait3A, %dma_wait3A_29] : memref<32x160x128xi32, #tpu.memory_space<hbm>> -> memref<1x160x128xi32, #tpu.memory_space<hbm>>
      %dma_wait3A_31 = tpu.memref_squeeze %dma_wait3A_30 : memref<1x160x128xi32, #tpu.memory_space<hbm>> -> memref<160x128xi32, #tpu.memory_space<hbm>>
      %dma_wait3A_32 = arith.constant 0 : i32
      %dma_wait3A_33 = arith.constant 0 : i32
      %dma_wait3A_34 = tpu.memref_slice %arg2[%add3A_12, %dma_wait3A_32, %dma_wait3A_33] : memref<32x160x128xi32, #tpu.memory_space<hbm>> -> memref<1x160x128xi32, #tpu.memory_space<hbm>>
      %dma_wait3A_35 = tpu.memref_squeeze %dma_wait3A_34 : memref<1x160x128xi32, #tpu.memory_space<hbm>> -> memref<160x128xi32, #tpu.memory_space<hbm>>
      tpu.wait_dma2 semaphore(%run_scoped3A : memref<!tpu.dma_semaphore, #tpu.memory_space<semaphore_mem>>) src(%dma_wait3A_35 : memref<160x128xi32, #tpu.memory_space<hbm>>) dst(%arg5 : memref<160x128xi32, #tpu.memory_space<vmem>>)
      tpu.yield
    }) : () -> ()
    %barrier3A = arith.constant 0 : index
    tpu.barrier barrier_id(%barrier3A)
    %scan3A = arith.constant 0 : i32
    %scan3A_13 = arith.constant 0 : i32
    %scan3A_14 = arith.constant 20 : i32
    %scan3A_15 = arith.addi %scan3A_13, %scan3A_14 : i32
    %scan3A_16 = arith.constant 1 : i32
    scf.for %scan3A_22 = %scan3A_13 to %scan3A_15 step %scan3A_16  : i32 {
      %mul3A_23 = arith.constant 8 : i32
      %mul3A_24 = arith.muli %scan3A_22, %mul3A_23 : i32
      %add3A_25 = arith.constant 0 : i32
      %add3A_26 = arith.addi %mul3A_24, %add3A_25 : i32
      %dma_start3A = arith.constant 0 : i32
      %dma_start3A_27 = tpu.memref_slice %arg5[%add3A_26, %dma_start3A] : memref<160x128xi32, #tpu.memory_space<vmem>> -> memref<1x128xi32, #tpu.memory_space<vmem>>
      %dma_start3A_28 = tpu.memref_squeeze %dma_start3A_27 : memref<1x128xi32, #tpu.memory_space<vmem>> -> memref<128xi32, #tpu.memory_space<vmem>>
      %dma_start3A_29 = arith.constant 0 : i32
      %dma_start3A_30 = arith.constant 0 : i32
      %dma_start3A_31 = tpu.memref_slice %arg7[%dma_start3A_29, %dma_start3A_30] : memref<10240x16xf32, #tpu.memory_space<vmem_shared>> -> memref<10240x16xf32, #tpu.memory_space<vmem_shared>>
      tpu.enqueue_indirect_dma source(%arg6 : memref<128x16xf32, #tpu.memory_space<vmem>>) target(%dma_start3A_31 : memref<10240x16xf32, #tpu.memory_space<vmem_shared>>) offsets(%dma_start3A_28 : memref<128xi32, #tpu.memory_space<vmem>>) semaphore(%arg8 : memref<!tpu.dma_semaphore, #tpu.memory_space<semaphore_mem>>) {add = true}
      %add3A_32 = arith.constant 1 : i32
      %add3A_33 = arith.addi %mul3A_24, %add3A_32 : i32
      %dma_start3A_34 = arith.constant 0 : i32
      %dma_start3A_35 = tpu.memref_slice %arg5[%add3A_33, %dma_start3A_34] : memref<160x128xi32, #tpu.memory_space<vmem>> -> memref<1x128xi32, #tpu.memory_space<vmem>>
      %dma_start3A_36 = tpu.memref_squeeze %dma_start3A_35 : memref<1x128xi32, #tpu.memory_space<vmem>> -> memref<128xi32, #tpu.memory_space<vmem>>
      %dma_start3A_37 = arith.constant 0 : i32
      %dma_start3A_38 = arith.constant 0 : i32
      %dma_start3A_39 = tpu.memref_slice %arg7[%dma_start3A_37, %dma_start3A_38] : memref<10240x16xf32, #tpu.memory_space<vmem_shared>> -> memref<10240x16xf32, #tpu.memory_space<vmem_shared>>
      tpu.enqueue_indirect_dma source(%arg6 : memref<128x16xf32, #tpu.memory_space<vmem>>) target(%dma_start3A_39 : memref<10240x16xf32, #tpu.memory_space<vmem_shared>>) offsets(%dma_start3A_36 : memref<128xi32, #tpu.memory_space<vmem>>) semaphore(%arg8 : memref<!tpu.dma_semaphore, #tpu.memory_space<semaphore_mem>>) {add = true}
      %add3A_40 = arith.constant 2 : i32
      %add3A_41 = arith.addi %mul3A_24, %add3A_40 : i32
      %dma_start3A_42 = arith.constant 0 : i32
      %dma_start3A_43 = tpu.memref_slice %arg5[%add3A_41, %dma_start3A_42] : memref<160x128xi32, #tpu.memory_space<vmem>> -> memref<1x128xi32, #tpu.memory_space<vmem>>
      %dma_start3A_44 = tpu.memref_squeeze %dma_start3A_43 : memref<1x128xi32, #tpu.memory_space<vmem>> -> memref<128xi32, #tpu.memory_space<vmem>>
      %dma_start3A_45 = arith.constant 0 : i32
      %dma_start3A_46 = arith.constant 0 : i32
      %dma_start3A_47 = tpu.memref_slice %arg7[%dma_start3A_45, %dma_start3A_46] : memref<10240x16xf32, #tpu.memory_space<vmem_shared>> -> memref<10240x16xf32, #tpu.memory_space<vmem_shared>>
      tpu.enqueue_indirect_dma source(%arg6 : memref<128x16xf32, #tpu.memory_space<vmem>>) target(%dma_start3A_47 : memref<10240x16xf32, #tpu.memory_space<vmem_shared>>) offsets(%dma_start3A_44 : memref<128xi32, #tpu.memory_space<vmem>>) semaphore(%arg8 : memref<!tpu.dma_semaphore, #tpu.memory_space<semaphore_mem>>) {add = true}
      %add3A_48 = arith.constant 3 : i32
      %add3A_49 = arith.addi %mul3A_24, %add3A_48 : i32
      %dma_start3A_50 = arith.constant 0 : i32
      %dma_start3A_51 = tpu.memref_slice %arg5[%add3A_49, %dma_start3A_50] : memref<160x128xi32, #tpu.memory_space<vmem>> -> memref<1x128xi32, #tpu.memory_space<vmem>>
      %dma_start3A_52 = tpu.memref_squeeze %dma_start3A_51 : memref<1x128xi32, #tpu.memory_space<vmem>> -> memref<128xi32, #tpu.memory_space<vmem>>
      %dma_start3A_53 = arith.constant 0 : i32
      %dma_start3A_54 = arith.constant 0 : i32
      %dma_start3A_55 = tpu.memref_slice %arg7[%dma_start3A_53, %dma_start3A_54] : memref<10240x16xf32, #tpu.memory_space<vmem_shared>> -> memref<10240x16xf32, #tpu.memory_space<vmem_shared>>
      tpu.enqueue_indirect_dma source(%arg6 : memref<128x16xf32, #tpu.memory_space<vmem>>) target(%dma_start3A_55 : memref<10240x16xf32, #tpu.memory_space<vmem_shared>>) offsets(%dma_start3A_52 : memref<128xi32, #tpu.memory_space<vmem>>) semaphore(%arg8 : memref<!tpu.dma_semaphore, #tpu.memory_space<semaphore_mem>>) {add = true}
      %add3A_56 = arith.constant 4 : i32
      %add3A_57 = arith.addi %mul3A_24, %add3A_56 : i32
      %dma_start3A_58 = arith.constant 0 : i32
      %dma_start3A_59 = tpu.memref_slice %arg5[%add3A_57, %dma_start3A_58] : memref<160x128xi32, #tpu.memory_space<vmem>> -> memref<1x128xi32, #tpu.memory_space<vmem>>
      %dma_start3A_60 = tpu.memref_squeeze %dma_start3A_59 : memref<1x128xi32, #tpu.memory_space<vmem>> -> memref<128xi32, #tpu.memory_space<vmem>>
      %dma_start3A_61 = arith.constant 0 : i32
      %dma_start3A_62 = arith.constant 0 : i32
      %dma_start3A_63 = tpu.memref_slice %arg7[%dma_start3A_61, %dma_start3A_62] : memref<10240x16xf32, #tpu.memory_space<vmem_shared>> -> memref<10240x16xf32, #tpu.memory_space<vmem_shared>>
      tpu.enqueue_indirect_dma source(%arg6 : memref<128x16xf32, #tpu.memory_space<vmem>>) target(%dma_start3A_63 : memref<10240x16xf32, #tpu.memory_space<vmem_shared>>) offsets(%dma_start3A_60 : memref<128xi32, #tpu.memory_space<vmem>>) semaphore(%arg8 : memref<!tpu.dma_semaphore, #tpu.memory_space<semaphore_mem>>) {add = true}
      %add3A_64 = arith.constant 5 : i32
      %add3A_65 = arith.addi %mul3A_24, %add3A_64 : i32
      %dma_start3A_66 = arith.constant 0 : i32
      %dma_start3A_67 = tpu.memref_slice %arg5[%add3A_65, %dma_start3A_66] : memref<160x128xi32, #tpu.memory_space<vmem>> -> memref<1x128xi32, #tpu.memory_space<vmem>>
      %dma_start3A_68 = tpu.memref_squeeze %dma_start3A_67 : memref<1x128xi32, #tpu.memory_space<vmem>> -> memref<128xi32, #tpu.memory_space<vmem>>
      %dma_start3A_69 = arith.constant 0 : i32
      %dma_start3A_70 = arith.constant 0 : i32
      %dma_start3A_71 = tpu.memref_slice %arg7[%dma_start3A_69, %dma_start3A_70] : memref<10240x16xf32, #tpu.memory_space<vmem_shared>> -> memref<10240x16xf32, #tpu.memory_space<vmem_shared>>
      tpu.enqueue_indirect_dma source(%arg6 : memref<128x16xf32, #tpu.memory_space<vmem>>) target(%dma_start3A_71 : memref<10240x16xf32, #tpu.memory_space<vmem_shared>>) offsets(%dma_start3A_68 : memref<128xi32, #tpu.memory_space<vmem>>) semaphore(%arg8 : memref<!tpu.dma_semaphore, #tpu.memory_space<semaphore_mem>>) {add = true}
      %add3A_72 = arith.constant 6 : i32
      %add3A_73 = arith.addi %mul3A_24, %add3A_72 : i32
      %dma_start3A_74 = arith.constant 0 : i32
      %dma_start3A_75 = tpu.memref_slice %arg5[%add3A_73, %dma_start3A_74] : memref<160x128xi32, #tpu.memory_space<vmem>> -> memref<1x128xi32, #tpu.memory_space<vmem>>
      %dma_start3A_76 = tpu.memref_squeeze %dma_start3A_75 : memref<1x128xi32, #tpu.memory_space<vmem>> -> memref<128xi32, #tpu.memory_space<vmem>>
      %dma_start3A_77 = arith.constant 0 : i32
      %dma_start3A_78 = arith.constant 0 : i32
      %dma_start3A_79 = tpu.memref_slice %arg7[%dma_start3A_77, %dma_start3A_78] : memref<10240x16xf32, #tpu.memory_space<vmem_shared>> -> memref<10240x16xf32, #tpu.memory_space<vmem_shared>>
      tpu.enqueue_indirect_dma source(%arg6 : memref<128x16xf32, #tpu.memory_space<vmem>>) target(%dma_start3A_79 : memref<10240x16xf32, #tpu.memory_space<vmem_shared>>) offsets(%dma_start3A_76 : memref<128xi32, #tpu.memory_space<vmem>>) semaphore(%arg8 : memref<!tpu.dma_semaphore, #tpu.memory_space<semaphore_mem>>) {add = true}
      %add3A_80 = arith.constant 7 : i32
      %add3A_81 = arith.addi %mul3A_24, %add3A_80 : i32
      %dma_start3A_82 = arith.constant 0 : i32
      %dma_start3A_83 = tpu.memref_slice %arg5[%add3A_81, %dma_start3A_82] : memref<160x128xi32, #tpu.memory_space<vmem>> -> memref<1x128xi32, #tpu.memory_space<vmem>>
      %dma_start3A_84 = tpu.memref_squeeze %dma_start3A_83 : memref<1x128xi32, #tpu.memory_space<vmem>> -> memref<128xi32, #tpu.memory_space<vmem>>
      %dma_start3A_85 = arith.constant 0 : i32
      %dma_start3A_86 = arith.constant 0 : i32
      %dma_start3A_87 = tpu.memref_slice %arg7[%dma_start3A_85, %dma_start3A_86] : memref<10240x16xf32, #tpu.memory_space<vmem_shared>> -> memref<10240x16xf32, #tpu.memory_space<vmem_shared>>
      tpu.enqueue_indirect_dma source(%arg6 : memref<128x16xf32, #tpu.memory_space<vmem>>) target(%dma_start3A_87 : memref<10240x16xf32, #tpu.memory_space<vmem_shared>>) offsets(%dma_start3A_84 : memref<128xi32, #tpu.memory_space<vmem>>) semaphore(%arg8 : memref<!tpu.dma_semaphore, #tpu.memory_space<semaphore_mem>>) {add = true}
      %dma_wait3A = arith.constant 0 : i32
      %dma_wait3A_88 = tpu.memref_slice %arg5[%add3A_26, %dma_wait3A] : memref<160x128xi32, #tpu.memory_space<vmem>> -> memref<1x128xi32, #tpu.memory_space<vmem>>
      %dma_wait3A_89 = tpu.memref_squeeze %dma_wait3A_88 : memref<1x128xi32, #tpu.memory_space<vmem>> -> memref<128xi32, #tpu.memory_space<vmem>>
      %dma_wait3A_90 = arith.constant 0 : i32
      %dma_wait3A_91 = arith.constant 0 : i32
      %dma_wait3A_92 = tpu.memref_slice %arg7[%dma_wait3A_90, %dma_wait3A_91] : memref<10240x16xf32, #tpu.memory_space<vmem_shared>> -> memref<10240x16xf32, #tpu.memory_space<vmem_shared>>
      tpu.wait_indirect_dma semaphore(%arg8 : memref<!tpu.dma_semaphore, #tpu.memory_space<semaphore_mem>>) src(%arg6 : memref<128x16xf32, #tpu.memory_space<vmem>>) dst(%dma_wait3A_92 : memref<10240x16xf32, #tpu.memory_space<vmem_shared>>)
      %dma_wait3A_93 = arith.constant 0 : i32
      %dma_wait3A_94 = tpu.memref_slice %arg5[%add3A_33, %dma_wait3A_93] : memref<160x128xi32, #tpu.memory_space<vmem>> -> memref<1x128xi32, #tpu.memory_space<vmem>>
      %dma_wait3A_95 = tpu.memref_squeeze %dma_wait3A_94 : memref<1x128xi32, #tpu.memory_space<vmem>> -> memref<128xi32, #tpu.memory_space<vmem>>
      %dma_wait3A_96 = arith.constant 0 : i32
      %dma_wait3A_97 = arith.constant 0 : i32
      %dma_wait3A_98 = tpu.memref_slice %arg7[%dma_wait3A_96, %dma_wait3A_97] : memref<10240x16xf32, #tpu.memory_space<vmem_shared>> -> memref<10240x16xf32, #tpu.memory_space<vmem_shared>>
      tpu.wait_indirect_dma semaphore(%arg8 : memref<!tpu.dma_semaphore, #tpu.memory_space<semaphore_mem>>) src(%arg6 : memref<128x16xf32, #tpu.memory_space<vmem>>) dst(%dma_wait3A_98 : memref<10240x16xf32, #tpu.memory_space<vmem_shared>>)
      %dma_wait3A_99 = arith.constant 0 : i32
      %dma_wait3A_100 = tpu.memref_slice %arg5[%add3A_41, %dma_wait3A_99] : memref<160x128xi32, #tpu.memory_space<vmem>> -> memref<1x128xi32, #tpu.memory_space<vmem>>
      %dma_wait3A_101 = tpu.memref_squeeze %dma_wait3A_100 : memref<1x128xi32, #tpu.memory_space<vmem>> -> memref<128xi32, #tpu.memory_space<vmem>>
      %dma_wait3A_102 = arith.constant 0 : i32
      %dma_wait3A_103 = arith.constant 0 : i32
      %dma_wait3A_104 = tpu.memref_slice %arg7[%dma_wait3A_102, %dma_wait3A_103] : memref<10240x16xf32, #tpu.memory_space<vmem_shared>> -> memref<10240x16xf32, #tpu.memory_space<vmem_shared>>
      tpu.wait_indirect_dma semaphore(%arg8 : memref<!tpu.dma_semaphore, #tpu.memory_space<semaphore_mem>>) src(%arg6 : memref<128x16xf32, #tpu.memory_space<vmem>>) dst(%dma_wait3A_104 : memref<10240x16xf32, #tpu.memory_space<vmem_shared>>)
      %dma_wait3A_105 = arith.constant 0 : i32
      %dma_wait3A_106 = tpu.memref_slice %arg5[%add3A_49, %dma_wait3A_105] : memref<160x128xi32, #tpu.memory_space<vmem>> -> memref<1x128xi32, #tpu.memory_space<vmem>>
      %dma_wait3A_107 = tpu.memref_squeeze %dma_wait3A_106 : memref<1x128xi32, #tpu.memory_space<vmem>> -> memref<128xi32, #tpu.memory_space<vmem>>
      %dma_wait3A_108 = arith.constant 0 : i32
      %dma_wait3A_109 = arith.constant 0 : i32
      %dma_wait3A_110 = tpu.memref_slice %arg7[%dma_wait3A_108, %dma_wait3A_109] : memref<10240x16xf32, #tpu.memory_space<vmem_shared>> -> memref<10240x16xf32, #tpu.memory_space<vmem_shared>>
      tpu.wait_indirect_dma semaphore(%arg8 : memref<!tpu.dma_semaphore, #tpu.memory_space<semaphore_mem>>) src(%arg6 : memref<128x16xf32, #tpu.memory_space<vmem>>) dst(%dma_wait3A_110 : memref<10240x16xf32, #tpu.memory_space<vmem_shared>>)
      %dma_wait3A_111 = arith.constant 0 : i32
      %dma_wait3A_112 = tpu.memref_slice %arg5[%add3A_57, %dma_wait3A_111] : memref<160x128xi32, #tpu.memory_space<vmem>> -> memref<1x128xi32, #tpu.memory_space<vmem>>
      %dma_wait3A_113 = tpu.memref_squeeze %dma_wait3A_112 : memref<1x128xi32, #tpu.memory_space<vmem>> -> memref<128xi32, #tpu.memory_space<vmem>>
      %dma_wait3A_114 = arith.constant 0 : i32
      %dma_wait3A_115 = arith.constant 0 : i32
      %dma_wait3A_116 = tpu.memref_slice %arg7[%dma_wait3A_114, %dma_wait3A_115] : memref<10240x16xf32, #tpu.memory_space<vmem_shared>> -> memref<10240x16xf32, #tpu.memory_space<vmem_shared>>
      tpu.wait_indirect_dma semaphore(%arg8 : memref<!tpu.dma_semaphore, #tpu.memory_space<semaphore_mem>>) src(%arg6 : memref<128x16xf32, #tpu.memory_space<vmem>>) dst(%dma_wait3A_116 : memref<10240x16xf32, #tpu.memory_space<vmem_shared>>)
      %dma_wait3A_117 = arith.constant 0 : i32
      %dma_wait3A_118 = tpu.memref_slice %arg5[%add3A_65, %dma_wait3A_117] : memref<160x128xi32, #tpu.memory_space<vmem>> -> memref<1x128xi32, #tpu.memory_space<vmem>>
      %dma_wait3A_119 = tpu.memref_squeeze %dma_wait3A_118 : memref<1x128xi32, #tpu.memory_space<vmem>> -> memref<128xi32, #tpu.memory_space<vmem>>
      %dma_wait3A_120 = arith.constant 0 : i32
      %dma_wait3A_121 = arith.constant 0 : i32
      %dma_wait3A_122 = tpu.memref_slice %arg7[%dma_wait3A_120, %dma_wait3A_121] : memref<10240x16xf32, #tpu.memory_space<vmem_shared>> -> memref<10240x16xf32, #tpu.memory_space<vmem_shared>>
      tpu.wait_indirect_dma semaphore(%arg8 : memref<!tpu.dma_semaphore, #tpu.memory_space<semaphore_mem>>) src(%arg6 : memref<128x16xf32, #tpu.memory_space<vmem>>) dst(%dma_wait3A_122 : memref<10240x16xf32, #tpu.memory_space<vmem_shared>>)
      %dma_wait3A_123 = arith.constant 0 : i32
      %dma_wait3A_124 = tpu.memref_slice %arg5[%add3A_73, %dma_wait3A_123] : memref<160x128xi32, #tpu.memory_space<vmem>> -> memref<1x128xi32, #tpu.memory_space<vmem>>
      %dma_wait3A_125 = tpu.memref_squeeze %dma_wait3A_124 : memref<1x128xi32, #tpu.memory_space<vmem>> -> memref<128xi32, #tpu.memory_space<vmem>>
      %dma_wait3A_126 = arith.constant 0 : i32
      %dma_wait3A_127 = arith.constant 0 : i32
      %dma_wait3A_128 = tpu.memref_slice %arg7[%dma_wait3A_126, %dma_wait3A_127] : memref<10240x16xf32, #tpu.memory_space<vmem_shared>> -> memref<10240x16xf32, #tpu.memory_space<vmem_shared>>
      tpu.wait_indirect_dma semaphore(%arg8 : memref<!tpu.dma_semaphore, #tpu.memory_space<semaphore_mem>>) src(%arg6 : memref<128x16xf32, #tpu.memory_space<vmem>>) dst(%dma_wait3A_128 : memref<10240x16xf32, #tpu.memory_space<vmem_shared>>)
      %dma_wait3A_129 = arith.constant 0 : i32
      %dma_wait3A_130 = tpu.memref_slice %arg5[%add3A_81, %dma_wait3A_129] : memref<160x128xi32, #tpu.memory_space<vmem>> -> memref<1x128xi32, #tpu.memory_space<vmem>>
      %dma_wait3A_131 = tpu.memref_squeeze %dma_wait3A_130 : memref<1x128xi32, #tpu.memory_space<vmem>> -> memref<128xi32, #tpu.memory_space<vmem>>
      %dma_wait3A_132 = arith.constant 0 : i32
      %dma_wait3A_133 = arith.constant 0 : i32
      %dma_wait3A_134 = tpu.memref_slice %arg7[%dma_wait3A_132, %dma_wait3A_133] : memref<10240x16xf32, #tpu.memory_space<vmem_shared>> -> memref<10240x16xf32, #tpu.memory_space<vmem_shared>>
      tpu.wait_indirect_dma semaphore(%arg8 : memref<!tpu.dma_semaphore, #tpu.memory_space<semaphore_mem>>) src(%arg6 : memref<128x16xf32, #tpu.memory_space<vmem>>) dst(%dma_wait3A_134 : memref<10240x16xf32, #tpu.memory_space<vmem_shared>>)
    }
    %scan3A_17 = arith.constant 20 : i32
    %barrier3A_18 = arith.constant 0 : index
    tpu.barrier barrier_id(%barrier3A_18)
    %mul3A_19 = arith.constant 10240 : i32
    %mul3A_20 = arith.muli %arg0, %mul3A_19 : i32
    %add3A_21 = arith.addi %mul3A_20, %mul3A_0 : i32
    "tpu.region"() ({
      %run_scoped3A = tpu.sem_alloc : memref<!tpu.dma_semaphore, #tpu.memory_space<semaphore_mem>>
      %dma_start3A = arith.constant 0 : i32
      %dma_start3A_22 = tpu.memref_slice %arg4[%add3A_21, %dma_start3A] : memref<20480x16xf32, #tpu.memory_space<hbm>> -> memref<640x16xf32, #tpu.memory_space<hbm>>
      %dma_start3A_23 = arith.constant 0 : i32
      %dma_start3A_24 = tpu.memref_slice %arg7[%mul3A_0, %dma_start3A_23] : memref<10240x16xf32, #tpu.memory_space<vmem_shared>> -> memref<640x16xf32, #tpu.memory_space<vmem_shared>>
      tpu.enqueue_dma source(%dma_start3A_24 : memref<640x16xf32, #tpu.memory_space<vmem_shared>>) target(%dma_start3A_22 : memref<640x16xf32, #tpu.memory_space<hbm>>) target_semaphore(%run_scoped3A : memref<!tpu.dma_semaphore, #tpu.memory_space<semaphore_mem>>)
      %dma_wait3A = arith.constant 0 : i32
      %dma_wait3A_25 = tpu.memref_slice %arg4[%add3A_21, %dma_wait3A] : memref<20480x16xf32, #tpu.memory_space<hbm>> -> memref<640x16xf32, #tpu.memory_space<hbm>>
      %dma_wait3A_26 = arith.constant 0 : i32
      %dma_wait3A_27 = tpu.memref_slice %arg7[%mul3A_0, %dma_wait3A_26] : memref<10240x16xf32, #tpu.memory_space<vmem_shared>> -> memref<640x16xf32, #tpu.memory_space<vmem_shared>>
      tpu.wait_dma2 semaphore(%run_scoped3A : memref<!tpu.dma_semaphore, #tpu.memory_space<semaphore_mem>>) src(%dma_wait3A_27 : memref<640x16xf32, #tpu.memory_space<vmem_shared>>) dst(%dma_wait3A_25 : memref<640x16xf32, #tpu.memory_space<hbm>>)
      tpu.yield
    }) : () -> ()
    return
  }
}

#map = affine_map<(d0, d1) -> (0, 0, 0, 0)>
#map1 = affine_map<(d0, d1) -> (0, 0)>
module attributes {stable_mosaic.version = 14 : i64} {
  func.func @agg_kernel(%arg0: i32, %arg1: i32, %arg2: memref<32x8x40x64xi32, #tpu.memory_space<hbm>>, %arg3: memref<32x8x40x64xi32, #tpu.memory_space<hbm>>, %arg4: memref<10240x128xf32, #tpu.memory_space<hbm>>, %arg5: memref<20480x128xf32, #tpu.memory_space<hbm>>, %arg6: memref<40x64xi32, #tpu.memory_space<vmem>>, %arg7: memref<40x64xi32, #tpu.memory_space<vmem>>, %arg8: memref<64x128xf32, #tpu.memory_space<vmem>>, %arg9: memref<64x128xf32, #tpu.memory_space<vmem>>, %arg10: memref<64x128xf32, #tpu.memory_space<vmem>>, %arg11: memref<64x128xf32, #tpu.memory_space<vmem>>, %arg12: memref<64x128xf32, #tpu.memory_space<vmem>>, %arg13: memref<10240x128xf32, #tpu.memory_space<vmem_shared>>, %arg14: memref<!tpu.dma_semaphore, #tpu.memory_space<semaphore_mem>>, %arg15: memref<!tpu.dma_semaphore, #tpu.memory_space<semaphore_mem>>) attributes {dimension_semantics = [#tpu.dimension_semantics<core_parallel>, #tpu.dimension_semantics<subcore_parallel>], iteration_bounds = array<i64: 2, 16>, scalar_prefetch = 0 : i64, scratch_operands = 10 : i64, tpu.core_type = #tpu.core_type<sc_vector_subcore>, window_params = [{transform_indices = #map}, {transform_indices = #map}, {transform_indices = #map1}, {transform_indices = #map1}]} {
    %mul3A = arith.constant 16 : i32
    %mul3A_0 = arith.muli %arg0, %mul3A : i32
    %add3A = arith.addi %mul3A_0, %arg1 : i32
    %mul3A_1 = arith.constant 640 : i32
    %mul3A_2 = arith.muli %arg1, %mul3A_1 : i32
    "tpu.region"() ({
      %run_scoped3A = tpu.sem_alloc : memref<!tpu.dma_semaphore, #tpu.memory_space<semaphore_mem>>
      %dma_start3A = arith.constant 0 : i32
      %dma_start3A_12 = tpu.memref_slice %arg13[%mul3A_2, %dma_start3A] : memref<10240x128xf32, #tpu.memory_space<vmem_shared>> -> memref<640x128xf32, #tpu.memory_space<vmem_shared>>
      %dma_start3A_13 = arith.constant 0 : i32
      %dma_start3A_14 = tpu.memref_slice %arg4[%mul3A_2, %dma_start3A_13] : memref<10240x128xf32, #tpu.memory_space<hbm>> -> memref<640x128xf32, #tpu.memory_space<hbm>>
      tpu.enqueue_dma source(%dma_start3A_14 : memref<640x128xf32, #tpu.memory_space<hbm>>) target(%dma_start3A_12 : memref<640x128xf32, #tpu.memory_space<vmem_shared>>) target_semaphore(%run_scoped3A : memref<!tpu.dma_semaphore, #tpu.memory_space<semaphore_mem>>)
      %dma_wait3A = arith.constant 0 : i32
      %dma_wait3A_15 = tpu.memref_slice %arg13[%mul3A_2, %dma_wait3A] : memref<10240x128xf32, #tpu.memory_space<vmem_shared>> -> memref<640x128xf32, #tpu.memory_space<vmem_shared>>
      %dma_wait3A_16 = arith.constant 0 : i32
      %dma_wait3A_17 = tpu.memref_slice %arg4[%mul3A_2, %dma_wait3A_16] : memref<10240x128xf32, #tpu.memory_space<hbm>> -> memref<640x128xf32, #tpu.memory_space<hbm>>
      tpu.wait_dma2 semaphore(%run_scoped3A : memref<!tpu.dma_semaphore, #tpu.memory_space<semaphore_mem>>) src(%dma_wait3A_17 : memref<640x128xf32, #tpu.memory_space<hbm>>) dst(%dma_wait3A_15 : memref<640x128xf32, #tpu.memory_space<vmem_shared>>)
      tpu.yield
    }) : () -> ()
    %barrier3A = arith.constant 0 : index
    tpu.barrier barrier_id(%barrier3A)
    %scan3A = arith.constant 0 : i32
    %scan3A_3 = arith.constant 0 : i32
    %scan3A_4 = arith.constant 8 : i32
    %scan3A_5 = arith.addi %scan3A_3, %scan3A_4 : i32
    %scan3A_6 = arith.constant 1 : i32
    scf.for %scan3A_12 = %scan3A_3 to %scan3A_5 step %scan3A_6  : i32 {
      "tpu.region"() ({
        %run_scoped3A = tpu.sem_alloc : memref<!tpu.dma_semaphore, #tpu.memory_space<semaphore_mem>>
        %dma_start3A = arith.constant 0 : i32
        %dma_start3A_19 = arith.constant 0 : i32
        %dma_start3A_20 = tpu.memref_slice %arg2[%add3A, %scan3A_12, %dma_start3A, %dma_start3A_19] : memref<32x8x40x64xi32, #tpu.memory_space<hbm>> -> memref<1x1x40x64xi32, #tpu.memory_space<hbm>>
        %dma_start3A_21 = tpu.memref_squeeze %dma_start3A_20 : memref<1x1x40x64xi32, #tpu.memory_space<hbm>> -> memref<40x64xi32, #tpu.memory_space<hbm>>
        %dma_start3A_22 = arith.constant 0 : i32
        %dma_start3A_23 = arith.constant 0 : i32
        %dma_start3A_24 = tpu.memref_slice %arg2[%add3A, %scan3A_12, %dma_start3A_22, %dma_start3A_23] : memref<32x8x40x64xi32, #tpu.memory_space<hbm>> -> memref<1x1x40x64xi32, #tpu.memory_space<hbm>>
        %dma_start3A_25 = tpu.memref_squeeze %dma_start3A_24 : memref<1x1x40x64xi32, #tpu.memory_space<hbm>> -> memref<40x64xi32, #tpu.memory_space<hbm>>
        tpu.enqueue_dma source(%dma_start3A_25 : memref<40x64xi32, #tpu.memory_space<hbm>>) target(%arg6 : memref<40x64xi32, #tpu.memory_space<vmem>>) target_semaphore(%run_scoped3A : memref<!tpu.dma_semaphore, #tpu.memory_space<semaphore_mem>>)
        %dma_wait3A = arith.constant 0 : i32
        %dma_wait3A_26 = arith.constant 0 : i32
        %dma_wait3A_27 = tpu.memref_slice %arg2[%add3A, %scan3A_12, %dma_wait3A, %dma_wait3A_26] : memref<32x8x40x64xi32, #tpu.memory_space<hbm>> -> memref<1x1x40x64xi32, #tpu.memory_space<hbm>>
        %dma_wait3A_28 = tpu.memref_squeeze %dma_wait3A_27 : memref<1x1x40x64xi32, #tpu.memory_space<hbm>> -> memref<40x64xi32, #tpu.memory_space<hbm>>
        %dma_wait3A_29 = arith.constant 0 : i32
        %dma_wait3A_30 = arith.constant 0 : i32
        %dma_wait3A_31 = tpu.memref_slice %arg2[%add3A, %scan3A_12, %dma_wait3A_29, %dma_wait3A_30] : memref<32x8x40x64xi32, #tpu.memory_space<hbm>> -> memref<1x1x40x64xi32, #tpu.memory_space<hbm>>
        %dma_wait3A_32 = tpu.memref_squeeze %dma_wait3A_31 : memref<1x1x40x64xi32, #tpu.memory_space<hbm>> -> memref<40x64xi32, #tpu.memory_space<hbm>>
        tpu.wait_dma2 semaphore(%run_scoped3A : memref<!tpu.dma_semaphore, #tpu.memory_space<semaphore_mem>>) src(%dma_wait3A_32 : memref<40x64xi32, #tpu.memory_space<hbm>>) dst(%arg6 : memref<40x64xi32, #tpu.memory_space<vmem>>)
        tpu.yield
      }) : () -> ()
      "tpu.region"() ({
        %run_scoped3A = tpu.sem_alloc : memref<!tpu.dma_semaphore, #tpu.memory_space<semaphore_mem>>
        %dma_start3A = arith.constant 0 : i32
        %dma_start3A_19 = arith.constant 0 : i32
        %dma_start3A_20 = tpu.memref_slice %arg3[%add3A, %scan3A_12, %dma_start3A, %dma_start3A_19] : memref<32x8x40x64xi32, #tpu.memory_space<hbm>> -> memref<1x1x40x64xi32, #tpu.memory_space<hbm>>
        %dma_start3A_21 = tpu.memref_squeeze %dma_start3A_20 : memref<1x1x40x64xi32, #tpu.memory_space<hbm>> -> memref<40x64xi32, #tpu.memory_space<hbm>>
        %dma_start3A_22 = arith.constant 0 : i32
        %dma_start3A_23 = arith.constant 0 : i32
        %dma_start3A_24 = tpu.memref_slice %arg3[%add3A, %scan3A_12, %dma_start3A_22, %dma_start3A_23] : memref<32x8x40x64xi32, #tpu.memory_space<hbm>> -> memref<1x1x40x64xi32, #tpu.memory_space<hbm>>
        %dma_start3A_25 = tpu.memref_squeeze %dma_start3A_24 : memref<1x1x40x64xi32, #tpu.memory_space<hbm>> -> memref<40x64xi32, #tpu.memory_space<hbm>>
        tpu.enqueue_dma source(%dma_start3A_25 : memref<40x64xi32, #tpu.memory_space<hbm>>) target(%arg7 : memref<40x64xi32, #tpu.memory_space<vmem>>) target_semaphore(%run_scoped3A : memref<!tpu.dma_semaphore, #tpu.memory_space<semaphore_mem>>)
        %dma_wait3A = arith.constant 0 : i32
        %dma_wait3A_26 = arith.constant 0 : i32
        %dma_wait3A_27 = tpu.memref_slice %arg3[%add3A, %scan3A_12, %dma_wait3A, %dma_wait3A_26] : memref<32x8x40x64xi32, #tpu.memory_space<hbm>> -> memref<1x1x40x64xi32, #tpu.memory_space<hbm>>
        %dma_wait3A_28 = tpu.memref_squeeze %dma_wait3A_27 : memref<1x1x40x64xi32, #tpu.memory_space<hbm>> -> memref<40x64xi32, #tpu.memory_space<hbm>>
        %dma_wait3A_29 = arith.constant 0 : i32
        %dma_wait3A_30 = arith.constant 0 : i32
        %dma_wait3A_31 = tpu.memref_slice %arg3[%add3A, %scan3A_12, %dma_wait3A_29, %dma_wait3A_30] : memref<32x8x40x64xi32, #tpu.memory_space<hbm>> -> memref<1x1x40x64xi32, #tpu.memory_space<hbm>>
        %dma_wait3A_32 = tpu.memref_squeeze %dma_wait3A_31 : memref<1x1x40x64xi32, #tpu.memory_space<hbm>> -> memref<40x64xi32, #tpu.memory_space<hbm>>
        tpu.wait_dma2 semaphore(%run_scoped3A : memref<!tpu.dma_semaphore, #tpu.memory_space<semaphore_mem>>) src(%dma_wait3A_32 : memref<40x64xi32, #tpu.memory_space<hbm>>) dst(%arg7 : memref<40x64xi32, #tpu.memory_space<vmem>>)
        tpu.yield
      }) : () -> ()
      %scan3A_13 = arith.constant 0 : i32
      %scan3A_14 = arith.constant 0 : i32
      %scan3A_15 = arith.constant 8 : i32
      %scan3A_16 = arith.addi %scan3A_14, %scan3A_15 : i32
      %scan3A_17 = arith.constant 1 : i32
      scf.for %scan3A_19 = %scan3A_14 to %scan3A_16 step %scan3A_17  : i32 {
        %mul3A_20 = arith.constant 5 : i32
        %mul3A_21 = arith.muli %scan3A_19, %mul3A_20 : i32
        %add3A_22 = arith.constant 0 : i32
        %add3A_23 = arith.addi %mul3A_21, %add3A_22 : i32
        %dma_start3A = arith.constant 0 : i32
        %dma_start3A_24 = tpu.memref_slice %arg6[%add3A_23, %dma_start3A] : memref<40x64xi32, #tpu.memory_space<vmem>> -> memref<1x64xi32, #tpu.memory_space<vmem>>
        %dma_start3A_25 = tpu.memref_squeeze %dma_start3A_24 : memref<1x64xi32, #tpu.memory_space<vmem>> -> memref<64xi32, #tpu.memory_space<vmem>>
        %dma_start3A_26 = arith.constant 0 : i32
        %dma_start3A_27 = arith.constant 0 : i32
        %dma_start3A_28 = tpu.memref_slice %arg4[%dma_start3A_26, %dma_start3A_27] : memref<10240x128xf32, #tpu.memory_space<hbm>> -> memref<10240x128xf32, #tpu.memory_space<hbm>>
        tpu.enqueue_indirect_dma source(%dma_start3A_28 : memref<10240x128xf32, #tpu.memory_space<hbm>>) target(%arg8 : memref<64x128xf32, #tpu.memory_space<vmem>>) offsets(%dma_start3A_25 : memref<64xi32, #tpu.memory_space<vmem>>) semaphore(%arg14 : memref<!tpu.dma_semaphore, #tpu.memory_space<semaphore_mem>>)
        %add3A_29 = arith.constant 1 : i32
        %add3A_30 = arith.addi %mul3A_21, %add3A_29 : i32
        %dma_start3A_31 = arith.constant 0 : i32
        %dma_start3A_32 = tpu.memref_slice %arg6[%add3A_30, %dma_start3A_31] : memref<40x64xi32, #tpu.memory_space<vmem>> -> memref<1x64xi32, #tpu.memory_space<vmem>>
        %dma_start3A_33 = tpu.memref_squeeze %dma_start3A_32 : memref<1x64xi32, #tpu.memory_space<vmem>> -> memref<64xi32, #tpu.memory_space<vmem>>
        %dma_start3A_34 = arith.constant 0 : i32
        %dma_start3A_35 = arith.constant 0 : i32
        %dma_start3A_36 = tpu.memref_slice %arg4[%dma_start3A_34, %dma_start3A_35] : memref<10240x128xf32, #tpu.memory_space<hbm>> -> memref<10240x128xf32, #tpu.memory_space<hbm>>
        tpu.enqueue_indirect_dma source(%dma_start3A_36 : memref<10240x128xf32, #tpu.memory_space<hbm>>) target(%arg9 : memref<64x128xf32, #tpu.memory_space<vmem>>) offsets(%dma_start3A_33 : memref<64xi32, #tpu.memory_space<vmem>>) semaphore(%arg14 : memref<!tpu.dma_semaphore, #tpu.memory_space<semaphore_mem>>)
        %add3A_37 = arith.constant 2 : i32
        %add3A_38 = arith.addi %mul3A_21, %add3A_37 : i32
        %dma_start3A_39 = arith.constant 0 : i32
        %dma_start3A_40 = tpu.memref_slice %arg6[%add3A_38, %dma_start3A_39] : memref<40x64xi32, #tpu.memory_space<vmem>> -> memref<1x64xi32, #tpu.memory_space<vmem>>
        %dma_start3A_41 = tpu.memref_squeeze %dma_start3A_40 : memref<1x64xi32, #tpu.memory_space<vmem>> -> memref<64xi32, #tpu.memory_space<vmem>>
        %dma_start3A_42 = arith.constant 0 : i32
        %dma_start3A_43 = arith.constant 0 : i32
        %dma_start3A_44 = tpu.memref_slice %arg4[%dma_start3A_42, %dma_start3A_43] : memref<10240x128xf32, #tpu.memory_space<hbm>> -> memref<10240x128xf32, #tpu.memory_space<hbm>>
        tpu.enqueue_indirect_dma source(%dma_start3A_44 : memref<10240x128xf32, #tpu.memory_space<hbm>>) target(%arg10 : memref<64x128xf32, #tpu.memory_space<vmem>>) offsets(%dma_start3A_41 : memref<64xi32, #tpu.memory_space<vmem>>) semaphore(%arg14 : memref<!tpu.dma_semaphore, #tpu.memory_space<semaphore_mem>>)
        %add3A_45 = arith.constant 3 : i32
        %add3A_46 = arith.addi %mul3A_21, %add3A_45 : i32
        %dma_start3A_47 = arith.constant 0 : i32
        %dma_start3A_48 = tpu.memref_slice %arg6[%add3A_46, %dma_start3A_47] : memref<40x64xi32, #tpu.memory_space<vmem>> -> memref<1x64xi32, #tpu.memory_space<vmem>>
        %dma_start3A_49 = tpu.memref_squeeze %dma_start3A_48 : memref<1x64xi32, #tpu.memory_space<vmem>> -> memref<64xi32, #tpu.memory_space<vmem>>
        %dma_start3A_50 = arith.constant 0 : i32
        %dma_start3A_51 = arith.constant 0 : i32
        %dma_start3A_52 = tpu.memref_slice %arg4[%dma_start3A_50, %dma_start3A_51] : memref<10240x128xf32, #tpu.memory_space<hbm>> -> memref<10240x128xf32, #tpu.memory_space<hbm>>
        tpu.enqueue_indirect_dma source(%dma_start3A_52 : memref<10240x128xf32, #tpu.memory_space<hbm>>) target(%arg11 : memref<64x128xf32, #tpu.memory_space<vmem>>) offsets(%dma_start3A_49 : memref<64xi32, #tpu.memory_space<vmem>>) semaphore(%arg14 : memref<!tpu.dma_semaphore, #tpu.memory_space<semaphore_mem>>)
        %add3A_53 = arith.constant 4 : i32
        %add3A_54 = arith.addi %mul3A_21, %add3A_53 : i32
        %dma_start3A_55 = arith.constant 0 : i32
        %dma_start3A_56 = tpu.memref_slice %arg6[%add3A_54, %dma_start3A_55] : memref<40x64xi32, #tpu.memory_space<vmem>> -> memref<1x64xi32, #tpu.memory_space<vmem>>
        %dma_start3A_57 = tpu.memref_squeeze %dma_start3A_56 : memref<1x64xi32, #tpu.memory_space<vmem>> -> memref<64xi32, #tpu.memory_space<vmem>>
        %dma_start3A_58 = arith.constant 0 : i32
        %dma_start3A_59 = arith.constant 0 : i32
        %dma_start3A_60 = tpu.memref_slice %arg4[%dma_start3A_58, %dma_start3A_59] : memref<10240x128xf32, #tpu.memory_space<hbm>> -> memref<10240x128xf32, #tpu.memory_space<hbm>>
        tpu.enqueue_indirect_dma source(%dma_start3A_60 : memref<10240x128xf32, #tpu.memory_space<hbm>>) target(%arg12 : memref<64x128xf32, #tpu.memory_space<vmem>>) offsets(%dma_start3A_57 : memref<64xi32, #tpu.memory_space<vmem>>) semaphore(%arg14 : memref<!tpu.dma_semaphore, #tpu.memory_space<semaphore_mem>>)
        %dma_wait3A = arith.constant 0 : i32
        %dma_wait3A_61 = tpu.memref_slice %arg6[%add3A_23, %dma_wait3A] : memref<40x64xi32, #tpu.memory_space<vmem>> -> memref<1x64xi32, #tpu.memory_space<vmem>>
        %dma_wait3A_62 = tpu.memref_squeeze %dma_wait3A_61 : memref<1x64xi32, #tpu.memory_space<vmem>> -> memref<64xi32, #tpu.memory_space<vmem>>
        %dma_wait3A_63 = arith.constant 0 : i32
        %dma_wait3A_64 = arith.constant 0 : i32
        %dma_wait3A_65 = tpu.memref_slice %arg4[%dma_wait3A_63, %dma_wait3A_64] : memref<10240x128xf32, #tpu.memory_space<hbm>> -> memref<10240x128xf32, #tpu.memory_space<hbm>>
        tpu.wait_indirect_dma semaphore(%arg14 : memref<!tpu.dma_semaphore, #tpu.memory_space<semaphore_mem>>) src(%dma_wait3A_65 : memref<10240x128xf32, #tpu.memory_space<hbm>>) dst(%arg8 : memref<64x128xf32, #tpu.memory_space<vmem>>)
        %dma_wait3A_66 = arith.constant 0 : i32
        %dma_wait3A_67 = tpu.memref_slice %arg6[%add3A_30, %dma_wait3A_66] : memref<40x64xi32, #tpu.memory_space<vmem>> -> memref<1x64xi32, #tpu.memory_space<vmem>>
        %dma_wait3A_68 = tpu.memref_squeeze %dma_wait3A_67 : memref<1x64xi32, #tpu.memory_space<vmem>> -> memref<64xi32, #tpu.memory_space<vmem>>
        %dma_wait3A_69 = arith.constant 0 : i32
        %dma_wait3A_70 = arith.constant 0 : i32
        %dma_wait3A_71 = tpu.memref_slice %arg4[%dma_wait3A_69, %dma_wait3A_70] : memref<10240x128xf32, #tpu.memory_space<hbm>> -> memref<10240x128xf32, #tpu.memory_space<hbm>>
        tpu.wait_indirect_dma semaphore(%arg14 : memref<!tpu.dma_semaphore, #tpu.memory_space<semaphore_mem>>) src(%dma_wait3A_71 : memref<10240x128xf32, #tpu.memory_space<hbm>>) dst(%arg9 : memref<64x128xf32, #tpu.memory_space<vmem>>)
        %dma_wait3A_72 = arith.constant 0 : i32
        %dma_wait3A_73 = tpu.memref_slice %arg6[%add3A_38, %dma_wait3A_72] : memref<40x64xi32, #tpu.memory_space<vmem>> -> memref<1x64xi32, #tpu.memory_space<vmem>>
        %dma_wait3A_74 = tpu.memref_squeeze %dma_wait3A_73 : memref<1x64xi32, #tpu.memory_space<vmem>> -> memref<64xi32, #tpu.memory_space<vmem>>
        %dma_wait3A_75 = arith.constant 0 : i32
        %dma_wait3A_76 = arith.constant 0 : i32
        %dma_wait3A_77 = tpu.memref_slice %arg4[%dma_wait3A_75, %dma_wait3A_76] : memref<10240x128xf32, #tpu.memory_space<hbm>> -> memref<10240x128xf32, #tpu.memory_space<hbm>>
        tpu.wait_indirect_dma semaphore(%arg14 : memref<!tpu.dma_semaphore, #tpu.memory_space<semaphore_mem>>) src(%dma_wait3A_77 : memref<10240x128xf32, #tpu.memory_space<hbm>>) dst(%arg10 : memref<64x128xf32, #tpu.memory_space<vmem>>)
        %dma_wait3A_78 = arith.constant 0 : i32
        %dma_wait3A_79 = tpu.memref_slice %arg6[%add3A_46, %dma_wait3A_78] : memref<40x64xi32, #tpu.memory_space<vmem>> -> memref<1x64xi32, #tpu.memory_space<vmem>>
        %dma_wait3A_80 = tpu.memref_squeeze %dma_wait3A_79 : memref<1x64xi32, #tpu.memory_space<vmem>> -> memref<64xi32, #tpu.memory_space<vmem>>
        %dma_wait3A_81 = arith.constant 0 : i32
        %dma_wait3A_82 = arith.constant 0 : i32
        %dma_wait3A_83 = tpu.memref_slice %arg4[%dma_wait3A_81, %dma_wait3A_82] : memref<10240x128xf32, #tpu.memory_space<hbm>> -> memref<10240x128xf32, #tpu.memory_space<hbm>>
        tpu.wait_indirect_dma semaphore(%arg14 : memref<!tpu.dma_semaphore, #tpu.memory_space<semaphore_mem>>) src(%dma_wait3A_83 : memref<10240x128xf32, #tpu.memory_space<hbm>>) dst(%arg11 : memref<64x128xf32, #tpu.memory_space<vmem>>)
        %dma_wait3A_84 = arith.constant 0 : i32
        %dma_wait3A_85 = tpu.memref_slice %arg6[%add3A_54, %dma_wait3A_84] : memref<40x64xi32, #tpu.memory_space<vmem>> -> memref<1x64xi32, #tpu.memory_space<vmem>>
        %dma_wait3A_86 = tpu.memref_squeeze %dma_wait3A_85 : memref<1x64xi32, #tpu.memory_space<vmem>> -> memref<64xi32, #tpu.memory_space<vmem>>
        %dma_wait3A_87 = arith.constant 0 : i32
        %dma_wait3A_88 = arith.constant 0 : i32
        %dma_wait3A_89 = tpu.memref_slice %arg4[%dma_wait3A_87, %dma_wait3A_88] : memref<10240x128xf32, #tpu.memory_space<hbm>> -> memref<10240x128xf32, #tpu.memory_space<hbm>>
        tpu.wait_indirect_dma semaphore(%arg14 : memref<!tpu.dma_semaphore, #tpu.memory_space<semaphore_mem>>) src(%dma_wait3A_89 : memref<10240x128xf32, #tpu.memory_space<hbm>>) dst(%arg12 : memref<64x128xf32, #tpu.memory_space<vmem>>)
        %add3A_90 = arith.constant 0 : i32
        %add3A_91 = arith.addi %mul3A_21, %add3A_90 : i32
        %dma_start3A_92 = arith.constant 0 : i32
        %dma_start3A_93 = tpu.memref_slice %arg7[%add3A_91, %dma_start3A_92] : memref<40x64xi32, #tpu.memory_space<vmem>> -> memref<1x64xi32, #tpu.memory_space<vmem>>
        %dma_start3A_94 = tpu.memref_squeeze %dma_start3A_93 : memref<1x64xi32, #tpu.memory_space<vmem>> -> memref<64xi32, #tpu.memory_space<vmem>>
        %dma_start3A_95 = arith.constant 0 : i32
        %dma_start3A_96 = arith.constant 0 : i32
        %dma_start3A_97 = tpu.memref_slice %arg13[%dma_start3A_95, %dma_start3A_96] : memref<10240x128xf32, #tpu.memory_space<vmem_shared>> -> memref<10240x128xf32, #tpu.memory_space<vmem_shared>>
        tpu.enqueue_indirect_dma source(%arg8 : memref<64x128xf32, #tpu.memory_space<vmem>>) target(%dma_start3A_97 : memref<10240x128xf32, #tpu.memory_space<vmem_shared>>) offsets(%dma_start3A_94 : memref<64xi32, #tpu.memory_space<vmem>>) semaphore(%arg15 : memref<!tpu.dma_semaphore, #tpu.memory_space<semaphore_mem>>) {add = true}
        %add3A_98 = arith.constant 1 : i32
        %add3A_99 = arith.addi %mul3A_21, %add3A_98 : i32
        %dma_start3A_100 = arith.constant 0 : i32
        %dma_start3A_101 = tpu.memref_slice %arg7[%add3A_99, %dma_start3A_100] : memref<40x64xi32, #tpu.memory_space<vmem>> -> memref<1x64xi32, #tpu.memory_space<vmem>>
        %dma_start3A_102 = tpu.memref_squeeze %dma_start3A_101 : memref<1x64xi32, #tpu.memory_space<vmem>> -> memref<64xi32, #tpu.memory_space<vmem>>
        %dma_start3A_103 = arith.constant 0 : i32
        %dma_start3A_104 = arith.constant 0 : i32
        %dma_start3A_105 = tpu.memref_slice %arg13[%dma_start3A_103, %dma_start3A_104] : memref<10240x128xf32, #tpu.memory_space<vmem_shared>> -> memref<10240x128xf32, #tpu.memory_space<vmem_shared>>
        tpu.enqueue_indirect_dma source(%arg9 : memref<64x128xf32, #tpu.memory_space<vmem>>) target(%dma_start3A_105 : memref<10240x128xf32, #tpu.memory_space<vmem_shared>>) offsets(%dma_start3A_102 : memref<64xi32, #tpu.memory_space<vmem>>) semaphore(%arg15 : memref<!tpu.dma_semaphore, #tpu.memory_space<semaphore_mem>>) {add = true}
        %add3A_106 = arith.constant 2 : i32
        %add3A_107 = arith.addi %mul3A_21, %add3A_106 : i32
        %dma_start3A_108 = arith.constant 0 : i32
        %dma_start3A_109 = tpu.memref_slice %arg7[%add3A_107, %dma_start3A_108] : memref<40x64xi32, #tpu.memory_space<vmem>> -> memref<1x64xi32, #tpu.memory_space<vmem>>
        %dma_start3A_110 = tpu.memref_squeeze %dma_start3A_109 : memref<1x64xi32, #tpu.memory_space<vmem>> -> memref<64xi32, #tpu.memory_space<vmem>>
        %dma_start3A_111 = arith.constant 0 : i32
        %dma_start3A_112 = arith.constant 0 : i32
        %dma_start3A_113 = tpu.memref_slice %arg13[%dma_start3A_111, %dma_start3A_112] : memref<10240x128xf32, #tpu.memory_space<vmem_shared>> -> memref<10240x128xf32, #tpu.memory_space<vmem_shared>>
        tpu.enqueue_indirect_dma source(%arg10 : memref<64x128xf32, #tpu.memory_space<vmem>>) target(%dma_start3A_113 : memref<10240x128xf32, #tpu.memory_space<vmem_shared>>) offsets(%dma_start3A_110 : memref<64xi32, #tpu.memory_space<vmem>>) semaphore(%arg15 : memref<!tpu.dma_semaphore, #tpu.memory_space<semaphore_mem>>) {add = true}
        %add3A_114 = arith.constant 3 : i32
        %add3A_115 = arith.addi %mul3A_21, %add3A_114 : i32
        %dma_start3A_116 = arith.constant 0 : i32
        %dma_start3A_117 = tpu.memref_slice %arg7[%add3A_115, %dma_start3A_116] : memref<40x64xi32, #tpu.memory_space<vmem>> -> memref<1x64xi32, #tpu.memory_space<vmem>>
        %dma_start3A_118 = tpu.memref_squeeze %dma_start3A_117 : memref<1x64xi32, #tpu.memory_space<vmem>> -> memref<64xi32, #tpu.memory_space<vmem>>
        %dma_start3A_119 = arith.constant 0 : i32
        %dma_start3A_120 = arith.constant 0 : i32
        %dma_start3A_121 = tpu.memref_slice %arg13[%dma_start3A_119, %dma_start3A_120] : memref<10240x128xf32, #tpu.memory_space<vmem_shared>> -> memref<10240x128xf32, #tpu.memory_space<vmem_shared>>
        tpu.enqueue_indirect_dma source(%arg11 : memref<64x128xf32, #tpu.memory_space<vmem>>) target(%dma_start3A_121 : memref<10240x128xf32, #tpu.memory_space<vmem_shared>>) offsets(%dma_start3A_118 : memref<64xi32, #tpu.memory_space<vmem>>) semaphore(%arg15 : memref<!tpu.dma_semaphore, #tpu.memory_space<semaphore_mem>>) {add = true}
        %add3A_122 = arith.constant 4 : i32
        %add3A_123 = arith.addi %mul3A_21, %add3A_122 : i32
        %dma_start3A_124 = arith.constant 0 : i32
        %dma_start3A_125 = tpu.memref_slice %arg7[%add3A_123, %dma_start3A_124] : memref<40x64xi32, #tpu.memory_space<vmem>> -> memref<1x64xi32, #tpu.memory_space<vmem>>
        %dma_start3A_126 = tpu.memref_squeeze %dma_start3A_125 : memref<1x64xi32, #tpu.memory_space<vmem>> -> memref<64xi32, #tpu.memory_space<vmem>>
        %dma_start3A_127 = arith.constant 0 : i32
        %dma_start3A_128 = arith.constant 0 : i32
        %dma_start3A_129 = tpu.memref_slice %arg13[%dma_start3A_127, %dma_start3A_128] : memref<10240x128xf32, #tpu.memory_space<vmem_shared>> -> memref<10240x128xf32, #tpu.memory_space<vmem_shared>>
        tpu.enqueue_indirect_dma source(%arg12 : memref<64x128xf32, #tpu.memory_space<vmem>>) target(%dma_start3A_129 : memref<10240x128xf32, #tpu.memory_space<vmem_shared>>) offsets(%dma_start3A_126 : memref<64xi32, #tpu.memory_space<vmem>>) semaphore(%arg15 : memref<!tpu.dma_semaphore, #tpu.memory_space<semaphore_mem>>) {add = true}
        %dma_wait3A_130 = arith.constant 0 : i32
        %dma_wait3A_131 = tpu.memref_slice %arg7[%add3A_91, %dma_wait3A_130] : memref<40x64xi32, #tpu.memory_space<vmem>> -> memref<1x64xi32, #tpu.memory_space<vmem>>
        %dma_wait3A_132 = tpu.memref_squeeze %dma_wait3A_131 : memref<1x64xi32, #tpu.memory_space<vmem>> -> memref<64xi32, #tpu.memory_space<vmem>>
        %dma_wait3A_133 = arith.constant 0 : i32
        %dma_wait3A_134 = arith.constant 0 : i32
        %dma_wait3A_135 = tpu.memref_slice %arg13[%dma_wait3A_133, %dma_wait3A_134] : memref<10240x128xf32, #tpu.memory_space<vmem_shared>> -> memref<10240x128xf32, #tpu.memory_space<vmem_shared>>
        tpu.wait_indirect_dma semaphore(%arg15 : memref<!tpu.dma_semaphore, #tpu.memory_space<semaphore_mem>>) src(%arg8 : memref<64x128xf32, #tpu.memory_space<vmem>>) dst(%dma_wait3A_135 : memref<10240x128xf32, #tpu.memory_space<vmem_shared>>)
        %dma_wait3A_136 = arith.constant 0 : i32
        %dma_wait3A_137 = tpu.memref_slice %arg7[%add3A_99, %dma_wait3A_136] : memref<40x64xi32, #tpu.memory_space<vmem>> -> memref<1x64xi32, #tpu.memory_space<vmem>>
        %dma_wait3A_138 = tpu.memref_squeeze %dma_wait3A_137 : memref<1x64xi32, #tpu.memory_space<vmem>> -> memref<64xi32, #tpu.memory_space<vmem>>
        %dma_wait3A_139 = arith.constant 0 : i32
        %dma_wait3A_140 = arith.constant 0 : i32
        %dma_wait3A_141 = tpu.memref_slice %arg13[%dma_wait3A_139, %dma_wait3A_140] : memref<10240x128xf32, #tpu.memory_space<vmem_shared>> -> memref<10240x128xf32, #tpu.memory_space<vmem_shared>>
        tpu.wait_indirect_dma semaphore(%arg15 : memref<!tpu.dma_semaphore, #tpu.memory_space<semaphore_mem>>) src(%arg9 : memref<64x128xf32, #tpu.memory_space<vmem>>) dst(%dma_wait3A_141 : memref<10240x128xf32, #tpu.memory_space<vmem_shared>>)
        %dma_wait3A_142 = arith.constant 0 : i32
        %dma_wait3A_143 = tpu.memref_slice %arg7[%add3A_107, %dma_wait3A_142] : memref<40x64xi32, #tpu.memory_space<vmem>> -> memref<1x64xi32, #tpu.memory_space<vmem>>
        %dma_wait3A_144 = tpu.memref_squeeze %dma_wait3A_143 : memref<1x64xi32, #tpu.memory_space<vmem>> -> memref<64xi32, #tpu.memory_space<vmem>>
        %dma_wait3A_145 = arith.constant 0 : i32
        %dma_wait3A_146 = arith.constant 0 : i32
        %dma_wait3A_147 = tpu.memref_slice %arg13[%dma_wait3A_145, %dma_wait3A_146] : memref<10240x128xf32, #tpu.memory_space<vmem_shared>> -> memref<10240x128xf32, #tpu.memory_space<vmem_shared>>
        tpu.wait_indirect_dma semaphore(%arg15 : memref<!tpu.dma_semaphore, #tpu.memory_space<semaphore_mem>>) src(%arg10 : memref<64x128xf32, #tpu.memory_space<vmem>>) dst(%dma_wait3A_147 : memref<10240x128xf32, #tpu.memory_space<vmem_shared>>)
        %dma_wait3A_148 = arith.constant 0 : i32
        %dma_wait3A_149 = tpu.memref_slice %arg7[%add3A_115, %dma_wait3A_148] : memref<40x64xi32, #tpu.memory_space<vmem>> -> memref<1x64xi32, #tpu.memory_space<vmem>>
        %dma_wait3A_150 = tpu.memref_squeeze %dma_wait3A_149 : memref<1x64xi32, #tpu.memory_space<vmem>> -> memref<64xi32, #tpu.memory_space<vmem>>
        %dma_wait3A_151 = arith.constant 0 : i32
        %dma_wait3A_152 = arith.constant 0 : i32
        %dma_wait3A_153 = tpu.memref_slice %arg13[%dma_wait3A_151, %dma_wait3A_152] : memref<10240x128xf32, #tpu.memory_space<vmem_shared>> -> memref<10240x128xf32, #tpu.memory_space<vmem_shared>>
        tpu.wait_indirect_dma semaphore(%arg15 : memref<!tpu.dma_semaphore, #tpu.memory_space<semaphore_mem>>) src(%arg11 : memref<64x128xf32, #tpu.memory_space<vmem>>) dst(%dma_wait3A_153 : memref<10240x128xf32, #tpu.memory_space<vmem_shared>>)
        %dma_wait3A_154 = arith.constant 0 : i32
        %dma_wait3A_155 = tpu.memref_slice %arg7[%add3A_123, %dma_wait3A_154] : memref<40x64xi32, #tpu.memory_space<vmem>> -> memref<1x64xi32, #tpu.memory_space<vmem>>
        %dma_wait3A_156 = tpu.memref_squeeze %dma_wait3A_155 : memref<1x64xi32, #tpu.memory_space<vmem>> -> memref<64xi32, #tpu.memory_space<vmem>>
        %dma_wait3A_157 = arith.constant 0 : i32
        %dma_wait3A_158 = arith.constant 0 : i32
        %dma_wait3A_159 = tpu.memref_slice %arg13[%dma_wait3A_157, %dma_wait3A_158] : memref<10240x128xf32, #tpu.memory_space<vmem_shared>> -> memref<10240x128xf32, #tpu.memory_space<vmem_shared>>
        tpu.wait_indirect_dma semaphore(%arg15 : memref<!tpu.dma_semaphore, #tpu.memory_space<semaphore_mem>>) src(%arg12 : memref<64x128xf32, #tpu.memory_space<vmem>>) dst(%dma_wait3A_159 : memref<10240x128xf32, #tpu.memory_space<vmem_shared>>)
      }
      %scan3A_18 = arith.constant 8 : i32
    }
    %scan3A_7 = arith.constant 8 : i32
    %barrier3A_8 = arith.constant 0 : index
    tpu.barrier barrier_id(%barrier3A_8)
    %mul3A_9 = arith.constant 10240 : i32
    %mul3A_10 = arith.muli %arg0, %mul3A_9 : i32
    %add3A_11 = arith.addi %mul3A_10, %mul3A_2 : i32
    "tpu.region"() ({
      %run_scoped3A = tpu.sem_alloc : memref<!tpu.dma_semaphore, #tpu.memory_space<semaphore_mem>>
      %dma_start3A = arith.constant 0 : i32
      %dma_start3A_12 = tpu.memref_slice %arg5[%add3A_11, %dma_start3A] : memref<20480x128xf32, #tpu.memory_space<hbm>> -> memref<640x128xf32, #tpu.memory_space<hbm>>
      %dma_start3A_13 = arith.constant 0 : i32
      %dma_start3A_14 = tpu.memref_slice %arg13[%mul3A_2, %dma_start3A_13] : memref<10240x128xf32, #tpu.memory_space<vmem_shared>> -> memref<640x128xf32, #tpu.memory_space<vmem_shared>>
      tpu.enqueue_dma source(%dma_start3A_14 : memref<640x128xf32, #tpu.memory_space<vmem_shared>>) target(%dma_start3A_12 : memref<640x128xf32, #tpu.memory_space<hbm>>) target_semaphore(%run_scoped3A : memref<!tpu.dma_semaphore, #tpu.memory_space<semaphore_mem>>)
      %dma_wait3A = arith.constant 0 : i32
      %dma_wait3A_15 = tpu.memref_slice %arg5[%add3A_11, %dma_wait3A] : memref<20480x128xf32, #tpu.memory_space<hbm>> -> memref<640x128xf32, #tpu.memory_space<hbm>>
      %dma_wait3A_16 = arith.constant 0 : i32
      %dma_wait3A_17 = tpu.memref_slice %arg13[%mul3A_2, %dma_wait3A_16] : memref<10240x128xf32, #tpu.memory_space<vmem_shared>> -> memref<640x128xf32, #tpu.memory_space<vmem_shared>>
      tpu.wait_dma2 semaphore(%run_scoped3A : memref<!tpu.dma_semaphore, #tpu.memory_space<semaphore_mem>>) src(%dma_wait3A_17 : memref<640x128xf32, #tpu.memory_space<vmem_shared>>) dst(%dma_wait3A_15 : memref<640x128xf32, #tpu.memory_space<hbm>>)
      tpu.yield
    }) : () -> ()
    return
  }
}

#map = affine_map<(d0, d1) -> (0, 0, 0, 0)>
#map1 = affine_map<(d0, d1) -> (0, 0)>
module attributes {stable_mosaic.version = 14 : i64} {
  func.func @agg_kernel(%arg0: i32, %arg1: i32, %arg2: memref<32x8x40x64xi32, #tpu.memory_space<hbm>>, %arg3: memref<32x8x40x64xi32, #tpu.memory_space<hbm>>, %arg4: memref<10240x128xf32, #tpu.memory_space<hbm>>, %arg5: memref<20480x128xf32, #tpu.memory_space<hbm>>, %arg6: memref<40x64xi32, #tpu.memory_space<vmem>>, %arg7: memref<40x64xi32, #tpu.memory_space<vmem>>, %arg8: memref<64x128xf32, #tpu.memory_space<vmem>>, %arg9: memref<64x128xf32, #tpu.memory_space<vmem>>, %arg10: memref<64x128xf32, #tpu.memory_space<vmem>>, %arg11: memref<64x128xf32, #tpu.memory_space<vmem>>, %arg12: memref<64x128xf32, #tpu.memory_space<vmem>>, %arg13: memref<10240x128xf32, #tpu.memory_space<vmem_shared>>, %arg14: memref<!tpu.dma_semaphore, #tpu.memory_space<semaphore_mem>>, %arg15: memref<!tpu.dma_semaphore, #tpu.memory_space<semaphore_mem>>) attributes {dimension_semantics = [#tpu.dimension_semantics<core_parallel>, #tpu.dimension_semantics<subcore_parallel>], iteration_bounds = array<i64: 2, 16>, scalar_prefetch = 0 : i64, scratch_operands = 10 : i64, tpu.core_type = #tpu.core_type<sc_vector_subcore>, window_params = [{transform_indices = #map}, {transform_indices = #map}, {transform_indices = #map1}, {transform_indices = #map1}]} {
    %mul3A = arith.constant 16 : i32
    %mul3A_0 = arith.muli %arg0, %mul3A : i32
    %add3A = arith.addi %mul3A_0, %arg1 : i32
    %mul3A_1 = arith.constant 640 : i32
    %mul3A_2 = arith.muli %arg1, %mul3A_1 : i32
    "tpu.region"() ({
      %run_scoped3A = tpu.sem_alloc : memref<!tpu.dma_semaphore, #tpu.memory_space<semaphore_mem>>
      %dma_start3A = arith.constant 0 : i32
      %dma_start3A_12 = tpu.memref_slice %arg13[%mul3A_2, %dma_start3A] : memref<10240x128xf32, #tpu.memory_space<vmem_shared>> -> memref<640x128xf32, #tpu.memory_space<vmem_shared>>
      %dma_start3A_13 = arith.constant 0 : i32
      %dma_start3A_14 = tpu.memref_slice %arg4[%mul3A_2, %dma_start3A_13] : memref<10240x128xf32, #tpu.memory_space<hbm>> -> memref<640x128xf32, #tpu.memory_space<hbm>>
      tpu.enqueue_dma source(%dma_start3A_14 : memref<640x128xf32, #tpu.memory_space<hbm>>) target(%dma_start3A_12 : memref<640x128xf32, #tpu.memory_space<vmem_shared>>) target_semaphore(%run_scoped3A : memref<!tpu.dma_semaphore, #tpu.memory_space<semaphore_mem>>)
      %dma_wait3A = arith.constant 0 : i32
      %dma_wait3A_15 = tpu.memref_slice %arg13[%mul3A_2, %dma_wait3A] : memref<10240x128xf32, #tpu.memory_space<vmem_shared>> -> memref<640x128xf32, #tpu.memory_space<vmem_shared>>
      %dma_wait3A_16 = arith.constant 0 : i32
      %dma_wait3A_17 = tpu.memref_slice %arg4[%mul3A_2, %dma_wait3A_16] : memref<10240x128xf32, #tpu.memory_space<hbm>> -> memref<640x128xf32, #tpu.memory_space<hbm>>
      tpu.wait_dma2 semaphore(%run_scoped3A : memref<!tpu.dma_semaphore, #tpu.memory_space<semaphore_mem>>) src(%dma_wait3A_17 : memref<640x128xf32, #tpu.memory_space<hbm>>) dst(%dma_wait3A_15 : memref<640x128xf32, #tpu.memory_space<vmem_shared>>)
      tpu.yield
    }) : () -> ()
    %barrier3A = arith.constant 0 : index
    tpu.barrier barrier_id(%barrier3A)
    %scan3A = arith.constant 0 : i32
    %scan3A_3 = arith.constant 0 : i32
    %scan3A_4 = arith.constant 8 : i32
    %scan3A_5 = arith.addi %scan3A_3, %scan3A_4 : i32
    %scan3A_6 = arith.constant 1 : i32
    scf.for %scan3A_12 = %scan3A_3 to %scan3A_5 step %scan3A_6  : i32 {
      "tpu.region"() ({
        %run_scoped3A = tpu.sem_alloc : memref<!tpu.dma_semaphore, #tpu.memory_space<semaphore_mem>>
        %dma_start3A = arith.constant 0 : i32
        %dma_start3A_19 = arith.constant 0 : i32
        %dma_start3A_20 = tpu.memref_slice %arg2[%add3A, %scan3A_12, %dma_start3A, %dma_start3A_19] : memref<32x8x40x64xi32, #tpu.memory_space<hbm>> -> memref<1x1x40x64xi32, #tpu.memory_space<hbm>>
        %dma_start3A_21 = tpu.memref_squeeze %dma_start3A_20 : memref<1x1x40x64xi32, #tpu.memory_space<hbm>> -> memref<40x64xi32, #tpu.memory_space<hbm>>
        %dma_start3A_22 = arith.constant 0 : i32
        %dma_start3A_23 = arith.constant 0 : i32
        %dma_start3A_24 = tpu.memref_slice %arg2[%add3A, %scan3A_12, %dma_start3A_22, %dma_start3A_23] : memref<32x8x40x64xi32, #tpu.memory_space<hbm>> -> memref<1x1x40x64xi32, #tpu.memory_space<hbm>>
        %dma_start3A_25 = tpu.memref_squeeze %dma_start3A_24 : memref<1x1x40x64xi32, #tpu.memory_space<hbm>> -> memref<40x64xi32, #tpu.memory_space<hbm>>
        tpu.enqueue_dma source(%dma_start3A_25 : memref<40x64xi32, #tpu.memory_space<hbm>>) target(%arg6 : memref<40x64xi32, #tpu.memory_space<vmem>>) target_semaphore(%run_scoped3A : memref<!tpu.dma_semaphore, #tpu.memory_space<semaphore_mem>>)
        %dma_wait3A = arith.constant 0 : i32
        %dma_wait3A_26 = arith.constant 0 : i32
        %dma_wait3A_27 = tpu.memref_slice %arg2[%add3A, %scan3A_12, %dma_wait3A, %dma_wait3A_26] : memref<32x8x40x64xi32, #tpu.memory_space<hbm>> -> memref<1x1x40x64xi32, #tpu.memory_space<hbm>>
        %dma_wait3A_28 = tpu.memref_squeeze %dma_wait3A_27 : memref<1x1x40x64xi32, #tpu.memory_space<hbm>> -> memref<40x64xi32, #tpu.memory_space<hbm>>
        %dma_wait3A_29 = arith.constant 0 : i32
        %dma_wait3A_30 = arith.constant 0 : i32
        %dma_wait3A_31 = tpu.memref_slice %arg2[%add3A, %scan3A_12, %dma_wait3A_29, %dma_wait3A_30] : memref<32x8x40x64xi32, #tpu.memory_space<hbm>> -> memref<1x1x40x64xi32, #tpu.memory_space<hbm>>
        %dma_wait3A_32 = tpu.memref_squeeze %dma_wait3A_31 : memref<1x1x40x64xi32, #tpu.memory_space<hbm>> -> memref<40x64xi32, #tpu.memory_space<hbm>>
        tpu.wait_dma2 semaphore(%run_scoped3A : memref<!tpu.dma_semaphore, #tpu.memory_space<semaphore_mem>>) src(%dma_wait3A_32 : memref<40x64xi32, #tpu.memory_space<hbm>>) dst(%arg6 : memref<40x64xi32, #tpu.memory_space<vmem>>)
        tpu.yield
      }) : () -> ()
      "tpu.region"() ({
        %run_scoped3A = tpu.sem_alloc : memref<!tpu.dma_semaphore, #tpu.memory_space<semaphore_mem>>
        %dma_start3A = arith.constant 0 : i32
        %dma_start3A_19 = arith.constant 0 : i32
        %dma_start3A_20 = tpu.memref_slice %arg3[%add3A, %scan3A_12, %dma_start3A, %dma_start3A_19] : memref<32x8x40x64xi32, #tpu.memory_space<hbm>> -> memref<1x1x40x64xi32, #tpu.memory_space<hbm>>
        %dma_start3A_21 = tpu.memref_squeeze %dma_start3A_20 : memref<1x1x40x64xi32, #tpu.memory_space<hbm>> -> memref<40x64xi32, #tpu.memory_space<hbm>>
        %dma_start3A_22 = arith.constant 0 : i32
        %dma_start3A_23 = arith.constant 0 : i32
        %dma_start3A_24 = tpu.memref_slice %arg3[%add3A, %scan3A_12, %dma_start3A_22, %dma_start3A_23] : memref<32x8x40x64xi32, #tpu.memory_space<hbm>> -> memref<1x1x40x64xi32, #tpu.memory_space<hbm>>
        %dma_start3A_25 = tpu.memref_squeeze %dma_start3A_24 : memref<1x1x40x64xi32, #tpu.memory_space<hbm>> -> memref<40x64xi32, #tpu.memory_space<hbm>>
        tpu.enqueue_dma source(%dma_start3A_25 : memref<40x64xi32, #tpu.memory_space<hbm>>) target(%arg7 : memref<40x64xi32, #tpu.memory_space<vmem>>) target_semaphore(%run_scoped3A : memref<!tpu.dma_semaphore, #tpu.memory_space<semaphore_mem>>)
        %dma_wait3A = arith.constant 0 : i32
        %dma_wait3A_26 = arith.constant 0 : i32
        %dma_wait3A_27 = tpu.memref_slice %arg3[%add3A, %scan3A_12, %dma_wait3A, %dma_wait3A_26] : memref<32x8x40x64xi32, #tpu.memory_space<hbm>> -> memref<1x1x40x64xi32, #tpu.memory_space<hbm>>
        %dma_wait3A_28 = tpu.memref_squeeze %dma_wait3A_27 : memref<1x1x40x64xi32, #tpu.memory_space<hbm>> -> memref<40x64xi32, #tpu.memory_space<hbm>>
        %dma_wait3A_29 = arith.constant 0 : i32
        %dma_wait3A_30 = arith.constant 0 : i32
        %dma_wait3A_31 = tpu.memref_slice %arg3[%add3A, %scan3A_12, %dma_wait3A_29, %dma_wait3A_30] : memref<32x8x40x64xi32, #tpu.memory_space<hbm>> -> memref<1x1x40x64xi32, #tpu.memory_space<hbm>>
        %dma_wait3A_32 = tpu.memref_squeeze %dma_wait3A_31 : memref<1x1x40x64xi32, #tpu.memory_space<hbm>> -> memref<40x64xi32, #tpu.memory_space<hbm>>
        tpu.wait_dma2 semaphore(%run_scoped3A : memref<!tpu.dma_semaphore, #tpu.memory_space<semaphore_mem>>) src(%dma_wait3A_32 : memref<40x64xi32, #tpu.memory_space<hbm>>) dst(%arg7 : memref<40x64xi32, #tpu.memory_space<vmem>>)
        tpu.yield
      }) : () -> ()
      %scan3A_13 = arith.constant 0 : i32
      %scan3A_14 = arith.constant 0 : i32
      %scan3A_15 = arith.constant 8 : i32
      %scan3A_16 = arith.addi %scan3A_14, %scan3A_15 : i32
      %scan3A_17 = arith.constant 1 : i32
      scf.for %scan3A_19 = %scan3A_14 to %scan3A_16 step %scan3A_17  : i32 {
        %mul3A_20 = arith.constant 5 : i32
        %mul3A_21 = arith.muli %scan3A_19, %mul3A_20 : i32
        %add3A_22 = arith.constant 0 : i32
        %add3A_23 = arith.addi %mul3A_21, %add3A_22 : i32
        %dma_start3A = arith.constant 0 : i32
        %dma_start3A_24 = tpu.memref_slice %arg6[%add3A_23, %dma_start3A] : memref<40x64xi32, #tpu.memory_space<vmem>> -> memref<1x64xi32, #tpu.memory_space<vmem>>
        %dma_start3A_25 = tpu.memref_squeeze %dma_start3A_24 : memref<1x64xi32, #tpu.memory_space<vmem>> -> memref<64xi32, #tpu.memory_space<vmem>>
        %dma_start3A_26 = arith.constant 0 : i32
        %dma_start3A_27 = arith.constant 0 : i32
        %dma_start3A_28 = tpu.memref_slice %arg4[%dma_start3A_26, %dma_start3A_27] : memref<10240x128xf32, #tpu.memory_space<hbm>> -> memref<10240x128xf32, #tpu.memory_space<hbm>>
        tpu.enqueue_indirect_dma source(%dma_start3A_28 : memref<10240x128xf32, #tpu.memory_space<hbm>>) target(%arg8 : memref<64x128xf32, #tpu.memory_space<vmem>>) offsets(%dma_start3A_25 : memref<64xi32, #tpu.memory_space<vmem>>) semaphore(%arg14 : memref<!tpu.dma_semaphore, #tpu.memory_space<semaphore_mem>>)
        %add3A_29 = arith.constant 1 : i32
        %add3A_30 = arith.addi %mul3A_21, %add3A_29 : i32
        %dma_start3A_31 = arith.constant 0 : i32
        %dma_start3A_32 = tpu.memref_slice %arg6[%add3A_30, %dma_start3A_31] : memref<40x64xi32, #tpu.memory_space<vmem>> -> memref<1x64xi32, #tpu.memory_space<vmem>>
        %dma_start3A_33 = tpu.memref_squeeze %dma_start3A_32 : memref<1x64xi32, #tpu.memory_space<vmem>> -> memref<64xi32, #tpu.memory_space<vmem>>
        %dma_start3A_34 = arith.constant 0 : i32
        %dma_start3A_35 = arith.constant 0 : i32
        %dma_start3A_36 = tpu.memref_slice %arg4[%dma_start3A_34, %dma_start3A_35] : memref<10240x128xf32, #tpu.memory_space<hbm>> -> memref<10240x128xf32, #tpu.memory_space<hbm>>
        tpu.enqueue_indirect_dma source(%dma_start3A_36 : memref<10240x128xf32, #tpu.memory_space<hbm>>) target(%arg9 : memref<64x128xf32, #tpu.memory_space<vmem>>) offsets(%dma_start3A_33 : memref<64xi32, #tpu.memory_space<vmem>>) semaphore(%arg14 : memref<!tpu.dma_semaphore, #tpu.memory_space<semaphore_mem>>)
        %add3A_37 = arith.constant 2 : i32
        %add3A_38 = arith.addi %mul3A_21, %add3A_37 : i32
        %dma_start3A_39 = arith.constant 0 : i32
        %dma_start3A_40 = tpu.memref_slice %arg6[%add3A_38, %dma_start3A_39] : memref<40x64xi32, #tpu.memory_space<vmem>> -> memref<1x64xi32, #tpu.memory_space<vmem>>
        %dma_start3A_41 = tpu.memref_squeeze %dma_start3A_40 : memref<1x64xi32, #tpu.memory_space<vmem>> -> memref<64xi32, #tpu.memory_space<vmem>>
        %dma_start3A_42 = arith.constant 0 : i32
        %dma_start3A_43 = arith.constant 0 : i32
        %dma_start3A_44 = tpu.memref_slice %arg4[%dma_start3A_42, %dma_start3A_43] : memref<10240x128xf32, #tpu.memory_space<hbm>> -> memref<10240x128xf32, #tpu.memory_space<hbm>>
        tpu.enqueue_indirect_dma source(%dma_start3A_44 : memref<10240x128xf32, #tpu.memory_space<hbm>>) target(%arg10 : memref<64x128xf32, #tpu.memory_space<vmem>>) offsets(%dma_start3A_41 : memref<64xi32, #tpu.memory_space<vmem>>) semaphore(%arg14 : memref<!tpu.dma_semaphore, #tpu.memory_space<semaphore_mem>>)
        %add3A_45 = arith.constant 3 : i32
        %add3A_46 = arith.addi %mul3A_21, %add3A_45 : i32
        %dma_start3A_47 = arith.constant 0 : i32
        %dma_start3A_48 = tpu.memref_slice %arg6[%add3A_46, %dma_start3A_47] : memref<40x64xi32, #tpu.memory_space<vmem>> -> memref<1x64xi32, #tpu.memory_space<vmem>>
        %dma_start3A_49 = tpu.memref_squeeze %dma_start3A_48 : memref<1x64xi32, #tpu.memory_space<vmem>> -> memref<64xi32, #tpu.memory_space<vmem>>
        %dma_start3A_50 = arith.constant 0 : i32
        %dma_start3A_51 = arith.constant 0 : i32
        %dma_start3A_52 = tpu.memref_slice %arg4[%dma_start3A_50, %dma_start3A_51] : memref<10240x128xf32, #tpu.memory_space<hbm>> -> memref<10240x128xf32, #tpu.memory_space<hbm>>
        tpu.enqueue_indirect_dma source(%dma_start3A_52 : memref<10240x128xf32, #tpu.memory_space<hbm>>) target(%arg11 : memref<64x128xf32, #tpu.memory_space<vmem>>) offsets(%dma_start3A_49 : memref<64xi32, #tpu.memory_space<vmem>>) semaphore(%arg14 : memref<!tpu.dma_semaphore, #tpu.memory_space<semaphore_mem>>)
        %add3A_53 = arith.constant 4 : i32
        %add3A_54 = arith.addi %mul3A_21, %add3A_53 : i32
        %dma_start3A_55 = arith.constant 0 : i32
        %dma_start3A_56 = tpu.memref_slice %arg6[%add3A_54, %dma_start3A_55] : memref<40x64xi32, #tpu.memory_space<vmem>> -> memref<1x64xi32, #tpu.memory_space<vmem>>
        %dma_start3A_57 = tpu.memref_squeeze %dma_start3A_56 : memref<1x64xi32, #tpu.memory_space<vmem>> -> memref<64xi32, #tpu.memory_space<vmem>>
        %dma_start3A_58 = arith.constant 0 : i32
        %dma_start3A_59 = arith.constant 0 : i32
        %dma_start3A_60 = tpu.memref_slice %arg4[%dma_start3A_58, %dma_start3A_59] : memref<10240x128xf32, #tpu.memory_space<hbm>> -> memref<10240x128xf32, #tpu.memory_space<hbm>>
        tpu.enqueue_indirect_dma source(%dma_start3A_60 : memref<10240x128xf32, #tpu.memory_space<hbm>>) target(%arg12 : memref<64x128xf32, #tpu.memory_space<vmem>>) offsets(%dma_start3A_57 : memref<64xi32, #tpu.memory_space<vmem>>) semaphore(%arg14 : memref<!tpu.dma_semaphore, #tpu.memory_space<semaphore_mem>>)
        %dma_wait3A = arith.constant 0 : i32
        %dma_wait3A_61 = tpu.memref_slice %arg6[%add3A_23, %dma_wait3A] : memref<40x64xi32, #tpu.memory_space<vmem>> -> memref<1x64xi32, #tpu.memory_space<vmem>>
        %dma_wait3A_62 = tpu.memref_squeeze %dma_wait3A_61 : memref<1x64xi32, #tpu.memory_space<vmem>> -> memref<64xi32, #tpu.memory_space<vmem>>
        %dma_wait3A_63 = arith.constant 0 : i32
        %dma_wait3A_64 = arith.constant 0 : i32
        %dma_wait3A_65 = tpu.memref_slice %arg4[%dma_wait3A_63, %dma_wait3A_64] : memref<10240x128xf32, #tpu.memory_space<hbm>> -> memref<10240x128xf32, #tpu.memory_space<hbm>>
        tpu.wait_indirect_dma semaphore(%arg14 : memref<!tpu.dma_semaphore, #tpu.memory_space<semaphore_mem>>) src(%dma_wait3A_65 : memref<10240x128xf32, #tpu.memory_space<hbm>>) dst(%arg8 : memref<64x128xf32, #tpu.memory_space<vmem>>)
        %dma_wait3A_66 = arith.constant 0 : i32
        %dma_wait3A_67 = tpu.memref_slice %arg6[%add3A_30, %dma_wait3A_66] : memref<40x64xi32, #tpu.memory_space<vmem>> -> memref<1x64xi32, #tpu.memory_space<vmem>>
        %dma_wait3A_68 = tpu.memref_squeeze %dma_wait3A_67 : memref<1x64xi32, #tpu.memory_space<vmem>> -> memref<64xi32, #tpu.memory_space<vmem>>
        %dma_wait3A_69 = arith.constant 0 : i32
        %dma_wait3A_70 = arith.constant 0 : i32
        %dma_wait3A_71 = tpu.memref_slice %arg4[%dma_wait3A_69, %dma_wait3A_70] : memref<10240x128xf32, #tpu.memory_space<hbm>> -> memref<10240x128xf32, #tpu.memory_space<hbm>>
        tpu.wait_indirect_dma semaphore(%arg14 : memref<!tpu.dma_semaphore, #tpu.memory_space<semaphore_mem>>) src(%dma_wait3A_71 : memref<10240x128xf32, #tpu.memory_space<hbm>>) dst(%arg9 : memref<64x128xf32, #tpu.memory_space<vmem>>)
        %dma_wait3A_72 = arith.constant 0 : i32
        %dma_wait3A_73 = tpu.memref_slice %arg6[%add3A_38, %dma_wait3A_72] : memref<40x64xi32, #tpu.memory_space<vmem>> -> memref<1x64xi32, #tpu.memory_space<vmem>>
        %dma_wait3A_74 = tpu.memref_squeeze %dma_wait3A_73 : memref<1x64xi32, #tpu.memory_space<vmem>> -> memref<64xi32, #tpu.memory_space<vmem>>
        %dma_wait3A_75 = arith.constant 0 : i32
        %dma_wait3A_76 = arith.constant 0 : i32
        %dma_wait3A_77 = tpu.memref_slice %arg4[%dma_wait3A_75, %dma_wait3A_76] : memref<10240x128xf32, #tpu.memory_space<hbm>> -> memref<10240x128xf32, #tpu.memory_space<hbm>>
        tpu.wait_indirect_dma semaphore(%arg14 : memref<!tpu.dma_semaphore, #tpu.memory_space<semaphore_mem>>) src(%dma_wait3A_77 : memref<10240x128xf32, #tpu.memory_space<hbm>>) dst(%arg10 : memref<64x128xf32, #tpu.memory_space<vmem>>)
        %dma_wait3A_78 = arith.constant 0 : i32
        %dma_wait3A_79 = tpu.memref_slice %arg6[%add3A_46, %dma_wait3A_78] : memref<40x64xi32, #tpu.memory_space<vmem>> -> memref<1x64xi32, #tpu.memory_space<vmem>>
        %dma_wait3A_80 = tpu.memref_squeeze %dma_wait3A_79 : memref<1x64xi32, #tpu.memory_space<vmem>> -> memref<64xi32, #tpu.memory_space<vmem>>
        %dma_wait3A_81 = arith.constant 0 : i32
        %dma_wait3A_82 = arith.constant 0 : i32
        %dma_wait3A_83 = tpu.memref_slice %arg4[%dma_wait3A_81, %dma_wait3A_82] : memref<10240x128xf32, #tpu.memory_space<hbm>> -> memref<10240x128xf32, #tpu.memory_space<hbm>>
        tpu.wait_indirect_dma semaphore(%arg14 : memref<!tpu.dma_semaphore, #tpu.memory_space<semaphore_mem>>) src(%dma_wait3A_83 : memref<10240x128xf32, #tpu.memory_space<hbm>>) dst(%arg11 : memref<64x128xf32, #tpu.memory_space<vmem>>)
        %dma_wait3A_84 = arith.constant 0 : i32
        %dma_wait3A_85 = tpu.memref_slice %arg6[%add3A_54, %dma_wait3A_84] : memref<40x64xi32, #tpu.memory_space<vmem>> -> memref<1x64xi32, #tpu.memory_space<vmem>>
        %dma_wait3A_86 = tpu.memref_squeeze %dma_wait3A_85 : memref<1x64xi32, #tpu.memory_space<vmem>> -> memref<64xi32, #tpu.memory_space<vmem>>
        %dma_wait3A_87 = arith.constant 0 : i32
        %dma_wait3A_88 = arith.constant 0 : i32
        %dma_wait3A_89 = tpu.memref_slice %arg4[%dma_wait3A_87, %dma_wait3A_88] : memref<10240x128xf32, #tpu.memory_space<hbm>> -> memref<10240x128xf32, #tpu.memory_space<hbm>>
        tpu.wait_indirect_dma semaphore(%arg14 : memref<!tpu.dma_semaphore, #tpu.memory_space<semaphore_mem>>) src(%dma_wait3A_89 : memref<10240x128xf32, #tpu.memory_space<hbm>>) dst(%arg12 : memref<64x128xf32, #tpu.memory_space<vmem>>)
        %add3A_90 = arith.constant 0 : i32
        %add3A_91 = arith.addi %mul3A_21, %add3A_90 : i32
        %dma_start3A_92 = arith.constant 0 : i32
        %dma_start3A_93 = tpu.memref_slice %arg7[%add3A_91, %dma_start3A_92] : memref<40x64xi32, #tpu.memory_space<vmem>> -> memref<1x64xi32, #tpu.memory_space<vmem>>
        %dma_start3A_94 = tpu.memref_squeeze %dma_start3A_93 : memref<1x64xi32, #tpu.memory_space<vmem>> -> memref<64xi32, #tpu.memory_space<vmem>>
        %dma_start3A_95 = arith.constant 0 : i32
        %dma_start3A_96 = arith.constant 0 : i32
        %dma_start3A_97 = tpu.memref_slice %arg13[%dma_start3A_95, %dma_start3A_96] : memref<10240x128xf32, #tpu.memory_space<vmem_shared>> -> memref<10240x128xf32, #tpu.memory_space<vmem_shared>>
        tpu.enqueue_indirect_dma source(%arg8 : memref<64x128xf32, #tpu.memory_space<vmem>>) target(%dma_start3A_97 : memref<10240x128xf32, #tpu.memory_space<vmem_shared>>) offsets(%dma_start3A_94 : memref<64xi32, #tpu.memory_space<vmem>>) semaphore(%arg15 : memref<!tpu.dma_semaphore, #tpu.memory_space<semaphore_mem>>) {add = true}
        %add3A_98 = arith.constant 1 : i32
        %add3A_99 = arith.addi %mul3A_21, %add3A_98 : i32
        %dma_start3A_100 = arith.constant 0 : i32
        %dma_start3A_101 = tpu.memref_slice %arg7[%add3A_99, %dma_start3A_100] : memref<40x64xi32, #tpu.memory_space<vmem>> -> memref<1x64xi32, #tpu.memory_space<vmem>>
        %dma_start3A_102 = tpu.memref_squeeze %dma_start3A_101 : memref<1x64xi32, #tpu.memory_space<vmem>> -> memref<64xi32, #tpu.memory_space<vmem>>
        %dma_start3A_103 = arith.constant 0 : i32
        %dma_start3A_104 = arith.constant 0 : i32
        %dma_start3A_105 = tpu.memref_slice %arg13[%dma_start3A_103, %dma_start3A_104] : memref<10240x128xf32, #tpu.memory_space<vmem_shared>> -> memref<10240x128xf32, #tpu.memory_space<vmem_shared>>
        tpu.enqueue_indirect_dma source(%arg9 : memref<64x128xf32, #tpu.memory_space<vmem>>) target(%dma_start3A_105 : memref<10240x128xf32, #tpu.memory_space<vmem_shared>>) offsets(%dma_start3A_102 : memref<64xi32, #tpu.memory_space<vmem>>) semaphore(%arg15 : memref<!tpu.dma_semaphore, #tpu.memory_space<semaphore_mem>>) {add = true}
        %add3A_106 = arith.constant 2 : i32
        %add3A_107 = arith.addi %mul3A_21, %add3A_106 : i32
        %dma_start3A_108 = arith.constant 0 : i32
        %dma_start3A_109 = tpu.memref_slice %arg7[%add3A_107, %dma_start3A_108] : memref<40x64xi32, #tpu.memory_space<vmem>> -> memref<1x64xi32, #tpu.memory_space<vmem>>
        %dma_start3A_110 = tpu.memref_squeeze %dma_start3A_109 : memref<1x64xi32, #tpu.memory_space<vmem>> -> memref<64xi32, #tpu.memory_space<vmem>>
        %dma_start3A_111 = arith.constant 0 : i32
        %dma_start3A_112 = arith.constant 0 : i32
        %dma_start3A_113 = tpu.memref_slice %arg13[%dma_start3A_111, %dma_start3A_112] : memref<10240x128xf32, #tpu.memory_space<vmem_shared>> -> memref<10240x128xf32, #tpu.memory_space<vmem_shared>>
        tpu.enqueue_indirect_dma source(%arg10 : memref<64x128xf32, #tpu.memory_space<vmem>>) target(%dma_start3A_113 : memref<10240x128xf32, #tpu.memory_space<vmem_shared>>) offsets(%dma_start3A_110 : memref<64xi32, #tpu.memory_space<vmem>>) semaphore(%arg15 : memref<!tpu.dma_semaphore, #tpu.memory_space<semaphore_mem>>) {add = true}
        %add3A_114 = arith.constant 3 : i32
        %add3A_115 = arith.addi %mul3A_21, %add3A_114 : i32
        %dma_start3A_116 = arith.constant 0 : i32
        %dma_start3A_117 = tpu.memref_slice %arg7[%add3A_115, %dma_start3A_116] : memref<40x64xi32, #tpu.memory_space<vmem>> -> memref<1x64xi32, #tpu.memory_space<vmem>>
        %dma_start3A_118 = tpu.memref_squeeze %dma_start3A_117 : memref<1x64xi32, #tpu.memory_space<vmem>> -> memref<64xi32, #tpu.memory_space<vmem>>
        %dma_start3A_119 = arith.constant 0 : i32
        %dma_start3A_120 = arith.constant 0 : i32
        %dma_start3A_121 = tpu.memref_slice %arg13[%dma_start3A_119, %dma_start3A_120] : memref<10240x128xf32, #tpu.memory_space<vmem_shared>> -> memref<10240x128xf32, #tpu.memory_space<vmem_shared>>
        tpu.enqueue_indirect_dma source(%arg11 : memref<64x128xf32, #tpu.memory_space<vmem>>) target(%dma_start3A_121 : memref<10240x128xf32, #tpu.memory_space<vmem_shared>>) offsets(%dma_start3A_118 : memref<64xi32, #tpu.memory_space<vmem>>) semaphore(%arg15 : memref<!tpu.dma_semaphore, #tpu.memory_space<semaphore_mem>>) {add = true}
        %add3A_122 = arith.constant 4 : i32
        %add3A_123 = arith.addi %mul3A_21, %add3A_122 : i32
        %dma_start3A_124 = arith.constant 0 : i32
        %dma_start3A_125 = tpu.memref_slice %arg7[%add3A_123, %dma_start3A_124] : memref<40x64xi32, #tpu.memory_space<vmem>> -> memref<1x64xi32, #tpu.memory_space<vmem>>
        %dma_start3A_126 = tpu.memref_squeeze %dma_start3A_125 : memref<1x64xi32, #tpu.memory_space<vmem>> -> memref<64xi32, #tpu.memory_space<vmem>>
        %dma_start3A_127 = arith.constant 0 : i32
        %dma_start3A_128 = arith.constant 0 : i32
        %dma_start3A_129 = tpu.memref_slice %arg13[%dma_start3A_127, %dma_start3A_128] : memref<10240x128xf32, #tpu.memory_space<vmem_shared>> -> memref<10240x128xf32, #tpu.memory_space<vmem_shared>>
        tpu.enqueue_indirect_dma source(%arg12 : memref<64x128xf32, #tpu.memory_space<vmem>>) target(%dma_start3A_129 : memref<10240x128xf32, #tpu.memory_space<vmem_shared>>) offsets(%dma_start3A_126 : memref<64xi32, #tpu.memory_space<vmem>>) semaphore(%arg15 : memref<!tpu.dma_semaphore, #tpu.memory_space<semaphore_mem>>) {add = true}
        %dma_wait3A_130 = arith.constant 0 : i32
        %dma_wait3A_131 = tpu.memref_slice %arg7[%add3A_91, %dma_wait3A_130] : memref<40x64xi32, #tpu.memory_space<vmem>> -> memref<1x64xi32, #tpu.memory_space<vmem>>
        %dma_wait3A_132 = tpu.memref_squeeze %dma_wait3A_131 : memref<1x64xi32, #tpu.memory_space<vmem>> -> memref<64xi32, #tpu.memory_space<vmem>>
        %dma_wait3A_133 = arith.constant 0 : i32
        %dma_wait3A_134 = arith.constant 0 : i32
        %dma_wait3A_135 = tpu.memref_slice %arg13[%dma_wait3A_133, %dma_wait3A_134] : memref<10240x128xf32, #tpu.memory_space<vmem_shared>> -> memref<10240x128xf32, #tpu.memory_space<vmem_shared>>
        tpu.wait_indirect_dma semaphore(%arg15 : memref<!tpu.dma_semaphore, #tpu.memory_space<semaphore_mem>>) src(%arg8 : memref<64x128xf32, #tpu.memory_space<vmem>>) dst(%dma_wait3A_135 : memref<10240x128xf32, #tpu.memory_space<vmem_shared>>)
        %dma_wait3A_136 = arith.constant 0 : i32
        %dma_wait3A_137 = tpu.memref_slice %arg7[%add3A_99, %dma_wait3A_136] : memref<40x64xi32, #tpu.memory_space<vmem>> -> memref<1x64xi32, #tpu.memory_space<vmem>>
        %dma_wait3A_138 = tpu.memref_squeeze %dma_wait3A_137 : memref<1x64xi32, #tpu.memory_space<vmem>> -> memref<64xi32, #tpu.memory_space<vmem>>
        %dma_wait3A_139 = arith.constant 0 : i32
        %dma_wait3A_140 = arith.constant 0 : i32
        %dma_wait3A_141 = tpu.memref_slice %arg13[%dma_wait3A_139, %dma_wait3A_140] : memref<10240x128xf32, #tpu.memory_space<vmem_shared>> -> memref<10240x128xf32, #tpu.memory_space<vmem_shared>>
        tpu.wait_indirect_dma semaphore(%arg15 : memref<!tpu.dma_semaphore, #tpu.memory_space<semaphore_mem>>) src(%arg9 : memref<64x128xf32, #tpu.memory_space<vmem>>) dst(%dma_wait3A_141 : memref<10240x128xf32, #tpu.memory_space<vmem_shared>>)
        %dma_wait3A_142 = arith.constant 0 : i32
        %dma_wait3A_143 = tpu.memref_slice %arg7[%add3A_107, %dma_wait3A_142] : memref<40x64xi32, #tpu.memory_space<vmem>> -> memref<1x64xi32, #tpu.memory_space<vmem>>
        %dma_wait3A_144 = tpu.memref_squeeze %dma_wait3A_143 : memref<1x64xi32, #tpu.memory_space<vmem>> -> memref<64xi32, #tpu.memory_space<vmem>>
        %dma_wait3A_145 = arith.constant 0 : i32
        %dma_wait3A_146 = arith.constant 0 : i32
        %dma_wait3A_147 = tpu.memref_slice %arg13[%dma_wait3A_145, %dma_wait3A_146] : memref<10240x128xf32, #tpu.memory_space<vmem_shared>> -> memref<10240x128xf32, #tpu.memory_space<vmem_shared>>
        tpu.wait_indirect_dma semaphore(%arg15 : memref<!tpu.dma_semaphore, #tpu.memory_space<semaphore_mem>>) src(%arg10 : memref<64x128xf32, #tpu.memory_space<vmem>>) dst(%dma_wait3A_147 : memref<10240x128xf32, #tpu.memory_space<vmem_shared>>)
        %dma_wait3A_148 = arith.constant 0 : i32
        %dma_wait3A_149 = tpu.memref_slice %arg7[%add3A_115, %dma_wait3A_148] : memref<40x64xi32, #tpu.memory_space<vmem>> -> memref<1x64xi32, #tpu.memory_space<vmem>>
        %dma_wait3A_150 = tpu.memref_squeeze %dma_wait3A_149 : memref<1x64xi32, #tpu.memory_space<vmem>> -> memref<64xi32, #tpu.memory_space<vmem>>
        %dma_wait3A_151 = arith.constant 0 : i32
        %dma_wait3A_152 = arith.constant 0 : i32
        %dma_wait3A_153 = tpu.memref_slice %arg13[%dma_wait3A_151, %dma_wait3A_152] : memref<10240x128xf32, #tpu.memory_space<vmem_shared>> -> memref<10240x128xf32, #tpu.memory_space<vmem_shared>>
        tpu.wait_indirect_dma semaphore(%arg15 : memref<!tpu.dma_semaphore, #tpu.memory_space<semaphore_mem>>) src(%arg11 : memref<64x128xf32, #tpu.memory_space<vmem>>) dst(%dma_wait3A_153 : memref<10240x128xf32, #tpu.memory_space<vmem_shared>>)
        %dma_wait3A_154 = arith.constant 0 : i32
        %dma_wait3A_155 = tpu.memref_slice %arg7[%add3A_123, %dma_wait3A_154] : memref<40x64xi32, #tpu.memory_space<vmem>> -> memref<1x64xi32, #tpu.memory_space<vmem>>
        %dma_wait3A_156 = tpu.memref_squeeze %dma_wait3A_155 : memref<1x64xi32, #tpu.memory_space<vmem>> -> memref<64xi32, #tpu.memory_space<vmem>>
        %dma_wait3A_157 = arith.constant 0 : i32
        %dma_wait3A_158 = arith.constant 0 : i32
        %dma_wait3A_159 = tpu.memref_slice %arg13[%dma_wait3A_157, %dma_wait3A_158] : memref<10240x128xf32, #tpu.memory_space<vmem_shared>> -> memref<10240x128xf32, #tpu.memory_space<vmem_shared>>
        tpu.wait_indirect_dma semaphore(%arg15 : memref<!tpu.dma_semaphore, #tpu.memory_space<semaphore_mem>>) src(%arg12 : memref<64x128xf32, #tpu.memory_space<vmem>>) dst(%dma_wait3A_159 : memref<10240x128xf32, #tpu.memory_space<vmem_shared>>)
      }
      %scan3A_18 = arith.constant 8 : i32
    }
    %scan3A_7 = arith.constant 8 : i32
    %barrier3A_8 = arith.constant 0 : index
    tpu.barrier barrier_id(%barrier3A_8)
    %mul3A_9 = arith.constant 10240 : i32
    %mul3A_10 = arith.muli %arg0, %mul3A_9 : i32
    %add3A_11 = arith.addi %mul3A_10, %mul3A_2 : i32
    "tpu.region"() ({
      %run_scoped3A = tpu.sem_alloc : memref<!tpu.dma_semaphore, #tpu.memory_space<semaphore_mem>>
      %dma_start3A = arith.constant 0 : i32
      %dma_start3A_12 = tpu.memref_slice %arg5[%add3A_11, %dma_start3A] : memref<20480x128xf32, #tpu.memory_space<hbm>> -> memref<640x128xf32, #tpu.memory_space<hbm>>
      %dma_start3A_13 = arith.constant 0 : i32
      %dma_start3A_14 = tpu.memref_slice %arg13[%mul3A_2, %dma_start3A_13] : memref<10240x128xf32, #tpu.memory_space<vmem_shared>> -> memref<640x128xf32, #tpu.memory_space<vmem_shared>>
      tpu.enqueue_dma source(%dma_start3A_14 : memref<640x128xf32, #tpu.memory_space<vmem_shared>>) target(%dma_start3A_12 : memref<640x128xf32, #tpu.memory_space<hbm>>) target_semaphore(%run_scoped3A : memref<!tpu.dma_semaphore, #tpu.memory_space<semaphore_mem>>)
      %dma_wait3A = arith.constant 0 : i32
      %dma_wait3A_15 = tpu.memref_slice %arg5[%add3A_11, %dma_wait3A] : memref<20480x128xf32, #tpu.memory_space<hbm>> -> memref<640x128xf32, #tpu.memory_space<hbm>>
      %dma_wait3A_16 = arith.constant 0 : i32
      %dma_wait3A_17 = tpu.memref_slice %arg13[%mul3A_2, %dma_wait3A_16] : memref<10240x128xf32, #tpu.memory_space<vmem_shared>> -> memref<640x128xf32, #tpu.memory_space<vmem_shared>>
      tpu.wait_dma2 semaphore(%run_scoped3A : memref<!tpu.dma_semaphore, #tpu.memory_space<semaphore_mem>>) src(%dma_wait3A_17 : memref<640x128xf32, #tpu.memory_space<vmem_shared>>) dst(%dma_wait3A_15 : memref<640x128xf32, #tpu.memory_space<hbm>>)
      tpu.yield
    }) : () -> ()
    return
  }
}

#map = affine_map<(d0, d1) -> (0, 0, 0, 0)>
#map1 = affine_map<(d0, d1) -> (0, 0)>
module attributes {stable_mosaic.version = 14 : i64} {
  func.func @agg_kernel(%arg0: i32, %arg1: i32, %arg2: memref<32x1x160x128xi32, #tpu.memory_space<hbm>>, %arg3: memref<32x1x160x128xi32, #tpu.memory_space<hbm>>, %arg4: memref<10240x16xf32, #tpu.memory_space<hbm>>, %arg5: memref<20480x16xf32, #tpu.memory_space<hbm>>, %arg6: memref<160x128xi32, #tpu.memory_space<vmem>>, %arg7: memref<160x128xi32, #tpu.memory_space<vmem>>, %arg8: memref<128x16xf32, #tpu.memory_space<vmem>>, %arg9: memref<128x16xf32, #tpu.memory_space<vmem>>, %arg10: memref<128x16xf32, #tpu.memory_space<vmem>>, %arg11: memref<128x16xf32, #tpu.memory_space<vmem>>, %arg12: memref<128x16xf32, #tpu.memory_space<vmem>>, %arg13: memref<128x16xf32, #tpu.memory_space<vmem>>, %arg14: memref<128x16xf32, #tpu.memory_space<vmem>>, %arg15: memref<128x16xf32, #tpu.memory_space<vmem>>, %arg16: memref<10240x16xf32, #tpu.memory_space<vmem_shared>>, %arg17: memref<!tpu.dma_semaphore, #tpu.memory_space<semaphore_mem>>, %arg18: memref<!tpu.dma_semaphore, #tpu.memory_space<semaphore_mem>>) attributes {dimension_semantics = [#tpu.dimension_semantics<core_parallel>, #tpu.dimension_semantics<subcore_parallel>], iteration_bounds = array<i64: 2, 16>, scalar_prefetch = 0 : i64, scratch_operands = 13 : i64, tpu.core_type = #tpu.core_type<sc_vector_subcore>, window_params = [{transform_indices = #map}, {transform_indices = #map}, {transform_indices = #map1}, {transform_indices = #map1}]} {
    %mul3A = arith.constant 16 : i32
    %mul3A_0 = arith.muli %arg0, %mul3A : i32
    %add3A = arith.addi %mul3A_0, %arg1 : i32
    %mul3A_1 = arith.constant 640 : i32
    %mul3A_2 = arith.muli %arg1, %mul3A_1 : i32
    "tpu.region"() ({
      %run_scoped3A = tpu.sem_alloc : memref<!tpu.dma_semaphore, #tpu.memory_space<semaphore_mem>>
      %dma_start3A = arith.constant 0 : i32
      %dma_start3A_15 = tpu.memref_slice %arg16[%mul3A_2, %dma_start3A] : memref<10240x16xf32, #tpu.memory_space<vmem_shared>> -> memref<640x16xf32, #tpu.memory_space<vmem_shared>>
      %dma_start3A_16 = arith.constant 0 : i32
      %dma_start3A_17 = tpu.memref_slice %arg4[%mul3A_2, %dma_start3A_16] : memref<10240x16xf32, #tpu.memory_space<hbm>> -> memref<640x16xf32, #tpu.memory_space<hbm>>
      tpu.enqueue_dma source(%dma_start3A_17 : memref<640x16xf32, #tpu.memory_space<hbm>>) target(%dma_start3A_15 : memref<640x16xf32, #tpu.memory_space<vmem_shared>>) target_semaphore(%run_scoped3A : memref<!tpu.dma_semaphore, #tpu.memory_space<semaphore_mem>>)
      %dma_wait3A = arith.constant 0 : i32
      %dma_wait3A_18 = tpu.memref_slice %arg16[%mul3A_2, %dma_wait3A] : memref<10240x16xf32, #tpu.memory_space<vmem_shared>> -> memref<640x16xf32, #tpu.memory_space<vmem_shared>>
      %dma_wait3A_19 = arith.constant 0 : i32
      %dma_wait3A_20 = tpu.memref_slice %arg4[%mul3A_2, %dma_wait3A_19] : memref<10240x16xf32, #tpu.memory_space<hbm>> -> memref<640x16xf32, #tpu.memory_space<hbm>>
      tpu.wait_dma2 semaphore(%run_scoped3A : memref<!tpu.dma_semaphore, #tpu.memory_space<semaphore_mem>>) src(%dma_wait3A_20 : memref<640x16xf32, #tpu.memory_space<hbm>>) dst(%dma_wait3A_18 : memref<640x16xf32, #tpu.memory_space<vmem_shared>>)
      tpu.yield
    }) : () -> ()
    %barrier3A = arith.constant 0 : index
    tpu.barrier barrier_id(%barrier3A)
    %scan3A = arith.constant 0 : i32
    %scan3A_3 = arith.constant 0 : i32
    "tpu.region"() ({
      %run_scoped3A = tpu.sem_alloc : memref<!tpu.dma_semaphore, #tpu.memory_space<semaphore_mem>>
      %dma_start3A = arith.constant 0 : i32
      %dma_start3A_15 = arith.constant 0 : i32
      %dma_start3A_16 = tpu.memref_slice %arg2[%add3A, %scan3A_3, %dma_start3A, %dma_start3A_15] : memref<32x1x160x128xi32, #tpu.memory_space<hbm>> -> memref<1x1x160x128xi32, #tpu.memory_space<hbm>>
      %dma_start3A_17 = tpu.memref_squeeze %dma_start3A_16 : memref<1x1x160x128xi32, #tpu.memory_space<hbm>> -> memref<160x128xi32, #tpu.memory_space<hbm>>
      %dma_start3A_18 = arith.constant 0 : i32
      %dma_start3A_19 = arith.constant 0 : i32
      %dma_start3A_20 = tpu.memref_slice %arg2[%add3A, %scan3A_3, %dma_start3A_18, %dma_start3A_19] : memref<32x1x160x128xi32, #tpu.memory_space<hbm>> -> memref<1x1x160x128xi32, #tpu.memory_space<hbm>>
      %dma_start3A_21 = tpu.memref_squeeze %dma_start3A_20 : memref<1x1x160x128xi32, #tpu.memory_space<hbm>> -> memref<160x128xi32, #tpu.memory_space<hbm>>
      tpu.enqueue_dma source(%dma_start3A_21 : memref<160x128xi32, #tpu.memory_space<hbm>>) target(%arg6 : memref<160x128xi32, #tpu.memory_space<vmem>>) target_semaphore(%run_scoped3A : memref<!tpu.dma_semaphore, #tpu.memory_space<semaphore_mem>>)
      %dma_wait3A = arith.constant 0 : i32
      %dma_wait3A_22 = arith.constant 0 : i32
      %dma_wait3A_23 = tpu.memref_slice %arg2[%add3A, %scan3A_3, %dma_wait3A, %dma_wait3A_22] : memref<32x1x160x128xi32, #tpu.memory_space<hbm>> -> memref<1x1x160x128xi32, #tpu.memory_space<hbm>>
      %dma_wait3A_24 = tpu.memref_squeeze %dma_wait3A_23 : memref<1x1x160x128xi32, #tpu.memory_space<hbm>> -> memref<160x128xi32, #tpu.memory_space<hbm>>
      %dma_wait3A_25 = arith.constant 0 : i32
      %dma_wait3A_26 = arith.constant 0 : i32
      %dma_wait3A_27 = tpu.memref_slice %arg2[%add3A, %scan3A_3, %dma_wait3A_25, %dma_wait3A_26] : memref<32x1x160x128xi32, #tpu.memory_space<hbm>> -> memref<1x1x160x128xi32, #tpu.memory_space<hbm>>
      %dma_wait3A_28 = tpu.memref_squeeze %dma_wait3A_27 : memref<1x1x160x128xi32, #tpu.memory_space<hbm>> -> memref<160x128xi32, #tpu.memory_space<hbm>>
      tpu.wait_dma2 semaphore(%run_scoped3A : memref<!tpu.dma_semaphore, #tpu.memory_space<semaphore_mem>>) src(%dma_wait3A_28 : memref<160x128xi32, #tpu.memory_space<hbm>>) dst(%arg6 : memref<160x128xi32, #tpu.memory_space<vmem>>)
      tpu.yield
    }) : () -> ()
    "tpu.region"() ({
      %run_scoped3A = tpu.sem_alloc : memref<!tpu.dma_semaphore, #tpu.memory_space<semaphore_mem>>
      %dma_start3A = arith.constant 0 : i32
      %dma_start3A_15 = arith.constant 0 : i32
      %dma_start3A_16 = tpu.memref_slice %arg3[%add3A, %scan3A_3, %dma_start3A, %dma_start3A_15] : memref<32x1x160x128xi32, #tpu.memory_space<hbm>> -> memref<1x1x160x128xi32, #tpu.memory_space<hbm>>
      %dma_start3A_17 = tpu.memref_squeeze %dma_start3A_16 : memref<1x1x160x128xi32, #tpu.memory_space<hbm>> -> memref<160x128xi32, #tpu.memory_space<hbm>>
      %dma_start3A_18 = arith.constant 0 : i32
      %dma_start3A_19 = arith.constant 0 : i32
      %dma_start3A_20 = tpu.memref_slice %arg3[%add3A, %scan3A_3, %dma_start3A_18, %dma_start3A_19] : memref<32x1x160x128xi32, #tpu.memory_space<hbm>> -> memref<1x1x160x128xi32, #tpu.memory_space<hbm>>
      %dma_start3A_21 = tpu.memref_squeeze %dma_start3A_20 : memref<1x1x160x128xi32, #tpu.memory_space<hbm>> -> memref<160x128xi32, #tpu.memory_space<hbm>>
      tpu.enqueue_dma source(%dma_start3A_21 : memref<160x128xi32, #tpu.memory_space<hbm>>) target(%arg7 : memref<160x128xi32, #tpu.memory_space<vmem>>) target_semaphore(%run_scoped3A : memref<!tpu.dma_semaphore, #tpu.memory_space<semaphore_mem>>)
      %dma_wait3A = arith.constant 0 : i32
      %dma_wait3A_22 = arith.constant 0 : i32
      %dma_wait3A_23 = tpu.memref_slice %arg3[%add3A, %scan3A_3, %dma_wait3A, %dma_wait3A_22] : memref<32x1x160x128xi32, #tpu.memory_space<hbm>> -> memref<1x1x160x128xi32, #tpu.memory_space<hbm>>
      %dma_wait3A_24 = tpu.memref_squeeze %dma_wait3A_23 : memref<1x1x160x128xi32, #tpu.memory_space<hbm>> -> memref<160x128xi32, #tpu.memory_space<hbm>>
      %dma_wait3A_25 = arith.constant 0 : i32
      %dma_wait3A_26 = arith.constant 0 : i32
      %dma_wait3A_27 = tpu.memref_slice %arg3[%add3A, %scan3A_3, %dma_wait3A_25, %dma_wait3A_26] : memref<32x1x160x128xi32, #tpu.memory_space<hbm>> -> memref<1x1x160x128xi32, #tpu.memory_space<hbm>>
      %dma_wait3A_28 = tpu.memref_squeeze %dma_wait3A_27 : memref<1x1x160x128xi32, #tpu.memory_space<hbm>> -> memref<160x128xi32, #tpu.memory_space<hbm>>
      tpu.wait_dma2 semaphore(%run_scoped3A : memref<!tpu.dma_semaphore, #tpu.memory_space<semaphore_mem>>) src(%dma_wait3A_28 : memref<160x128xi32, #tpu.memory_space<hbm>>) dst(%arg7 : memref<160x128xi32, #tpu.memory_space<vmem>>)
      tpu.yield
    }) : () -> ()
    %scan3A_4 = arith.constant 0 : i32
    %scan3A_5 = arith.constant 0 : i32
    %scan3A_6 = arith.constant 20 : i32
    %scan3A_7 = arith.addi %scan3A_5, %scan3A_6 : i32
    %scan3A_8 = arith.constant 1 : i32
    scf.for %scan3A_15 = %scan3A_5 to %scan3A_7 step %scan3A_8  : i32 {
      %mul3A_16 = arith.constant 8 : i32
      %mul3A_17 = arith.muli %scan3A_15, %mul3A_16 : i32
      %add3A_18 = arith.constant 0 : i32
      %add3A_19 = arith.addi %mul3A_17, %add3A_18 : i32
      %dma_start3A = arith.constant 0 : i32
      %dma_start3A_20 = tpu.memref_slice %arg6[%add3A_19, %dma_start3A] : memref<160x128xi32, #tpu.memory_space<vmem>> -> memref<1x128xi32, #tpu.memory_space<vmem>>
      %dma_start3A_21 = tpu.memref_squeeze %dma_start3A_20 : memref<1x128xi32, #tpu.memory_space<vmem>> -> memref<128xi32, #tpu.memory_space<vmem>>
      %dma_start3A_22 = arith.constant 0 : i32
      %dma_start3A_23 = arith.constant 0 : i32
      %dma_start3A_24 = tpu.memref_slice %arg4[%dma_start3A_22, %dma_start3A_23] : memref<10240x16xf32, #tpu.memory_space<hbm>> -> memref<10240x16xf32, #tpu.memory_space<hbm>>
      tpu.enqueue_indirect_dma source(%dma_start3A_24 : memref<10240x16xf32, #tpu.memory_space<hbm>>) target(%arg8 : memref<128x16xf32, #tpu.memory_space<vmem>>) offsets(%dma_start3A_21 : memref<128xi32, #tpu.memory_space<vmem>>) semaphore(%arg17 : memref<!tpu.dma_semaphore, #tpu.memory_space<semaphore_mem>>)
      %add3A_25 = arith.constant 1 : i32
      %add3A_26 = arith.addi %mul3A_17, %add3A_25 : i32
      %dma_start3A_27 = arith.constant 0 : i32
      %dma_start3A_28 = tpu.memref_slice %arg6[%add3A_26, %dma_start3A_27] : memref<160x128xi32, #tpu.memory_space<vmem>> -> memref<1x128xi32, #tpu.memory_space<vmem>>
      %dma_start3A_29 = tpu.memref_squeeze %dma_start3A_28 : memref<1x128xi32, #tpu.memory_space<vmem>> -> memref<128xi32, #tpu.memory_space<vmem>>
      %dma_start3A_30 = arith.constant 0 : i32
      %dma_start3A_31 = arith.constant 0 : i32
      %dma_start3A_32 = tpu.memref_slice %arg4[%dma_start3A_30, %dma_start3A_31] : memref<10240x16xf32, #tpu.memory_space<hbm>> -> memref<10240x16xf32, #tpu.memory_space<hbm>>
      tpu.enqueue_indirect_dma source(%dma_start3A_32 : memref<10240x16xf32, #tpu.memory_space<hbm>>) target(%arg9 : memref<128x16xf32, #tpu.memory_space<vmem>>) offsets(%dma_start3A_29 : memref<128xi32, #tpu.memory_space<vmem>>) semaphore(%arg17 : memref<!tpu.dma_semaphore, #tpu.memory_space<semaphore_mem>>)
      %add3A_33 = arith.constant 2 : i32
      %add3A_34 = arith.addi %mul3A_17, %add3A_33 : i32
      %dma_start3A_35 = arith.constant 0 : i32
      %dma_start3A_36 = tpu.memref_slice %arg6[%add3A_34, %dma_start3A_35] : memref<160x128xi32, #tpu.memory_space<vmem>> -> memref<1x128xi32, #tpu.memory_space<vmem>>
      %dma_start3A_37 = tpu.memref_squeeze %dma_start3A_36 : memref<1x128xi32, #tpu.memory_space<vmem>> -> memref<128xi32, #tpu.memory_space<vmem>>
      %dma_start3A_38 = arith.constant 0 : i32
      %dma_start3A_39 = arith.constant 0 : i32
      %dma_start3A_40 = tpu.memref_slice %arg4[%dma_start3A_38, %dma_start3A_39] : memref<10240x16xf32, #tpu.memory_space<hbm>> -> memref<10240x16xf32, #tpu.memory_space<hbm>>
      tpu.enqueue_indirect_dma source(%dma_start3A_40 : memref<10240x16xf32, #tpu.memory_space<hbm>>) target(%arg10 : memref<128x16xf32, #tpu.memory_space<vmem>>) offsets(%dma_start3A_37 : memref<128xi32, #tpu.memory_space<vmem>>) semaphore(%arg17 : memref<!tpu.dma_semaphore, #tpu.memory_space<semaphore_mem>>)
      %add3A_41 = arith.constant 3 : i32
      %add3A_42 = arith.addi %mul3A_17, %add3A_41 : i32
      %dma_start3A_43 = arith.constant 0 : i32
      %dma_start3A_44 = tpu.memref_slice %arg6[%add3A_42, %dma_start3A_43] : memref<160x128xi32, #tpu.memory_space<vmem>> -> memref<1x128xi32, #tpu.memory_space<vmem>>
      %dma_start3A_45 = tpu.memref_squeeze %dma_start3A_44 : memref<1x128xi32, #tpu.memory_space<vmem>> -> memref<128xi32, #tpu.memory_space<vmem>>
      %dma_start3A_46 = arith.constant 0 : i32
      %dma_start3A_47 = arith.constant 0 : i32
      %dma_start3A_48 = tpu.memref_slice %arg4[%dma_start3A_46, %dma_start3A_47] : memref<10240x16xf32, #tpu.memory_space<hbm>> -> memref<10240x16xf32, #tpu.memory_space<hbm>>
      tpu.enqueue_indirect_dma source(%dma_start3A_48 : memref<10240x16xf32, #tpu.memory_space<hbm>>) target(%arg11 : memref<128x16xf32, #tpu.memory_space<vmem>>) offsets(%dma_start3A_45 : memref<128xi32, #tpu.memory_space<vmem>>) semaphore(%arg17 : memref<!tpu.dma_semaphore, #tpu.memory_space<semaphore_mem>>)
      %add3A_49 = arith.constant 4 : i32
      %add3A_50 = arith.addi %mul3A_17, %add3A_49 : i32
      %dma_start3A_51 = arith.constant 0 : i32
      %dma_start3A_52 = tpu.memref_slice %arg6[%add3A_50, %dma_start3A_51] : memref<160x128xi32, #tpu.memory_space<vmem>> -> memref<1x128xi32, #tpu.memory_space<vmem>>
      %dma_start3A_53 = tpu.memref_squeeze %dma_start3A_52 : memref<1x128xi32, #tpu.memory_space<vmem>> -> memref<128xi32, #tpu.memory_space<vmem>>
      %dma_start3A_54 = arith.constant 0 : i32
      %dma_start3A_55 = arith.constant 0 : i32
      %dma_start3A_56 = tpu.memref_slice %arg4[%dma_start3A_54, %dma_start3A_55] : memref<10240x16xf32, #tpu.memory_space<hbm>> -> memref<10240x16xf32, #tpu.memory_space<hbm>>
      tpu.enqueue_indirect_dma source(%dma_start3A_56 : memref<10240x16xf32, #tpu.memory_space<hbm>>) target(%arg12 : memref<128x16xf32, #tpu.memory_space<vmem>>) offsets(%dma_start3A_53 : memref<128xi32, #tpu.memory_space<vmem>>) semaphore(%arg17 : memref<!tpu.dma_semaphore, #tpu.memory_space<semaphore_mem>>)
      %add3A_57 = arith.constant 5 : i32
      %add3A_58 = arith.addi %mul3A_17, %add3A_57 : i32
      %dma_start3A_59 = arith.constant 0 : i32
      %dma_start3A_60 = tpu.memref_slice %arg6[%add3A_58, %dma_start3A_59] : memref<160x128xi32, #tpu.memory_space<vmem>> -> memref<1x128xi32, #tpu.memory_space<vmem>>
      %dma_start3A_61 = tpu.memref_squeeze %dma_start3A_60 : memref<1x128xi32, #tpu.memory_space<vmem>> -> memref<128xi32, #tpu.memory_space<vmem>>
      %dma_start3A_62 = arith.constant 0 : i32
      %dma_start3A_63 = arith.constant 0 : i32
      %dma_start3A_64 = tpu.memref_slice %arg4[%dma_start3A_62, %dma_start3A_63] : memref<10240x16xf32, #tpu.memory_space<hbm>> -> memref<10240x16xf32, #tpu.memory_space<hbm>>
      tpu.enqueue_indirect_dma source(%dma_start3A_64 : memref<10240x16xf32, #tpu.memory_space<hbm>>) target(%arg13 : memref<128x16xf32, #tpu.memory_space<vmem>>) offsets(%dma_start3A_61 : memref<128xi32, #tpu.memory_space<vmem>>) semaphore(%arg17 : memref<!tpu.dma_semaphore, #tpu.memory_space<semaphore_mem>>)
      %add3A_65 = arith.constant 6 : i32
      %add3A_66 = arith.addi %mul3A_17, %add3A_65 : i32
      %dma_start3A_67 = arith.constant 0 : i32
      %dma_start3A_68 = tpu.memref_slice %arg6[%add3A_66, %dma_start3A_67] : memref<160x128xi32, #tpu.memory_space<vmem>> -> memref<1x128xi32, #tpu.memory_space<vmem>>
      %dma_start3A_69 = tpu.memref_squeeze %dma_start3A_68 : memref<1x128xi32, #tpu.memory_space<vmem>> -> memref<128xi32, #tpu.memory_space<vmem>>
      %dma_start3A_70 = arith.constant 0 : i32
      %dma_start3A_71 = arith.constant 0 : i32
      %dma_start3A_72 = tpu.memref_slice %arg4[%dma_start3A_70, %dma_start3A_71] : memref<10240x16xf32, #tpu.memory_space<hbm>> -> memref<10240x16xf32, #tpu.memory_space<hbm>>
      tpu.enqueue_indirect_dma source(%dma_start3A_72 : memref<10240x16xf32, #tpu.memory_space<hbm>>) target(%arg14 : memref<128x16xf32, #tpu.memory_space<vmem>>) offsets(%dma_start3A_69 : memref<128xi32, #tpu.memory_space<vmem>>) semaphore(%arg17 : memref<!tpu.dma_semaphore, #tpu.memory_space<semaphore_mem>>)
      %add3A_73 = arith.constant 7 : i32
      %add3A_74 = arith.addi %mul3A_17, %add3A_73 : i32
      %dma_start3A_75 = arith.constant 0 : i32
      %dma_start3A_76 = tpu.memref_slice %arg6[%add3A_74, %dma_start3A_75] : memref<160x128xi32, #tpu.memory_space<vmem>> -> memref<1x128xi32, #tpu.memory_space<vmem>>
      %dma_start3A_77 = tpu.memref_squeeze %dma_start3A_76 : memref<1x128xi32, #tpu.memory_space<vmem>> -> memref<128xi32, #tpu.memory_space<vmem>>
      %dma_start3A_78 = arith.constant 0 : i32
      %dma_start3A_79 = arith.constant 0 : i32
      %dma_start3A_80 = tpu.memref_slice %arg4[%dma_start3A_78, %dma_start3A_79] : memref<10240x16xf32, #tpu.memory_space<hbm>> -> memref<10240x16xf32, #tpu.memory_space<hbm>>
      tpu.enqueue_indirect_dma source(%dma_start3A_80 : memref<10240x16xf32, #tpu.memory_space<hbm>>) target(%arg15 : memref<128x16xf32, #tpu.memory_space<vmem>>) offsets(%dma_start3A_77 : memref<128xi32, #tpu.memory_space<vmem>>) semaphore(%arg17 : memref<!tpu.dma_semaphore, #tpu.memory_space<semaphore_mem>>)
      %dma_wait3A = arith.constant 0 : i32
      %dma_wait3A_81 = tpu.memref_slice %arg6[%add3A_19, %dma_wait3A] : memref<160x128xi32, #tpu.memory_space<vmem>> -> memref<1x128xi32, #tpu.memory_space<vmem>>
      %dma_wait3A_82 = tpu.memref_squeeze %dma_wait3A_81 : memref<1x128xi32, #tpu.memory_space<vmem>> -> memref<128xi32, #tpu.memory_space<vmem>>
      %dma_wait3A_83 = arith.constant 0 : i32
      %dma_wait3A_84 = arith.constant 0 : i32
      %dma_wait3A_85 = tpu.memref_slice %arg4[%dma_wait3A_83, %dma_wait3A_84] : memref<10240x16xf32, #tpu.memory_space<hbm>> -> memref<10240x16xf32, #tpu.memory_space<hbm>>
      tpu.wait_indirect_dma semaphore(%arg17 : memref<!tpu.dma_semaphore, #tpu.memory_space<semaphore_mem>>) src(%dma_wait3A_85 : memref<10240x16xf32, #tpu.memory_space<hbm>>) dst(%arg8 : memref<128x16xf32, #tpu.memory_space<vmem>>)
      %dma_wait3A_86 = arith.constant 0 : i32
      %dma_wait3A_87 = tpu.memref_slice %arg6[%add3A_26, %dma_wait3A_86] : memref<160x128xi32, #tpu.memory_space<vmem>> -> memref<1x128xi32, #tpu.memory_space<vmem>>
      %dma_wait3A_88 = tpu.memref_squeeze %dma_wait3A_87 : memref<1x128xi32, #tpu.memory_space<vmem>> -> memref<128xi32, #tpu.memory_space<vmem>>
      %dma_wait3A_89 = arith.constant 0 : i32
      %dma_wait3A_90 = arith.constant 0 : i32
      %dma_wait3A_91 = tpu.memref_slice %arg4[%dma_wait3A_89, %dma_wait3A_90] : memref<10240x16xf32, #tpu.memory_space<hbm>> -> memref<10240x16xf32, #tpu.memory_space<hbm>>
      tpu.wait_indirect_dma semaphore(%arg17 : memref<!tpu.dma_semaphore, #tpu.memory_space<semaphore_mem>>) src(%dma_wait3A_91 : memref<10240x16xf32, #tpu.memory_space<hbm>>) dst(%arg9 : memref<128x16xf32, #tpu.memory_space<vmem>>)
      %dma_wait3A_92 = arith.constant 0 : i32
      %dma_wait3A_93 = tpu.memref_slice %arg6[%add3A_34, %dma_wait3A_92] : memref<160x128xi32, #tpu.memory_space<vmem>> -> memref<1x128xi32, #tpu.memory_space<vmem>>
      %dma_wait3A_94 = tpu.memref_squeeze %dma_wait3A_93 : memref<1x128xi32, #tpu.memory_space<vmem>> -> memref<128xi32, #tpu.memory_space<vmem>>
      %dma_wait3A_95 = arith.constant 0 : i32
      %dma_wait3A_96 = arith.constant 0 : i32
      %dma_wait3A_97 = tpu.memref_slice %arg4[%dma_wait3A_95, %dma_wait3A_96] : memref<10240x16xf32, #tpu.memory_space<hbm>> -> memref<10240x16xf32, #tpu.memory_space<hbm>>
      tpu.wait_indirect_dma semaphore(%arg17 : memref<!tpu.dma_semaphore, #tpu.memory_space<semaphore_mem>>) src(%dma_wait3A_97 : memref<10240x16xf32, #tpu.memory_space<hbm>>) dst(%arg10 : memref<128x16xf32, #tpu.memory_space<vmem>>)
      %dma_wait3A_98 = arith.constant 0 : i32
      %dma_wait3A_99 = tpu.memref_slice %arg6[%add3A_42, %dma_wait3A_98] : memref<160x128xi32, #tpu.memory_space<vmem>> -> memref<1x128xi32, #tpu.memory_space<vmem>>
      %dma_wait3A_100 = tpu.memref_squeeze %dma_wait3A_99 : memref<1x128xi32, #tpu.memory_space<vmem>> -> memref<128xi32, #tpu.memory_space<vmem>>
      %dma_wait3A_101 = arith.constant 0 : i32
      %dma_wait3A_102 = arith.constant 0 : i32
      %dma_wait3A_103 = tpu.memref_slice %arg4[%dma_wait3A_101, %dma_wait3A_102] : memref<10240x16xf32, #tpu.memory_space<hbm>> -> memref<10240x16xf32, #tpu.memory_space<hbm>>
      tpu.wait_indirect_dma semaphore(%arg17 : memref<!tpu.dma_semaphore, #tpu.memory_space<semaphore_mem>>) src(%dma_wait3A_103 : memref<10240x16xf32, #tpu.memory_space<hbm>>) dst(%arg11 : memref<128x16xf32, #tpu.memory_space<vmem>>)
      %dma_wait3A_104 = arith.constant 0 : i32
      %dma_wait3A_105 = tpu.memref_slice %arg6[%add3A_50, %dma_wait3A_104] : memref<160x128xi32, #tpu.memory_space<vmem>> -> memref<1x128xi32, #tpu.memory_space<vmem>>
      %dma_wait3A_106 = tpu.memref_squeeze %dma_wait3A_105 : memref<1x128xi32, #tpu.memory_space<vmem>> -> memref<128xi32, #tpu.memory_space<vmem>>
      %dma_wait3A_107 = arith.constant 0 : i32
      %dma_wait3A_108 = arith.constant 0 : i32
      %dma_wait3A_109 = tpu.memref_slice %arg4[%dma_wait3A_107, %dma_wait3A_108] : memref<10240x16xf32, #tpu.memory_space<hbm>> -> memref<10240x16xf32, #tpu.memory_space<hbm>>
      tpu.wait_indirect_dma semaphore(%arg17 : memref<!tpu.dma_semaphore, #tpu.memory_space<semaphore_mem>>) src(%dma_wait3A_109 : memref<10240x16xf32, #tpu.memory_space<hbm>>) dst(%arg12 : memref<128x16xf32, #tpu.memory_space<vmem>>)
      %dma_wait3A_110 = arith.constant 0 : i32
      %dma_wait3A_111 = tpu.memref_slice %arg6[%add3A_58, %dma_wait3A_110] : memref<160x128xi32, #tpu.memory_space<vmem>> -> memref<1x128xi32, #tpu.memory_space<vmem>>
      %dma_wait3A_112 = tpu.memref_squeeze %dma_wait3A_111 : memref<1x128xi32, #tpu.memory_space<vmem>> -> memref<128xi32, #tpu.memory_space<vmem>>
      %dma_wait3A_113 = arith.constant 0 : i32
      %dma_wait3A_114 = arith.constant 0 : i32
      %dma_wait3A_115 = tpu.memref_slice %arg4[%dma_wait3A_113, %dma_wait3A_114] : memref<10240x16xf32, #tpu.memory_space<hbm>> -> memref<10240x16xf32, #tpu.memory_space<hbm>>
      tpu.wait_indirect_dma semaphore(%arg17 : memref<!tpu.dma_semaphore, #tpu.memory_space<semaphore_mem>>) src(%dma_wait3A_115 : memref<10240x16xf32, #tpu.memory_space<hbm>>) dst(%arg13 : memref<128x16xf32, #tpu.memory_space<vmem>>)
      %dma_wait3A_116 = arith.constant 0 : i32
      %dma_wait3A_117 = tpu.memref_slice %arg6[%add3A_66, %dma_wait3A_116] : memref<160x128xi32, #tpu.memory_space<vmem>> -> memref<1x128xi32, #tpu.memory_space<vmem>>
      %dma_wait3A_118 = tpu.memref_squeeze %dma_wait3A_117 : memref<1x128xi32, #tpu.memory_space<vmem>> -> memref<128xi32, #tpu.memory_space<vmem>>
      %dma_wait3A_119 = arith.constant 0 : i32
      %dma_wait3A_120 = arith.constant 0 : i32
      %dma_wait3A_121 = tpu.memref_slice %arg4[%dma_wait3A_119, %dma_wait3A_120] : memref<10240x16xf32, #tpu.memory_space<hbm>> -> memref<10240x16xf32, #tpu.memory_space<hbm>>
      tpu.wait_indirect_dma semaphore(%arg17 : memref<!tpu.dma_semaphore, #tpu.memory_space<semaphore_mem>>) src(%dma_wait3A_121 : memref<10240x16xf32, #tpu.memory_space<hbm>>) dst(%arg14 : memref<128x16xf32, #tpu.memory_space<vmem>>)
      %dma_wait3A_122 = arith.constant 0 : i32
      %dma_wait3A_123 = tpu.memref_slice %arg6[%add3A_74, %dma_wait3A_122] : memref<160x128xi32, #tpu.memory_space<vmem>> -> memref<1x128xi32, #tpu.memory_space<vmem>>
      %dma_wait3A_124 = tpu.memref_squeeze %dma_wait3A_123 : memref<1x128xi32, #tpu.memory_space<vmem>> -> memref<128xi32, #tpu.memory_space<vmem>>
      %dma_wait3A_125 = arith.constant 0 : i32
      %dma_wait3A_126 = arith.constant 0 : i32
      %dma_wait3A_127 = tpu.memref_slice %arg4[%dma_wait3A_125, %dma_wait3A_126] : memref<10240x16xf32, #tpu.memory_space<hbm>> -> memref<10240x16xf32, #tpu.memory_space<hbm>>
      tpu.wait_indirect_dma semaphore(%arg17 : memref<!tpu.dma_semaphore, #tpu.memory_space<semaphore_mem>>) src(%dma_wait3A_127 : memref<10240x16xf32, #tpu.memory_space<hbm>>) dst(%arg15 : memref<128x16xf32, #tpu.memory_space<vmem>>)
      %add3A_128 = arith.constant 0 : i32
      %add3A_129 = arith.addi %mul3A_17, %add3A_128 : i32
      %dma_start3A_130 = arith.constant 0 : i32
      %dma_start3A_131 = tpu.memref_slice %arg7[%add3A_129, %dma_start3A_130] : memref<160x128xi32, #tpu.memory_space<vmem>> -> memref<1x128xi32, #tpu.memory_space<vmem>>
      %dma_start3A_132 = tpu.memref_squeeze %dma_start3A_131 : memref<1x128xi32, #tpu.memory_space<vmem>> -> memref<128xi32, #tpu.memory_space<vmem>>
      %dma_start3A_133 = arith.constant 0 : i32
      %dma_start3A_134 = arith.constant 0 : i32
      %dma_start3A_135 = tpu.memref_slice %arg16[%dma_start3A_133, %dma_start3A_134] : memref<10240x16xf32, #tpu.memory_space<vmem_shared>> -> memref<10240x16xf32, #tpu.memory_space<vmem_shared>>
      tpu.enqueue_indirect_dma source(%arg8 : memref<128x16xf32, #tpu.memory_space<vmem>>) target(%dma_start3A_135 : memref<10240x16xf32, #tpu.memory_space<vmem_shared>>) offsets(%dma_start3A_132 : memref<128xi32, #tpu.memory_space<vmem>>) semaphore(%arg18 : memref<!tpu.dma_semaphore, #tpu.memory_space<semaphore_mem>>) {add = true}
      %add3A_136 = arith.constant 1 : i32
      %add3A_137 = arith.addi %mul3A_17, %add3A_136 : i32
      %dma_start3A_138 = arith.constant 0 : i32
      %dma_start3A_139 = tpu.memref_slice %arg7[%add3A_137, %dma_start3A_138] : memref<160x128xi32, #tpu.memory_space<vmem>> -> memref<1x128xi32, #tpu.memory_space<vmem>>
      %dma_start3A_140 = tpu.memref_squeeze %dma_start3A_139 : memref<1x128xi32, #tpu.memory_space<vmem>> -> memref<128xi32, #tpu.memory_space<vmem>>
      %dma_start3A_141 = arith.constant 0 : i32
      %dma_start3A_142 = arith.constant 0 : i32
      %dma_start3A_143 = tpu.memref_slice %arg16[%dma_start3A_141, %dma_start3A_142] : memref<10240x16xf32, #tpu.memory_space<vmem_shared>> -> memref<10240x16xf32, #tpu.memory_space<vmem_shared>>
      tpu.enqueue_indirect_dma source(%arg9 : memref<128x16xf32, #tpu.memory_space<vmem>>) target(%dma_start3A_143 : memref<10240x16xf32, #tpu.memory_space<vmem_shared>>) offsets(%dma_start3A_140 : memref<128xi32, #tpu.memory_space<vmem>>) semaphore(%arg18 : memref<!tpu.dma_semaphore, #tpu.memory_space<semaphore_mem>>) {add = true}
      %add3A_144 = arith.constant 2 : i32
      %add3A_145 = arith.addi %mul3A_17, %add3A_144 : i32
      %dma_start3A_146 = arith.constant 0 : i32
      %dma_start3A_147 = tpu.memref_slice %arg7[%add3A_145, %dma_start3A_146] : memref<160x128xi32, #tpu.memory_space<vmem>> -> memref<1x128xi32, #tpu.memory_space<vmem>>
      %dma_start3A_148 = tpu.memref_squeeze %dma_start3A_147 : memref<1x128xi32, #tpu.memory_space<vmem>> -> memref<128xi32, #tpu.memory_space<vmem>>
      %dma_start3A_149 = arith.constant 0 : i32
      %dma_start3A_150 = arith.constant 0 : i32
      %dma_start3A_151 = tpu.memref_slice %arg16[%dma_start3A_149, %dma_start3A_150] : memref<10240x16xf32, #tpu.memory_space<vmem_shared>> -> memref<10240x16xf32, #tpu.memory_space<vmem_shared>>
      tpu.enqueue_indirect_dma source(%arg10 : memref<128x16xf32, #tpu.memory_space<vmem>>) target(%dma_start3A_151 : memref<10240x16xf32, #tpu.memory_space<vmem_shared>>) offsets(%dma_start3A_148 : memref<128xi32, #tpu.memory_space<vmem>>) semaphore(%arg18 : memref<!tpu.dma_semaphore, #tpu.memory_space<semaphore_mem>>) {add = true}
      %add3A_152 = arith.constant 3 : i32
      %add3A_153 = arith.addi %mul3A_17, %add3A_152 : i32
      %dma_start3A_154 = arith.constant 0 : i32
      %dma_start3A_155 = tpu.memref_slice %arg7[%add3A_153, %dma_start3A_154] : memref<160x128xi32, #tpu.memory_space<vmem>> -> memref<1x128xi32, #tpu.memory_space<vmem>>
      %dma_start3A_156 = tpu.memref_squeeze %dma_start3A_155 : memref<1x128xi32, #tpu.memory_space<vmem>> -> memref<128xi32, #tpu.memory_space<vmem>>
      %dma_start3A_157 = arith.constant 0 : i32
      %dma_start3A_158 = arith.constant 0 : i32
      %dma_start3A_159 = tpu.memref_slice %arg16[%dma_start3A_157, %dma_start3A_158] : memref<10240x16xf32, #tpu.memory_space<vmem_shared>> -> memref<10240x16xf32, #tpu.memory_space<vmem_shared>>
      tpu.enqueue_indirect_dma source(%arg11 : memref<128x16xf32, #tpu.memory_space<vmem>>) target(%dma_start3A_159 : memref<10240x16xf32, #tpu.memory_space<vmem_shared>>) offsets(%dma_start3A_156 : memref<128xi32, #tpu.memory_space<vmem>>) semaphore(%arg18 : memref<!tpu.dma_semaphore, #tpu.memory_space<semaphore_mem>>) {add = true}
      %add3A_160 = arith.constant 4 : i32
      %add3A_161 = arith.addi %mul3A_17, %add3A_160 : i32
      %dma_start3A_162 = arith.constant 0 : i32
      %dma_start3A_163 = tpu.memref_slice %arg7[%add3A_161, %dma_start3A_162] : memref<160x128xi32, #tpu.memory_space<vmem>> -> memref<1x128xi32, #tpu.memory_space<vmem>>
      %dma_start3A_164 = tpu.memref_squeeze %dma_start3A_163 : memref<1x128xi32, #tpu.memory_space<vmem>> -> memref<128xi32, #tpu.memory_space<vmem>>
      %dma_start3A_165 = arith.constant 0 : i32
      %dma_start3A_166 = arith.constant 0 : i32
      %dma_start3A_167 = tpu.memref_slice %arg16[%dma_start3A_165, %dma_start3A_166] : memref<10240x16xf32, #tpu.memory_space<vmem_shared>> -> memref<10240x16xf32, #tpu.memory_space<vmem_shared>>
      tpu.enqueue_indirect_dma source(%arg12 : memref<128x16xf32, #tpu.memory_space<vmem>>) target(%dma_start3A_167 : memref<10240x16xf32, #tpu.memory_space<vmem_shared>>) offsets(%dma_start3A_164 : memref<128xi32, #tpu.memory_space<vmem>>) semaphore(%arg18 : memref<!tpu.dma_semaphore, #tpu.memory_space<semaphore_mem>>) {add = true}
      %add3A_168 = arith.constant 5 : i32
      %add3A_169 = arith.addi %mul3A_17, %add3A_168 : i32
      %dma_start3A_170 = arith.constant 0 : i32
      %dma_start3A_171 = tpu.memref_slice %arg7[%add3A_169, %dma_start3A_170] : memref<160x128xi32, #tpu.memory_space<vmem>> -> memref<1x128xi32, #tpu.memory_space<vmem>>
      %dma_start3A_172 = tpu.memref_squeeze %dma_start3A_171 : memref<1x128xi32, #tpu.memory_space<vmem>> -> memref<128xi32, #tpu.memory_space<vmem>>
      %dma_start3A_173 = arith.constant 0 : i32
      %dma_start3A_174 = arith.constant 0 : i32
      %dma_start3A_175 = tpu.memref_slice %arg16[%dma_start3A_173, %dma_start3A_174] : memref<10240x16xf32, #tpu.memory_space<vmem_shared>> -> memref<10240x16xf32, #tpu.memory_space<vmem_shared>>
      tpu.enqueue_indirect_dma source(%arg13 : memref<128x16xf32, #tpu.memory_space<vmem>>) target(%dma_start3A_175 : memref<10240x16xf32, #tpu.memory_space<vmem_shared>>) offsets(%dma_start3A_172 : memref<128xi32, #tpu.memory_space<vmem>>) semaphore(%arg18 : memref<!tpu.dma_semaphore, #tpu.memory_space<semaphore_mem>>) {add = true}
      %add3A_176 = arith.constant 6 : i32
      %add3A_177 = arith.addi %mul3A_17, %add3A_176 : i32
      %dma_start3A_178 = arith.constant 0 : i32
      %dma_start3A_179 = tpu.memref_slice %arg7[%add3A_177, %dma_start3A_178] : memref<160x128xi32, #tpu.memory_space<vmem>> -> memref<1x128xi32, #tpu.memory_space<vmem>>
      %dma_start3A_180 = tpu.memref_squeeze %dma_start3A_179 : memref<1x128xi32, #tpu.memory_space<vmem>> -> memref<128xi32, #tpu.memory_space<vmem>>
      %dma_start3A_181 = arith.constant 0 : i32
      %dma_start3A_182 = arith.constant 0 : i32
      %dma_start3A_183 = tpu.memref_slice %arg16[%dma_start3A_181, %dma_start3A_182] : memref<10240x16xf32, #tpu.memory_space<vmem_shared>> -> memref<10240x16xf32, #tpu.memory_space<vmem_shared>>
      tpu.enqueue_indirect_dma source(%arg14 : memref<128x16xf32, #tpu.memory_space<vmem>>) target(%dma_start3A_183 : memref<10240x16xf32, #tpu.memory_space<vmem_shared>>) offsets(%dma_start3A_180 : memref<128xi32, #tpu.memory_space<vmem>>) semaphore(%arg18 : memref<!tpu.dma_semaphore, #tpu.memory_space<semaphore_mem>>) {add = true}
      %add3A_184 = arith.constant 7 : i32
      %add3A_185 = arith.addi %mul3A_17, %add3A_184 : i32
      %dma_start3A_186 = arith.constant 0 : i32
      %dma_start3A_187 = tpu.memref_slice %arg7[%add3A_185, %dma_start3A_186] : memref<160x128xi32, #tpu.memory_space<vmem>> -> memref<1x128xi32, #tpu.memory_space<vmem>>
      %dma_start3A_188 = tpu.memref_squeeze %dma_start3A_187 : memref<1x128xi32, #tpu.memory_space<vmem>> -> memref<128xi32, #tpu.memory_space<vmem>>
      %dma_start3A_189 = arith.constant 0 : i32
      %dma_start3A_190 = arith.constant 0 : i32
      %dma_start3A_191 = tpu.memref_slice %arg16[%dma_start3A_189, %dma_start3A_190] : memref<10240x16xf32, #tpu.memory_space<vmem_shared>> -> memref<10240x16xf32, #tpu.memory_space<vmem_shared>>
      tpu.enqueue_indirect_dma source(%arg15 : memref<128x16xf32, #tpu.memory_space<vmem>>) target(%dma_start3A_191 : memref<10240x16xf32, #tpu.memory_space<vmem_shared>>) offsets(%dma_start3A_188 : memref<128xi32, #tpu.memory_space<vmem>>) semaphore(%arg18 : memref<!tpu.dma_semaphore, #tpu.memory_space<semaphore_mem>>) {add = true}
      %dma_wait3A_192 = arith.constant 0 : i32
      %dma_wait3A_193 = tpu.memref_slice %arg7[%add3A_129, %dma_wait3A_192] : memref<160x128xi32, #tpu.memory_space<vmem>> -> memref<1x128xi32, #tpu.memory_space<vmem>>
      %dma_wait3A_194 = tpu.memref_squeeze %dma_wait3A_193 : memref<1x128xi32, #tpu.memory_space<vmem>> -> memref<128xi32, #tpu.memory_space<vmem>>
      %dma_wait3A_195 = arith.constant 0 : i32
      %dma_wait3A_196 = arith.constant 0 : i32
      %dma_wait3A_197 = tpu.memref_slice %arg16[%dma_wait3A_195, %dma_wait3A_196] : memref<10240x16xf32, #tpu.memory_space<vmem_shared>> -> memref<10240x16xf32, #tpu.memory_space<vmem_shared>>
      tpu.wait_indirect_dma semaphore(%arg18 : memref<!tpu.dma_semaphore, #tpu.memory_space<semaphore_mem>>) src(%arg8 : memref<128x16xf32, #tpu.memory_space<vmem>>) dst(%dma_wait3A_197 : memref<10240x16xf32, #tpu.memory_space<vmem_shared>>)
      %dma_wait3A_198 = arith.constant 0 : i32
      %dma_wait3A_199 = tpu.memref_slice %arg7[%add3A_137, %dma_wait3A_198] : memref<160x128xi32, #tpu.memory_space<vmem>> -> memref<1x128xi32, #tpu.memory_space<vmem>>
      %dma_wait3A_200 = tpu.memref_squeeze %dma_wait3A_199 : memref<1x128xi32, #tpu.memory_space<vmem>> -> memref<128xi32, #tpu.memory_space<vmem>>
      %dma_wait3A_201 = arith.constant 0 : i32
      %dma_wait3A_202 = arith.constant 0 : i32
      %dma_wait3A_203 = tpu.memref_slice %arg16[%dma_wait3A_201, %dma_wait3A_202] : memref<10240x16xf32, #tpu.memory_space<vmem_shared>> -> memref<10240x16xf32, #tpu.memory_space<vmem_shared>>
      tpu.wait_indirect_dma semaphore(%arg18 : memref<!tpu.dma_semaphore, #tpu.memory_space<semaphore_mem>>) src(%arg9 : memref<128x16xf32, #tpu.memory_space<vmem>>) dst(%dma_wait3A_203 : memref<10240x16xf32, #tpu.memory_space<vmem_shared>>)
      %dma_wait3A_204 = arith.constant 0 : i32
      %dma_wait3A_205 = tpu.memref_slice %arg7[%add3A_145, %dma_wait3A_204] : memref<160x128xi32, #tpu.memory_space<vmem>> -> memref<1x128xi32, #tpu.memory_space<vmem>>
      %dma_wait3A_206 = tpu.memref_squeeze %dma_wait3A_205 : memref<1x128xi32, #tpu.memory_space<vmem>> -> memref<128xi32, #tpu.memory_space<vmem>>
      %dma_wait3A_207 = arith.constant 0 : i32
      %dma_wait3A_208 = arith.constant 0 : i32
      %dma_wait3A_209 = tpu.memref_slice %arg16[%dma_wait3A_207, %dma_wait3A_208] : memref<10240x16xf32, #tpu.memory_space<vmem_shared>> -> memref<10240x16xf32, #tpu.memory_space<vmem_shared>>
      tpu.wait_indirect_dma semaphore(%arg18 : memref<!tpu.dma_semaphore, #tpu.memory_space<semaphore_mem>>) src(%arg10 : memref<128x16xf32, #tpu.memory_space<vmem>>) dst(%dma_wait3A_209 : memref<10240x16xf32, #tpu.memory_space<vmem_shared>>)
      %dma_wait3A_210 = arith.constant 0 : i32
      %dma_wait3A_211 = tpu.memref_slice %arg7[%add3A_153, %dma_wait3A_210] : memref<160x128xi32, #tpu.memory_space<vmem>> -> memref<1x128xi32, #tpu.memory_space<vmem>>
      %dma_wait3A_212 = tpu.memref_squeeze %dma_wait3A_211 : memref<1x128xi32, #tpu.memory_space<vmem>> -> memref<128xi32, #tpu.memory_space<vmem>>
      %dma_wait3A_213 = arith.constant 0 : i32
      %dma_wait3A_214 = arith.constant 0 : i32
      %dma_wait3A_215 = tpu.memref_slice %arg16[%dma_wait3A_213, %dma_wait3A_214] : memref<10240x16xf32, #tpu.memory_space<vmem_shared>> -> memref<10240x16xf32, #tpu.memory_space<vmem_shared>>
      tpu.wait_indirect_dma semaphore(%arg18 : memref<!tpu.dma_semaphore, #tpu.memory_space<semaphore_mem>>) src(%arg11 : memref<128x16xf32, #tpu.memory_space<vmem>>) dst(%dma_wait3A_215 : memref<10240x16xf32, #tpu.memory_space<vmem_shared>>)
      %dma_wait3A_216 = arith.constant 0 : i32
      %dma_wait3A_217 = tpu.memref_slice %arg7[%add3A_161, %dma_wait3A_216] : memref<160x128xi32, #tpu.memory_space<vmem>> -> memref<1x128xi32, #tpu.memory_space<vmem>>
      %dma_wait3A_218 = tpu.memref_squeeze %dma_wait3A_217 : memref<1x128xi32, #tpu.memory_space<vmem>> -> memref<128xi32, #tpu.memory_space<vmem>>
      %dma_wait3A_219 = arith.constant 0 : i32
      %dma_wait3A_220 = arith.constant 0 : i32
      %dma_wait3A_221 = tpu.memref_slice %arg16[%dma_wait3A_219, %dma_wait3A_220] : memref<10240x16xf32, #tpu.memory_space<vmem_shared>> -> memref<10240x16xf32, #tpu.memory_space<vmem_shared>>
      tpu.wait_indirect_dma semaphore(%arg18 : memref<!tpu.dma_semaphore, #tpu.memory_space<semaphore_mem>>) src(%arg12 : memref<128x16xf32, #tpu.memory_space<vmem>>) dst(%dma_wait3A_221 : memref<10240x16xf32, #tpu.memory_space<vmem_shared>>)
      %dma_wait3A_222 = arith.constant 0 : i32
      %dma_wait3A_223 = tpu.memref_slice %arg7[%add3A_169, %dma_wait3A_222] : memref<160x128xi32, #tpu.memory_space<vmem>> -> memref<1x128xi32, #tpu.memory_space<vmem>>
      %dma_wait3A_224 = tpu.memref_squeeze %dma_wait3A_223 : memref<1x128xi32, #tpu.memory_space<vmem>> -> memref<128xi32, #tpu.memory_space<vmem>>
      %dma_wait3A_225 = arith.constant 0 : i32
      %dma_wait3A_226 = arith.constant 0 : i32
      %dma_wait3A_227 = tpu.memref_slice %arg16[%dma_wait3A_225, %dma_wait3A_226] : memref<10240x16xf32, #tpu.memory_space<vmem_shared>> -> memref<10240x16xf32, #tpu.memory_space<vmem_shared>>
      tpu.wait_indirect_dma semaphore(%arg18 : memref<!tpu.dma_semaphore, #tpu.memory_space<semaphore_mem>>) src(%arg13 : memref<128x16xf32, #tpu.memory_space<vmem>>) dst(%dma_wait3A_227 : memref<10240x16xf32, #tpu.memory_space<vmem_shared>>)
      %dma_wait3A_228 = arith.constant 0 : i32
      %dma_wait3A_229 = tpu.memref_slice %arg7[%add3A_177, %dma_wait3A_228] : memref<160x128xi32, #tpu.memory_space<vmem>> -> memref<1x128xi32, #tpu.memory_space<vmem>>
      %dma_wait3A_230 = tpu.memref_squeeze %dma_wait3A_229 : memref<1x128xi32, #tpu.memory_space<vmem>> -> memref<128xi32, #tpu.memory_space<vmem>>
      %dma_wait3A_231 = arith.constant 0 : i32
      %dma_wait3A_232 = arith.constant 0 : i32
      %dma_wait3A_233 = tpu.memref_slice %arg16[%dma_wait3A_231, %dma_wait3A_232] : memref<10240x16xf32, #tpu.memory_space<vmem_shared>> -> memref<10240x16xf32, #tpu.memory_space<vmem_shared>>
      tpu.wait_indirect_dma semaphore(%arg18 : memref<!tpu.dma_semaphore, #tpu.memory_space<semaphore_mem>>) src(%arg14 : memref<128x16xf32, #tpu.memory_space<vmem>>) dst(%dma_wait3A_233 : memref<10240x16xf32, #tpu.memory_space<vmem_shared>>)
      %dma_wait3A_234 = arith.constant 0 : i32
      %dma_wait3A_235 = tpu.memref_slice %arg7[%add3A_185, %dma_wait3A_234] : memref<160x128xi32, #tpu.memory_space<vmem>> -> memref<1x128xi32, #tpu.memory_space<vmem>>
      %dma_wait3A_236 = tpu.memref_squeeze %dma_wait3A_235 : memref<1x128xi32, #tpu.memory_space<vmem>> -> memref<128xi32, #tpu.memory_space<vmem>>
      %dma_wait3A_237 = arith.constant 0 : i32
      %dma_wait3A_238 = arith.constant 0 : i32
      %dma_wait3A_239 = tpu.memref_slice %arg16[%dma_wait3A_237, %dma_wait3A_238] : memref<10240x16xf32, #tpu.memory_space<vmem_shared>> -> memref<10240x16xf32, #tpu.memory_space<vmem_shared>>
      tpu.wait_indirect_dma semaphore(%arg18 : memref<!tpu.dma_semaphore, #tpu.memory_space<semaphore_mem>>) src(%arg15 : memref<128x16xf32, #tpu.memory_space<vmem>>) dst(%dma_wait3A_239 : memref<10240x16xf32, #tpu.memory_space<vmem_shared>>)
    }
    %scan3A_9 = arith.constant 20 : i32
    %scan3A_10 = arith.constant 1 : i32
    %barrier3A_11 = arith.constant 0 : index
    tpu.barrier barrier_id(%barrier3A_11)
    %mul3A_12 = arith.constant 10240 : i32
    %mul3A_13 = arith.muli %arg0, %mul3A_12 : i32
    %add3A_14 = arith.addi %mul3A_13, %mul3A_2 : i32
    "tpu.region"() ({
      %run_scoped3A = tpu.sem_alloc : memref<!tpu.dma_semaphore, #tpu.memory_space<semaphore_mem>>
      %dma_start3A = arith.constant 0 : i32
      %dma_start3A_15 = tpu.memref_slice %arg5[%add3A_14, %dma_start3A] : memref<20480x16xf32, #tpu.memory_space<hbm>> -> memref<640x16xf32, #tpu.memory_space<hbm>>
      %dma_start3A_16 = arith.constant 0 : i32
      %dma_start3A_17 = tpu.memref_slice %arg16[%mul3A_2, %dma_start3A_16] : memref<10240x16xf32, #tpu.memory_space<vmem_shared>> -> memref<640x16xf32, #tpu.memory_space<vmem_shared>>
      tpu.enqueue_dma source(%dma_start3A_17 : memref<640x16xf32, #tpu.memory_space<vmem_shared>>) target(%dma_start3A_15 : memref<640x16xf32, #tpu.memory_space<hbm>>) target_semaphore(%run_scoped3A : memref<!tpu.dma_semaphore, #tpu.memory_space<semaphore_mem>>)
      %dma_wait3A = arith.constant 0 : i32
      %dma_wait3A_18 = tpu.memref_slice %arg5[%add3A_14, %dma_wait3A] : memref<20480x16xf32, #tpu.memory_space<hbm>> -> memref<640x16xf32, #tpu.memory_space<hbm>>
      %dma_wait3A_19 = arith.constant 0 : i32
      %dma_wait3A_20 = tpu.memref_slice %arg16[%mul3A_2, %dma_wait3A_19] : memref<10240x16xf32, #tpu.memory_space<vmem_shared>> -> memref<640x16xf32, #tpu.memory_space<vmem_shared>>
      tpu.wait_dma2 semaphore(%run_scoped3A : memref<!tpu.dma_semaphore, #tpu.memory_space<semaphore_mem>>) src(%dma_wait3A_20 : memref<640x16xf32, #tpu.memory_space<vmem_shared>>) dst(%dma_wait3A_18 : memref<640x16xf32, #tpu.memory_space<hbm>>)
      tpu.yield
    }) : () -> ()
    return
  }
}

module attributes {stable_mosaic.version = 14 : i64} {
  func.func @body(%arg0: memref<20480x16xf32, #tpu.memory_space<vmem>>, %arg1: memref<10240x16xf32, #tpu.memory_space<vmem>>, %arg2: memref<10240x16xf32, #tpu.memory_space<vmem>>, %arg3: memref<10240x16xf32, #tpu.memory_space<vmem>>) attributes {dimension_semantics = [], scalar_prefetch = 0 : i64, scratch_operands = 0 : i64, tpu.core_type = #tpu.core_type<tc>} {
    %get3A = arith.constant 0 : index
    %get3A_0 = arith.constant 0 : index
    %get3A_1 = vector.load %arg0[%get3A, %get3A_0] : memref<20480x16xf32, #tpu.memory_space<vmem>>, vector<10240x16xf32>
    %get3A_2 = arith.constant 10240 : index
    %get3A_3 = arith.constant 0 : index
    %get3A_4 = vector.load %arg0[%get3A_2, %get3A_3] : memref<20480x16xf32, #tpu.memory_space<vmem>>, vector<10240x16xf32>
    %add3A = arith.addf %get3A_1, %get3A_4 : vector<10240x16xf32>
    %sub3A = arith.constant 1.000000e+00 : f32
    %sub3A_5 = vector.broadcast %sub3A : f32 to vector<10240x16xf32>
    %sub3A_6 = arith.subf %add3A, %sub3A_5 : vector<10240x16xf32>
    %rsqrt3A = math.rsqrt %sub3A_6 : vector<10240x16xf32>
    %swap3A = arith.constant 0 : index
    %swap3A_7 = arith.constant 0 : index
    %swap3A_8 = vector.load %arg2[%swap3A, %swap3A_7] : memref<10240x16xf32, #tpu.memory_space<vmem>>, vector<10240x16xf32>
    tpu.vector_store %arg2[%swap3A, %swap3A_7], %rsqrt3A {strides = array<i32>} : memref<10240x16xf32, #tpu.memory_space<vmem>>, vector<10240x16xf32>,
    %get3A_9 = arith.constant 0 : index
    %get3A_10 = arith.constant 0 : index
    %get3A_11 = vector.load %arg1[%get3A_9, %get3A_10] : memref<10240x16xf32, #tpu.memory_space<vmem>>, vector<10240x16xf32>
    %mul3A = arith.mulf %get3A_11, %rsqrt3A : vector<10240x16xf32>
    %swap3A_12 = arith.constant 0 : index
    %swap3A_13 = arith.constant 0 : index
    %swap3A_14 = vector.load %arg3[%swap3A_12, %swap3A_13] : memref<10240x16xf32, #tpu.memory_space<vmem>>, vector<10240x16xf32>
    tpu.vector_store %arg3[%swap3A_12, %swap3A_13], %mul3A {strides = array<i32>} : memref<10240x16xf32, #tpu.memory_space<vmem>>, vector<10240x16xf32>,
    return
  }
}

module attributes {stable_mosaic.version = 14 : i64} {
  func.func @body(%arg0: i32, %arg1: memref<2048x16xf32, #tpu.memory_space<vmem>>, %arg2: memref<2048x16xf32, #tpu.memory_space<vmem>>, %arg3: memref<2048x16xf32, #tpu.memory_space<vmem>>, %arg4: memref<2048x16xf32, #tpu.memory_space<vmem>>, %arg5: memref<16x128xf32, #tpu.memory_space<vmem>>, %arg6: memref<1x128xf32, #tpu.memory_space<vmem>>, %arg7: memref<2048x128xf32, #tpu.memory_space<vmem>>) attributes {dimension_semantics = [#tpu.dimension_semantics<arbitrary>], iteration_bounds = array<i64: 5>, scalar_prefetch = 0 : i64, scratch_operands = 0 : i64, tpu.core_type = #tpu.core_type<tc>, window_params = [{transform_indices = @transform_0, window_bounds = array<i64: 2048, 16>}, {transform_indices = @transform_1, window_bounds = array<i64: 2048, 16>}, {transform_indices = @transform_2, window_bounds = array<i64: 2048, 16>}, {transform_indices = @transform_3, window_bounds = array<i64: 2048, 16>}, {pipeline_mode = #tpu.pipeline_mode<synchronous>, transform_indices = @transform_4, window_bounds = array<i64: 16, 128>}, {pipeline_mode = #tpu.pipeline_mode<synchronous>, transform_indices = @transform_5, window_bounds = array<i64: 1, 128>}, {transform_indices = @transform_6, window_bounds = array<i64: 2048, 128>}]} {
    %get3A = arith.constant 0 : index
    %get3A_0 = arith.constant 0 : index
    %get3A_1 = vector.load %arg4[%get3A, %get3A_0] : memref<2048x16xf32, #tpu.memory_space<vmem>>, vector<2048x16xf32>
    %slice3A = vector.extract_strided_slice %get3A_1 {offsets = [0, 0], sizes = [2048, 1], strides = [1, 1]} : vector<2048x16xf32> to vector<2048x1xf32>
    %get3A_2 = arith.constant 0 : index
    %get3A_3 = arith.constant 0 : index
    %get3A_4 = vector.load %arg1[%get3A_2, %get3A_3] : memref<2048x16xf32, #tpu.memory_space<vmem>>, vector<2048x16xf32>
    %get3A_5 = arith.constant 0 : index
    %get3A_6 = arith.constant 0 : index
    %get3A_7 = vector.load %arg2[%get3A_5, %get3A_6] : memref<2048x16xf32, #tpu.memory_space<vmem>>, vector<2048x16xf32>
    %add3A = arith.addf %get3A_4, %get3A_7 : vector<2048x16xf32>
    %get3A_8 = arith.constant 0 : index
    %get3A_9 = arith.constant 0 : index
    %get3A_10 = vector.load %arg3[%get3A_8, %get3A_9] : memref<2048x16xf32, #tpu.memory_space<vmem>>, vector<2048x16xf32>
    %sub3A = arith.subf %add3A, %get3A_10 : vector<2048x16xf32>
    %mul3A = vector.broadcast %slice3A : vector<2048x1xf32> to vector<2048x16xf32>
    %mul3A_11 = arith.mulf %sub3A, %mul3A : vector<2048x16xf32>
    %get3A_12 = arith.constant 0 : index
    %get3A_13 = arith.constant 0 : index
    %get3A_14 = vector.load %arg5[%get3A_12, %get3A_13] : memref<16x128xf32, #tpu.memory_space<vmem>>, vector<16x128xf32>
    %dot_general3A = arith.constant dense<0.000000e+00> : vector<2048x128xf32>
    %dot_general3A_15 = tpu.matmul %mul3A_11, %get3A_14, %dot_general3A {dimension_numbers = #tpu.dot_dimension_numbers<[1], [0], [0], [1], [0, 0, 1, 1], [], []>, transpose_lhs_hint = false} : vector<2048x16xf32>, vector<16x128xf32>, vector<2048x128xf32> -> vector<2048x128xf32>
    %get3A_16 = arith.constant 0 : index
    %get3A_17 = arith.constant 0 : index
    %get3A_18 = vector.load %arg6[%get3A_16, %get3A_17] : memref<1x128xf32, #tpu.memory_space<vmem>>, vector<1x128xf32>
    %add3A_19 = vector.broadcast %get3A_18 : vector<1x128xf32> to vector<2048x128xf32>
    %add3A_20 = arith.addf %dot_general3A_15, %add3A_19 : vector<2048x128xf32>
    %max3A = arith.constant 0.000000e+00 : f32
    %max3A_21 = vector.broadcast %max3A : f32 to vector<2048x128xf32>
    %max3A_22 = arith.maximumf %add3A_20, %max3A_21 : vector<2048x128xf32>
    %mul3A_23 = vector.broadcast %slice3A : vector<2048x1xf32> to vector<2048x128xf32>
    %mul3A_24 = arith.mulf %max3A_22, %mul3A_23 : vector<2048x128xf32>
    %swap3A = arith.constant 0 : index
    %swap3A_25 = arith.constant 0 : index
    %swap3A_26 = vector.load %arg7[%swap3A, %swap3A_25] : memref<2048x128xf32, #tpu.memory_space<vmem>>, vector<2048x128xf32>
    tpu.vector_store %arg7[%swap3A, %swap3A_25], %mul3A_24 {strides = array<i32>} : memref<2048x128xf32, #tpu.memory_space<vmem>>, vector<2048x128xf32>,
    return
  }
  func.func @transform_0(%arg0: i32) -> (i32, i32) {
    %c0_i32 = arith.constant 0 : i32
    %c0_i32_0 = arith.constant 0 : i32
    return %arg0, %c0_i32 : i32, i32
  }
  func.func @transform_1(%arg0: i32) -> (i32, i32) {
    %add3A = arith.constant 5 : i32
    %add3A_0 = arith.addi %arg0, %add3A : i32
    %c0_i32 = arith.constant 0 : i32
    %c0_i32_1 = arith.constant 0 : i32
    return %add3A_0, %c0_i32 : i32, i32
  }
  func.func @transform_2(%arg0: i32) -> (i32, i32) {
    %c0_i32 = arith.constant 0 : i32
    %c0_i32_0 = arith.constant 0 : i32
    return %arg0, %c0_i32 : i32, i32
  }
  func.func @transform_3(%arg0: i32) -> (i32, i32) {
    %c0_i32 = arith.constant 0 : i32
    %c0_i32_0 = arith.constant 0 : i32
    return %arg0, %c0_i32 : i32, i32
  }
  func.func @transform_4(%arg0: i32) -> (i32, i32) {
    %c0_i32 = arith.constant 0 : i32
    %c0_i32_0 = arith.constant 0 : i32
    %c0_i32_1 = arith.constant 0 : i32
    return %c0_i32, %c0_i32_0 : i32, i32
  }
  func.func @transform_5(%arg0: i32) -> (i32, i32) {
    %c0_i32 = arith.constant 0 : i32
    %c0_i32_0 = arith.constant 0 : i32
    %c0_i32_1 = arith.constant 0 : i32
    return %c0_i32, %c0_i32_0 : i32, i32
  }
  func.func @transform_6(%arg0: i32) -> (i32, i32) {
    %c0_i32 = arith.constant 0 : i32
    %c0_i32_0 = arith.constant 0 : i32
    return %arg0, %c0_i32 : i32, i32
  }
}

module attributes {stable_mosaic.version = 14 : i64} {
  func.func @body(%arg0: i32, %arg1: memref<2048x128xf32, #tpu.memory_space<vmem>>, %arg2: memref<2048x128xf32, #tpu.memory_space<vmem>>, %arg3: memref<2048x128xf32, #tpu.memory_space<vmem>>, %arg4: memref<2048x16xf32, #tpu.memory_space<vmem>>, %arg5: memref<128x128xf32, #tpu.memory_space<vmem>>, %arg6: memref<1x128xf32, #tpu.memory_space<vmem>>, %arg7: memref<2048x128xf32, #tpu.memory_space<vmem>>) attributes {dimension_semantics = [#tpu.dimension_semantics<arbitrary>], iteration_bounds = array<i64: 5>, scalar_prefetch = 0 : i64, scratch_operands = 0 : i64, tpu.core_type = #tpu.core_type<tc>, window_params = [{transform_indices = @transform_0, window_bounds = array<i64: 2048, 128>}, {transform_indices = @transform_1, window_bounds = array<i64: 2048, 128>}, {transform_indices = @transform_2, window_bounds = array<i64: 2048, 128>}, {transform_indices = @transform_3, window_bounds = array<i64: 2048, 16>}, {pipeline_mode = #tpu.pipeline_mode<synchronous>, transform_indices = @transform_4, window_bounds = array<i64: 128, 128>}, {pipeline_mode = #tpu.pipeline_mode<synchronous>, transform_indices = @transform_5, window_bounds = array<i64: 1, 128>}, {transform_indices = @transform_6, window_bounds = array<i64: 2048, 128>}]} {
    %get3A = arith.constant 0 : index
    %get3A_0 = arith.constant 0 : index
    %get3A_1 = vector.load %arg4[%get3A, %get3A_0] : memref<2048x16xf32, #tpu.memory_space<vmem>>, vector<2048x16xf32>
    %slice3A = vector.extract_strided_slice %get3A_1 {offsets = [0, 0], sizes = [2048, 1], strides = [1, 1]} : vector<2048x16xf32> to vector<2048x1xf32>
    %get3A_2 = arith.constant 0 : index
    %get3A_3 = arith.constant 0 : index
    %get3A_4 = vector.load %arg1[%get3A_2, %get3A_3] : memref<2048x128xf32, #tpu.memory_space<vmem>>, vector<2048x128xf32>
    %get3A_5 = arith.constant 0 : index
    %get3A_6 = arith.constant 0 : index
    %get3A_7 = vector.load %arg2[%get3A_5, %get3A_6] : memref<2048x128xf32, #tpu.memory_space<vmem>>, vector<2048x128xf32>
    %add3A = arith.addf %get3A_4, %get3A_7 : vector<2048x128xf32>
    %get3A_8 = arith.constant 0 : index
    %get3A_9 = arith.constant 0 : index
    %get3A_10 = vector.load %arg3[%get3A_8, %get3A_9] : memref<2048x128xf32, #tpu.memory_space<vmem>>, vector<2048x128xf32>
    %sub3A = arith.subf %add3A, %get3A_10 : vector<2048x128xf32>
    %mul3A = vector.broadcast %slice3A : vector<2048x1xf32> to vector<2048x128xf32>
    %mul3A_11 = arith.mulf %sub3A, %mul3A : vector<2048x128xf32>
    %get3A_12 = arith.constant 0 : index
    %get3A_13 = arith.constant 0 : index
    %get3A_14 = vector.load %arg5[%get3A_12, %get3A_13] : memref<128x128xf32, #tpu.memory_space<vmem>>, vector<128x128xf32>
    %dot_general3A = arith.constant dense<0.000000e+00> : vector<2048x128xf32>
    %dot_general3A_15 = tpu.matmul %mul3A_11, %get3A_14, %dot_general3A {dimension_numbers = #tpu.dot_dimension_numbers<[1], [0], [0], [1], [0, 0, 1, 1], [], []>, transpose_lhs_hint = false} : vector<2048x128xf32>, vector<128x128xf32>, vector<2048x128xf32> -> vector<2048x128xf32>
    %get3A_16 = arith.constant 0 : index
    %get3A_17 = arith.constant 0 : index
    %get3A_18 = vector.load %arg6[%get3A_16, %get3A_17] : memref<1x128xf32, #tpu.memory_space<vmem>>, vector<1x128xf32>
    %add3A_19 = vector.broadcast %get3A_18 : vector<1x128xf32> to vector<2048x128xf32>
    %add3A_20 = arith.addf %dot_general3A_15, %add3A_19 : vector<2048x128xf32>
    %max3A = arith.constant 0.000000e+00 : f32
    %max3A_21 = vector.broadcast %max3A : f32 to vector<2048x128xf32>
    %max3A_22 = arith.maximumf %add3A_20, %max3A_21 : vector<2048x128xf32>
    %mul3A_23 = vector.broadcast %slice3A : vector<2048x1xf32> to vector<2048x128xf32>
    %mul3A_24 = arith.mulf %max3A_22, %mul3A_23 : vector<2048x128xf32>
    %swap3A = arith.constant 0 : index
    %swap3A_25 = arith.constant 0 : index
    %swap3A_26 = vector.load %arg7[%swap3A, %swap3A_25] : memref<2048x128xf32, #tpu.memory_space<vmem>>, vector<2048x128xf32>
    tpu.vector_store %arg7[%swap3A, %swap3A_25], %mul3A_24 {strides = array<i32>} : memref<2048x128xf32, #tpu.memory_space<vmem>>, vector<2048x128xf32>,
    return
  }
  func.func @transform_0(%arg0: i32) -> (i32, i32) {
    %c0_i32 = arith.constant 0 : i32
    %c0_i32_0 = arith.constant 0 : i32
    return %arg0, %c0_i32 : i32, i32
  }
  func.func @transform_1(%arg0: i32) -> (i32, i32) {
    %add3A = arith.constant 5 : i32
    %add3A_0 = arith.addi %arg0, %add3A : i32
    %c0_i32 = arith.constant 0 : i32
    %c0_i32_1 = arith.constant 0 : i32
    return %add3A_0, %c0_i32 : i32, i32
  }
  func.func @transform_2(%arg0: i32) -> (i32, i32) {
    %c0_i32 = arith.constant 0 : i32
    %c0_i32_0 = arith.constant 0 : i32
    return %arg0, %c0_i32 : i32, i32
  }
  func.func @transform_3(%arg0: i32) -> (i32, i32) {
    %c0_i32 = arith.constant 0 : i32
    %c0_i32_0 = arith.constant 0 : i32
    return %arg0, %c0_i32 : i32, i32
  }
  func.func @transform_4(%arg0: i32) -> (i32, i32) {
    %c0_i32 = arith.constant 0 : i32
    %c0_i32_0 = arith.constant 0 : i32
    %c0_i32_1 = arith.constant 0 : i32
    return %c0_i32, %c0_i32_0 : i32, i32
  }
  func.func @transform_5(%arg0: i32) -> (i32, i32) {
    %c0_i32 = arith.constant 0 : i32
    %c0_i32_0 = arith.constant 0 : i32
    %c0_i32_1 = arith.constant 0 : i32
    return %c0_i32, %c0_i32_0 : i32, i32
  }
  func.func @transform_6(%arg0: i32) -> (i32, i32) {
    %c0_i32 = arith.constant 0 : i32
    %c0_i32_0 = arith.constant 0 : i32
    return %arg0, %c0_i32 : i32, i32
  }
}

module attributes {stable_mosaic.version = 14 : i64} {
  func.func @body(%arg0: i32, %arg1: memref<2048x128xf32, #tpu.memory_space<vmem>>, %arg2: memref<2048x128xf32, #tpu.memory_space<vmem>>, %arg3: memref<2048x128xf32, #tpu.memory_space<vmem>>, %arg4: memref<2048x16xf32, #tpu.memory_space<vmem>>, %arg5: memref<2048x1xi32, #tpu.memory_space<vmem>>, %arg6: memref<128x512xf32, #tpu.memory_space<vmem>>, %arg7: memref<1x512xf32, #tpu.memory_space<vmem>>, %arg8: memref<64x512xf32, #tpu.memory_space<vmem>>, %arg9: memref<64x128xf32, #tpu.memory_space<vmem>>, %arg10: memref<64x1xf32, #tpu.memory_space<vmem>>) attributes {dimension_semantics = [#tpu.dimension_semantics<arbitrary>], iteration_bounds = array<i64: 5>, scalar_prefetch = 0 : i64, scratch_operands = 2 : i64, tpu.core_type = #tpu.core_type<tc>, window_params = [{transform_indices = @transform_0, window_bounds = array<i64: 2048, 128>}, {transform_indices = @transform_1, window_bounds = array<i64: 2048, 128>}, {transform_indices = @transform_2, window_bounds = array<i64: 2048, 128>}, {transform_indices = @transform_3, window_bounds = array<i64: 2048, 16>}, {transform_indices = @transform_4, window_bounds = array<i64: 2048, 1>}, {pipeline_mode = #tpu.pipeline_mode<synchronous>, transform_indices = @transform_5, window_bounds = array<i64: 128, 512>}, {pipeline_mode = #tpu.pipeline_mode<synchronous>, transform_indices = @transform_6, window_bounds = array<i64: 1, 512>}, {pipeline_mode = #tpu.pipeline_mode<synchronous>, transform_indices = @transform_7, window_bounds = array<i64: 64, 512>}]} {
    %eq3A = arith.constant 0 : i32
    %eq3A_0 = arith.cmpi eq, %arg0, %eq3A : i32
    %convert_element_type3A = arith.extui %eq3A_0 : i1 to i32
    %cond3A = arith.constant 0 : i32
    %cond3A_1 = arith.cmpi ne, %convert_element_type3A, %cond3A : i32
    scf.if %cond3A_1 {
      %broadcast_in_dim3A = arith.constant 0.000000e+00 : f32
      %broadcast_in_dim3A_54 = vector.broadcast %broadcast_in_dim3A : f32 to vector<64x128xf32>
      %swap3A_55 = arith.constant 0 : index
      %swap3A_56 = arith.constant 0 : index
      %swap3A_57 = vector.load %arg9[%swap3A_55, %swap3A_56] : memref<64x128xf32, #tpu.memory_space<vmem>>, vector<64x128xf32>
      tpu.vector_store %arg9[%swap3A_55, %swap3A_56], %broadcast_in_dim3A_54 {strides = array<i32>} : memref<64x128xf32, #tpu.memory_space<vmem>>, vector<64x128xf32>,
      %broadcast_in_dim3A_58 = arith.constant 0.000000e+00 : f32
      %broadcast_in_dim3A_59 = vector.broadcast %broadcast_in_dim3A_58 : f32 to vector<64x1xf32>
      %swap3A_60 = arith.constant 0 : index
      %swap3A_61 = arith.constant 0 : index
      %swap3A_62 = vector.load %arg10[%swap3A_60, %swap3A_61] : memref<64x1xf32, #tpu.memory_space<vmem>>, vector<64x1xf32>
      tpu.vector_store %arg10[%swap3A_60, %swap3A_61], %broadcast_in_dim3A_59 {strides = array<i32>} : memref<64x1xf32, #tpu.memory_space<vmem>>, vector<64x1xf32>,
    } else {
    }
    %get3A = arith.constant 0 : index
    %get3A_2 = arith.constant 0 : index
    %get3A_3 = vector.load %arg1[%get3A, %get3A_2] : memref<2048x128xf32, #tpu.memory_space<vmem>>, vector<2048x128xf32>
    %get3A_4 = arith.constant 0 : index
    %get3A_5 = arith.constant 0 : index
    %get3A_6 = vector.load %arg2[%get3A_4, %get3A_5] : memref<2048x128xf32, #tpu.memory_space<vmem>>, vector<2048x128xf32>
    %add3A = arith.addf %get3A_3, %get3A_6 : vector<2048x128xf32>
    %get3A_7 = arith.constant 0 : index
    %get3A_8 = arith.constant 0 : index
    %get3A_9 = vector.load %arg3[%get3A_7, %get3A_8] : memref<2048x128xf32, #tpu.memory_space<vmem>>, vector<2048x128xf32>
    %sub3A = arith.subf %add3A, %get3A_9 : vector<2048x128xf32>
    %get3A_10 = arith.constant 0 : index
    %get3A_11 = arith.constant 0 : index
    %get3A_12 = vector.load %arg4[%get3A_10, %get3A_11] : memref<2048x16xf32, #tpu.memory_space<vmem>>, vector<2048x16xf32>
    %slice3A = vector.extract_strided_slice %get3A_12 {offsets = [0, 0], sizes = [2048, 1], strides = [1, 1]} : vector<2048x16xf32> to vector<2048x1xf32>
    %mul3A = vector.broadcast %slice3A : vector<2048x1xf32> to vector<2048x128xf32>
    %mul3A_13 = arith.mulf %sub3A, %mul3A : vector<2048x128xf32>
    %mul3A_14 = arith.constant 2048 : i32
    %mul3A_15 = arith.muli %arg0, %mul3A_14 : i32
    %iota3A = tpu.iota {dimensions = array<i32: 0>} : vector<2048x1xi32>
    %add3A_16 = vector.broadcast %mul3A_15 : i32 to vector<2048x1xi32>
    %add3A_17 = arith.addi %add3A_16, %iota3A : vector<2048x1xi32>
    %lt3A = arith.constant 10000 : i32
    %lt3A_18 = vector.broadcast %lt3A : i32 to vector<2048x1xi32>
    %lt3A_19 = arith.cmpi slt, %add3A_17, %lt3A_18 : vector<2048x1xi32>
    %convert_element_type3A_20 = arith.extui %lt3A_19 : vector<2048x1xi1> to vector<2048x1xi32>
    %convert_element_type3A_21 = arith.sitofp %convert_element_type3A_20 : vector<2048x1xi32> to vector<2048x1xf32>
    %get3A_22 = arith.constant 0 : index
    %get3A_23 = arith.constant 0 : index
    %get3A_24 = vector.load %arg5[%get3A_22, %get3A_23] : memref<2048x1xi32, #tpu.memory_space<vmem>>, vector<2048x1xi32>
    %iota3A_25 = tpu.iota {dimensions = array<i32: 1>} : vector<1x64xi32>
    %eq3A_26 = vector.broadcast %get3A_24 : vector<2048x1xi32> to vector<2048x64xi32>
    %eq3A_27 = vector.broadcast %iota3A_25 : vector<1x64xi32> to vector<2048x64xi32>
    %eq3A_28 = arith.cmpi eq, %eq3A_26, %eq3A_27 : vector<2048x64xi32>
    %convert_element_type3A_29 = arith.extui %eq3A_28 : vector<2048x64xi1> to vector<2048x64xi32>
    %convert_element_type3A_30 = arith.sitofp %convert_element_type3A_29 : vector<2048x64xi32> to vector<2048x64xf32>
    %mul3A_31 = vector.broadcast %convert_element_type3A_21 : vector<2048x1xf32> to vector<2048x64xf32>
    %mul3A_32 = arith.mulf %convert_element_type3A_30, %mul3A_31 : vector<2048x64xf32>
    %get3A_33 = arith.constant 0 : index
    %get3A_34 = arith.constant 0 : index
    %get3A_35 = vector.load %arg9[%get3A_33, %get3A_34] : memref<64x128xf32, #tpu.memory_space<vmem>>, vector<64x128xf32>
    %dot_general3A = arith.constant dense<0.000000e+00> : vector<64x128xf32>
    %dot_general3A_36 = tpu.matmul %mul3A_32, %mul3A_13, %dot_general3A {dimension_numbers = #tpu.dot_dimension_numbers<[0], [0], [1], [1], [0, 1, 1, 1], [], []>, transpose_lhs_hint = false} : vector<2048x64xf32>, vector<2048x128xf32>, vector<64x128xf32> -> vector<64x128xf32>
    %add3A_37 = arith.addf %get3A_35, %dot_general3A_36 : vector<64x128xf32>
    %swap3A = arith.constant 0 : index
    %swap3A_38 = arith.constant 0 : index
    %swap3A_39 = vector.load %arg9[%swap3A, %swap3A_38] : memref<64x128xf32, #tpu.memory_space<vmem>>, vector<64x128xf32>
    tpu.vector_store %arg9[%swap3A, %swap3A_38], %add3A_37 {strides = array<i32>} : memref<64x128xf32, #tpu.memory_space<vmem>>, vector<64x128xf32>,
    %get3A_40 = arith.constant 0 : index
    %get3A_41 = arith.constant 0 : index
    %get3A_42 = vector.load %arg10[%get3A_40, %get3A_41] : memref<64x1xf32, #tpu.memory_space<vmem>>, vector<64x1xf32>
    %dot_general3A_43 = arith.constant dense<0.000000e+00> : vector<64x1xf32>
    %dot_general3A_44 = tpu.matmul %mul3A_32, %convert_element_type3A_21, %dot_general3A_43 {dimension_numbers = #tpu.dot_dimension_numbers<[0], [0], [1], [1], [0, 1, 1, 1], [], []>, transpose_lhs_hint = false} : vector<2048x64xf32>, vector<2048x1xf32>, vector<64x1xf32> -> vector<64x1xf32>
    %add3A_45 = arith.addf %get3A_42, %dot_general3A_44 : vector<64x1xf32>
    %swap3A_46 = arith.constant 0 : index
    %swap3A_47 = arith.constant 0 : index
    %swap3A_48 = vector.load %arg10[%swap3A_46, %swap3A_47] : memref<64x1xf32, #tpu.memory_space<vmem>>, vector<64x1xf32>
    tpu.vector_store %arg10[%swap3A_46, %swap3A_47], %add3A_45 {strides = array<i32>} : memref<64x1xf32, #tpu.memory_space<vmem>>, vector<64x1xf32>,
    %eq3A_49 = arith.constant 4 : i32
    %eq3A_50 = arith.cmpi eq, %arg0, %eq3A_49 : i32
    %convert_element_type3A_51 = arith.extui %eq3A_50 : i1 to i32
    %cond3A_52 = arith.constant 0 : i32
    %cond3A_53 = arith.cmpi ne, %convert_element_type3A_51, %cond3A_52 : i32
    scf.if %cond3A_53 {
      %get3A_54 = arith.constant 0 : index
      %get3A_55 = arith.constant 0 : index
      %get3A_56 = vector.load %arg9[%get3A_54, %get3A_55] : memref<64x128xf32, #tpu.memory_space<vmem>>, vector<64x128xf32>
      %get3A_57 = arith.constant 0 : index
      %get3A_58 = arith.constant 0 : index
      %get3A_59 = vector.load %arg10[%get3A_57, %get3A_58] : memref<64x1xf32, #tpu.memory_space<vmem>>, vector<64x1xf32>
      %max3A = arith.constant 1.000000e+00 : f32
      %max3A_60 = vector.broadcast %max3A : f32 to vector<64x1xf32>
      %max3A_61 = arith.maximumf %get3A_59, %max3A_60 : vector<64x1xf32>
      %div3A = vector.broadcast %max3A_61 : vector<64x1xf32> to vector<64x128xf32>
      %div3A_62 = arith.divf %get3A_56, %div3A : vector<64x128xf32>
      %get3A_63 = arith.constant 0 : index
      %get3A_64 = arith.constant 0 : index
      %get3A_65 = vector.load %arg6[%get3A_63, %get3A_64] : memref<128x512xf32, #tpu.memory_space<vmem>>, vector<128x512xf32>
      %dot_general3A_66 = arith.constant dense<0.000000e+00> : vector<64x512xf32>
      %dot_general3A_67 = tpu.matmul %div3A_62, %get3A_65, %dot_general3A_66 {dimension_numbers = #tpu.dot_dimension_numbers<[1], [0], [0], [1], [0, 0, 1, 1], [], []>, transpose_lhs_hint = false} : vector<64x128xf32>, vector<128x512xf32>, vector<64x512xf32> -> vector<64x512xf32>
      %get3A_68 = arith.constant 0 : index
      %get3A_69 = arith.constant 0 : index
      %get3A_70 = vector.load %arg7[%get3A_68, %get3A_69] : memref<1x512xf32, #tpu.memory_space<vmem>>, vector<1x512xf32>
      %add3A_71 = vector.broadcast %get3A_70 : vector<1x512xf32> to vector<64x512xf32>
      %add3A_72 = arith.addf %dot_general3A_67, %add3A_71 : vector<64x512xf32>
      %swap3A_73 = arith.constant 0 : index
      %swap3A_74 = arith.constant 0 : index
      %swap3A_75 = vector.load %arg8[%swap3A_73, %swap3A_74] : memref<64x512xf32, #tpu.memory_space<vmem>>, vector<64x512xf32>
      tpu.vector_store %arg8[%swap3A_73, %swap3A_74], %add3A_72 {strides = array<i32>} : memref<64x512xf32, #tpu.memory_space<vmem>>, vector<64x512xf32>,
    } else {
    }
    return
  }
  func.func @transform_0(%arg0: i32) -> (i32, i32) {
    %c0_i32 = arith.constant 0 : i32
    %c0_i32_0 = arith.constant 0 : i32
    return %arg0, %c0_i32 : i32, i32
  }
  func.func @transform_1(%arg0: i32) -> (i32, i32) {
    %add3A = arith.constant 5 : i32
    %add3A_0 = arith.addi %arg0, %add3A : i32
    %c0_i32 = arith.constant 0 : i32
    %c0_i32_1 = arith.constant 0 : i32
    return %add3A_0, %c0_i32 : i32, i32
  }
  func.func @transform_2(%arg0: i32) -> (i32, i32) {
    %c0_i32 = arith.constant 0 : i32
    %c0_i32_0 = arith.constant 0 : i32
    return %arg0, %c0_i32 : i32, i32
  }
  func.func @transform_3(%arg0: i32) -> (i32, i32) {
    %c0_i32 = arith.constant 0 : i32
    %c0_i32_0 = arith.constant 0 : i32
    return %arg0, %c0_i32 : i32, i32
  }
  func.func @transform_4(%arg0: i32) -> (i32, i32) {
    %c0_i32 = arith.constant 0 : i32
    %c0_i32_0 = arith.constant 0 : i32
    return %arg0, %c0_i32 : i32, i32
  }
  func.func @transform_5(%arg0: i32) -> (i32, i32) {
    %c0_i32 = arith.constant 0 : i32
    %c0_i32_0 = arith.constant 0 : i32
    %c0_i32_1 = arith.constant 0 : i32
    return %c0_i32, %c0_i32_0 : i32, i32
  }
  func.func @transform_6(%arg0: i32) -> (i32, i32) {
    %c0_i32 = arith.constant 0 : i32
    %c0_i32_0 = arith.constant 0 : i32
    %c0_i32_1 = arith.constant 0 : i32
    return %c0_i32, %c0_i32_0 : i32, i32
  }
  func.func @transform_7(%arg0: i32) -> (i32, i32) {
    %c0_i32 = arith.constant 0 : i32
    %c0_i32_0 = arith.constant 0 : i32
    %c0_i32_1 = arith.constant 0 : i32
    return %c0_i32, %c0_i32_0 : i32, i32
  }
}

</mosaic_0001>

<sc_bundles>
// kernel: kernel.10.cloned.1.call-start
scs
__scs_entry_jumppad:
0x0: {  	(pc) =	sbr.rel $0x88, $3  }
0x1: {  	(tag) =	ssettag $0x0;
	lr =	simm.s32 $0x1  }
0x2: {  	[smem:$0x3F98] =	sst lr;
	_ =	strace $0xD0000000  }
0x3: {  	_ = 	snop  }
0x4: {  	_ = 	snop  }
0x5: {  	_ = 	snop  }
0x6: {  	_ = 	snop  }
0x7: {  	_ = 	snop  }
__scs_overlays_trampoline_lowered:
0x8: {  	[smem:$0x3FA7] =	sst s0  }
0x9: {  	[smem:$0x3FA8] =	sst s1  }
0xa: {  	[smem:$0x3FA9] =	sst s2  }
0xb: {  	[smem:$0x3FAA] =	sst s3  }
0xc: {  	[smem:$0x3FAB] =	sst s4  }
0xd: {  	[smem:$0x3FAC] =	sst s5  }
0xe: {  	[smem:$0x3FAD] =	sst s6  }
0xf: {  	[smem:$0x3FAE] =	sst s7  }
0x10: {  	[smem:$0x3FAF] =	sst s8  }
0x11: {  	[smem:$0x3FB0] =	sst s9;
	s0 =	simm.s32 @!p0 $0x0  }
0x12: {  	s1 =	sld [smem:$0x3F96];
	s0 =	simm.s32 @p0 $0x1  }
0x13: {  	[smem:$0x3FB1] =	sst s0;
	s0 =	simm.s32 @!p1 $0x0  }
0x14: {  	s2 =	sld [smem:$0x3F95];
	s0 =	simm.s32 @p1 $0x1  }
0x15: {  	[smem:$0x3FB2] =	sst s0;
	s0 =	simm.s32 @!p2 $0x0  }
0x16: {  	s3 =	sld [smem:$0x3FDB];
	s0 =	simm.s32 @p2 $0x1  }
0x17: {  	s4 =	simm.s32 $0x1BF5;
	[smem:$0x3FB4] =	sst s0  }
0x18: {  	s0 =	sld [smem:$0x3F97];
	_ =	swait.ge [sflag:s4], $0x0  }
0x19: {  	s7 =	sld [smem:$0x3F98]  }
0x1a: {  	s8 =	sadd.s32 $0xFFFFE003, lr  }
0x1b: {  	s9 =	sadd.s32 $0xFFFFFEF7, lr;
	s5 =	simm.s32 $0xFFFFFFFF;
	p2 =	slt.u32 s8, $0xFFFFF086  }
0x1c: {  	p1 =	slt.u32 s9, $0xF7A;
	s5 =	simm.s32 @!p2 $0x0  }
0x1d: {  	s5 =	simm.s32 @p1 $0x1;
	p0 =	seq.s32 s7, s2  }
0x1e: {  	s7 =	smul.u32 @!p0 $0xF7A, s2;
	p2 =	seq.s32 @!p0 s5, $0x0  }
0x1f: {  	s9 =	smul.u32 $0xF7A, s1;
	s8 =	simm.s32 @!p0 $0x1BF5;
	p2 =	por !p2, p0  }
0x20: {  	[sflag:s8] =	ssyncset.s32 @!p0 $0xFFFFF086;
	s6 =	sadd.s32 @!p0 s3, s7;
	s7 =	simm.s32 @!p0 $0x108  }
0x21: {  	s3 =	sadd.s32 s3, s9;
	s6 =	sadd.s32 @!p0 $0x88, s6;
	s7 =	simm.s32 @p2 $0x1082  }
0x22: {  	[simem:s7], [sflag:s8] =	dma.local @!p0 [hbm:s6], $0xF7A  }
0x23: {  	s9 =	sor.u32 $0xD0000000, s2;
	s6 =	simm.s32 $0x108;
	_ =	swait.ge @!p0 [sflag:s8], $0x0  }
0x24: {  	s3 =	sadd.s32 $0x88, s3;
	s6 =	simm.s32 @!p1 $0x1082;
	[sflag:s4] =	ssyncset.s32 $0xFFFFF086  }
0x25: {  	[simem:s6], [sflag:s4] =	dma.local [hbm:s3], $0xF7A  }
0x26: {  	[smem:$0x3F98] =	sst s1;
	(tag) =	ssettag s2;
	_ =	strace s9  }
0x27: {  	s1 =	sld [smem:$0x3FA8]  }
0x28: {  	s2 =	sld [smem:$0x3FA9]  }
0x29: {  	s4 =	sld [smem:$0x3FAB]  }
0x2a: {  	p0 =	seq.s32 s5, $0x0;
	s5 =	sld [smem:$0x3FAC]  }
0x2b: {  	s6 =	sld [smem:$0x3FAD]  }
0x2c: {  	s7 =	sld [smem:$0x3FAE]  }
0x2d: {  	s3 =	simm.s32 $0x108;
	s8 =	sld [smem:$0x3FAF]  }
0x2e: {  	s3 =	simm.s32 @!p0 $0x1082;
	s9 =	sld [smem:$0x3FB0]  }
0x2f: {  	lr =	sadd.s32 s0, s3;
	s0 =	sld [smem:$0x3FA7]  }
0x30: {  	s3 =	sld [smem:$0x3FAA]  }
0x31: {  	[smem:$0x3FB3] =	sst s10  }
0x32: {  	s10 =	sld [smem:$0x3FB1];
	_ =	sdelay $0x3  }
0x33: {  	p0 =	seq.s32 s10, $0x1;
	s10 =	sld [smem:$0x3FB3];
	_ =	sdelay $0x3  }
0x34: {  	[smem:$0x3FB3] =	sst s10  }
0x35: {  	s10 =	sld [smem:$0x3FB2];
	_ =	sdelay $0x3  }
0x36: {  	p1 =	seq.s32 s10, $0x1;
	s10 =	sld [smem:$0x3FB3];
	_ =	sdelay $0x3  }
0x37: {  	[smem:$0x3FB3] =	sst s10  }
0x38: {  	s10 =	sld [smem:$0x3FB4]  }
0x39: {  	_ = 	snop;
	(pc) =	sbr.ind lr, $3  }
0x3a: {  	_ = 	snop  }
0x3b: {  	_ = 	snop  }
0x3c: {  	p2 =	seq.s32 s10, $0x1;
	s10 =	sld [smem:$0x3FB3]  }
0x3d: {  	_ =	shalt  }
0x3e: {  	_ =	shalt  }
0x3f: {  	_ =	shalt  }
0x40: {  	_ =	shalt  }
0x41: {  	_ =	shalt  }
0x42: {  	_ =	shalt  }
0x43: {  	_ =	shalt  }
0x44: {  	_ =	shalt  }
0x45: {  	_ =	shalt  }
0x46: {  	_ =	shalt  }
0x47: {  	_ =	shalt  }
0x48: {  	_ =	shalt  }
0x49: {  	_ =	shalt  }
0x4a: {  	_ =	shalt  }
0x4b: {  	_ =	shalt  }
0x4c: {  	_ =	shalt  }
0x4d: {  	_ =	shalt  }
0x4e: {  	_ =	shalt  }
0x4f: {  	_ =	shalt  }
0x50: {  	_ =	shalt  }
0x51: {  	_ =	shalt  }
0x52: {  	_ =	shalt  }
0x53: {  	_ =	shalt  }
0x54: {  	_ =	shalt  }
0x55: {  	_ =	shalt  }
0x56: {  	_ =	shalt  }
0x57: {  	_ =	shalt  }
0x58: {  	_ =	shalt  }
0x59: {  	_ =	shalt  }
0x5a: {  	_ =	shalt  }
0x5b: {  	_ =	shalt  }
0x5c: {  	_ =	shalt  }
0x5d: {  	_ =	shalt  }
0x5e: {  	_ =	shalt  }
0x5f: {  	_ =	shalt  }
0x60: {  	_ =	shalt  }
0x61: {  	_ =	shalt  }
0x62: {  	_ =	shalt  }
0x63: {  	_ =	shalt  }
0x64: {  	_ =	shalt  }
0x65: {  	_ =	shalt  }
0x66: {  	_ =	shalt  }
0x67: {  	_ =	shalt  }
0x68: {  	_ =	shalt  }
0x69: {  	_ =	shalt  }
0x6a: {  	_ =	shalt  }
0x6b: {  	_ =	shalt  }
0x6c: {  	_ =	shalt  }
0x6d: {  	_ =	shalt  }
0x6e: {  	_ =	shalt  }
0x6f: {  	_ =	shalt  }
0x70: {  	_ =	shalt  }
0x71: {  	_ =	shalt  }
0x72: {  	_ =	shalt  }
0x73: {  	_ =	shalt  }
0x74: {  	_ =	shalt  }
0x75: {  	_ =	shalt  }
0x76: {  	_ =	shalt  }
0x77: {  	_ =	shalt  }
0x78: {  	_ =	shalt  }
0x79: {  	_ =	shalt  }
0x7a: {  	_ =	shalt  }
0x7b: {  	_ =	shalt  }
0x7c: {  	_ =	shalt  }
0x7d: {  	_ =	shalt  }
0x7e: {  	_ =	shalt  }
0x7f: {  	_ =	shalt  }
0x80: {  	_ =	shalt  }
0x81: {  	_ =	shalt  }
0x82: {  	_ =	shalt  }
0x83: {  	_ =	shalt  }
0x84: {  	_ =	shalt  }
0x85: {  	_ =	shalt  }
0x86: {  	_ =	shalt  }
0x87: {  	_ =	shalt  }
.Lfunc_end0:
.L_simem_size_0:
called_computation_lowered:
.L_overlay_start_0:
0x88: {  	s2 =	sld [smem:$0x3FD9]  }
0x89: {  	s3 =	sld [smem:$0x3FFE];
	_ =	sdelay $0x1  }
0x8a: {  	s1 =	srdreg.scid  }
0x8b: {  	s0 =	sand.u32 $0x1, s1  }
0x8c: {  	s17 =	sshll.u32 s0, $0xA;
	s2 =	sadd.s32 s3, s2  }
0x8d: {  	s2 =	sadd.s32 s2, s17  }
0x8e: {  	[smem:$0x3FBF] =	sst s2  }
0x8f: {  	_ = 	snop  }
0x90: {  	s2 =	sld [smem:$0x3FD0];
	(tm) =	ssettm $0x1  }
0x91: {  	s18 =	sld [smem:$0x3FFB];
	_ =	sdelay $0x3  }
0x92: {  	_ =	strace s18  }
0x93: {  	s3 =	sld [smem:$0x3FFC];
	_ =	sdelay $0x3  }
0x94: {  	_ =	strace s3  }
0x95: {  	s3 =	sld [smem:$0x3FFD];
	_ =	sdelay $0x3  }
0x96: {  	_ =	strace s3  }
0x97: {  	_ =	strace $0x8FFFFFFF  }
0x98: {  	s19 =	sld [smem:$0x3FDB];
	_ =	sdelay $0x1  }
0x99: {  	s4 =	simm.s32 $_scs_section_size  }
0x9a: {  	s5 =	simm.s32 $_size__tile_overlayer_lowered;
	s6 =	simm.s32 $_tile_overlayer_lowered  }
0x9b: {  	s22 =	simm.s32 $0x1BFF;
	s21 =	sshll.u32 s6, $0x1;
	s3 =	sadd.s32 s4, s19  }
0x9c: {  	s7 =	simm.s32 $0x0;
	s20 =	sshll.u32 s5, $0x1;
	s5 =	sadd.s32 s21, s3  }
0x9d: {  	[timem:s7], [sflag:s22] =	dma.local [hbm:s5], s20  }
0x9e: {  	_ =	swait.ge [sflag:s22], s20  }
0x9f: {  	s4 =	ssub.s32 $0x0, s20;
	[sflag:s22] =	ssyncset.done $0x0  }
0xa0: {  	[sflag:s22] =	ssyncadd.s32 s4;
	_ =	sdelay $0x1  }
0xa1: {  	s23 =	simm.s32 $0x1B8B  }
0xa2: {  	_ =	swait.ge [sflag:s23], $0x1  }
0xa3: {  	[sflag:s23] =	ssyncset.done $0x0  }
0xa4: {  	s25 =	simm.s32 $0x1B8E;
	s24 =	sld [smem:$0x3FFE];
	[sflag:s23] =	ssyncadd.s32 $0xFFFFFFFF  }
0xa5: {  	s26 =	simm.s32 $execute0_lowered;
	[smem:$0x3FD2] =	sst s25  }
0xa6: {  	s5 =	sshll.u32 s26, $0x1;
	_ =	strace $0x80000046;
	[dreg:$0x1] =	wrdreg $0xFFFFFFFF  }
0xa7: {  	s28 =	simm.s32 $_size_execute0_lowered;
	s3 =	sadd.s32 s3, s5;
	[dreg:$0x0] =	wrdreg $0x0  }
0xa8: {  	s5 =	sshll.u32 s28, $0x1;
	[dreg:$0x2] =	wrdreg s3  }
0xa9: {  	[dreg:$0x3] =	wrdreg s5  }
0xaa: {  	[dreg:$0x4] =	wrdreg $0xC0  }
0xab: {  	_ =	task [dreg:s7], $0x5FFFF  }
0xac: {  	[dreg:$0x1] =	wrdreg $0xFFFFFFFF  }
0xad: {  	[dreg:$0x0] =	wrdreg $0x60  }
0xae: {  	[dreg:$0x2] =	wrdreg s24  }
0xaf: {  	[dreg:$0x3] =	wrdreg s2  }
0xb0: {  	[dreg:$0x4] =	wrdreg $0x58000  }
0xb1: {  	[dreg:$0x5] =	wrdreg $0x9  }
0xb2: {  	_ =	task.clear_ibuf [dreg:s7], $0x6FFFF;
	_ =	strace $0x90000046  }
0xb3: {  	s29 =	simm.s32 $0x9;
	_ =	strace $0x80000048  }
0xb4: {  	_ =	swait.ge [sflag:s29], $0x1  }
0xb5: {  	[sflag:s29] =	ssyncadd.s32 $0xFFFFFFFF  }
0xb6: {  	_ =	strace $0x90000048  }
0xb7: {  	_ =	sfence  }
0xb8: {  	s30 =	sld [smem:$0x0];
	_ =	sdelay $0x2  }
0xb9: {  	s31 =	sshll.u32 s1, $0xD;
	s1 =	sshrl.u32 s1, $0x2  }
0xba: {  	s3 =	sand.u32 $0x4000, s31;
	s1 =	sadd.s32 s1, s30  }
0xbb: {  	s0 =	sor.u32 s3, s0;
	s1 =	sshll.u32 s1, $0x11  }
0xbc: {  	s0 =	sor.u32 s1, s0  }
0xbd: {  	s0 =	sadd.s32 $0x8F2B, s0  }
0xbe: {  	[sflag:s0] =	ssyncadd.remote.s32 $0x1  }
0xbf: {  	_ =	sfence.sel $0xFFFF  }
0xc0: {  	[dreg:$0x0] =	wrdreg $0xFFFFFFFF;
	(pc) =	sbr.abs _section_cstart, $3  }
0xc1: {  	[dreg:$0x1] =	wrdreg $0xFFFFFFFF  }
0xc2: {  	_ =	task.clear_ibuf [dreg:s7], $0x2FFFF;
	_ =	strace $0x9FFFFFFF  }
0xc3: {  	(tm) =	ssettm $0x7FFFFFFF  }
tec
execute0_lowered:
.L_overlay_start_1:
0x0: {  	(tag) =	ssettag $0x1  }
0x1: {  	s6 =	rddreg [dreg:$0x0]  }
0x2: {  	s2 =	rddreg [dreg:$0x1]  }
0x3: {  	s0 =	srdreg.scid;
	s3 =	rddreg [dreg:$0x2]  }
0x4: {  	s4 =	simm.s32 $0x0;
	s5 =	sand.u32 $0x1, s0;
	s0 =	stileid.u32  }
0x5: {  	s15 =	simm.s32 $0x5000;
	s16 =	simm.s32 $0x80;
	s8 =	smul.u32 $0x500, s0  }
0x6: {  	s17 =	simm.s32 $0x1;
	s18 =	simm.s32 $0x0;
	s9 =	smul.u32 $0x5000, s5  }
0x7: {  	[smem:$0x7FF] =	sst s4;
	s1 =	sshll.u32 s5, $0x4;
	s10 =	smul.u32 $0xA000, s0  }
0x8: {  	s5 =	ssub.s32 $0x2, s5;
	s31 =	sshll.u32 s0, $0x6;
	s1 =	sor.u32 s0, s1  }
0x9: {  	s28 =	sshrl.u32 s5, $0x1;
	s7 =	smul.u32 $0xA00, s1;
	s1 =	rddreg [dreg:$0x3]  }
0xa: {  	_ =	strace $0x80000047;
	s8 =	sadd.s32 s8, s9;
	s29 =	sshrl.u32 s10, $0x2  }
0xb: {  	s30 =	ssub.s32 s5, s28;
	s5 =	sor.u32 $0x1C02, s31;
	s10 =	simm.s32 $0x2  }
0xc: {  	s8 =	sadd.s32 s8, s6;
	s9 =	sadd.s32 s29, s3;
	s7 =	sadd.s32 s7, s6  }
0xd: {  	s11 =	sadd.s32 $0x800, s9;
	s12 =	sadd.s32 $0x1000, s9;
	s13 =	sadd.s32 $0x1800, s9  }
0xe: {  	s14 =	sadd.s32 $0x2000, s9;
	s9 =	sshrl.u32 s9, $0x3;
	s6 =	sadd.s32 $0x3800, s7  }
0xf: {  	s7 =	sadd.s32 $0x17800, s8;
	s8 =	smax.u32 s30, $0x1;
	s11 =	sshrl.u32 s11, $0x3  }
0x10: {  	s12 =	sshrl.u32 s12, $0x3;
	s13 =	sshrl.u32 s13, $0x3;
	s14 =	sshrl.u32 s14, $0x3  }
.LBB2_1:
0x11: {  	[spmem:s9], [sflag:s5] =	dma.local [hbm:s2], $0x100  }
0x12: {  	_ =	swait.ge [sflag:s10], $0x100  }
0x13: {  	[sflag:s10] =	ssyncset.done $0x0  }
0x14: {  	[sflag:s10] =	ssyncadd.s32 $0xFFFFFF00  }
0x15: {  	[spmem:s11], [sflag:s5] =	dma.local [hbm:s2], $0x100  }
0x16: {  	_ =	swait.ge [sflag:s10], $0x100  }
0x17: {  	[sflag:s10] =	ssyncset.done $0x0  }
0x18: {  	[sflag:s10] =	ssyncadd.s32 $0xFFFFFF00  }
0x19: {  	[spmem:s12], [sflag:s5] =	dma.local [hbm:s2], $0x100  }
0x1a: {  	_ =	swait.ge [sflag:s10], $0x100  }
0x1b: {  	[sflag:s10] =	ssyncset.done $0x0  }
0x1c: {  	[sflag:s10] =	ssyncadd.s32 $0xFFFFFF00  }
0x1d: {  	[spmem:s13], [sflag:s5] =	dma.local [hbm:s2], $0x100  }
0x1e: {  	_ =	swait.ge [sflag:s10], $0x100  }
0x1f: {  	[sflag:s10] =	ssyncset.done $0x0  }
0x20: {  	[sflag:s10] =	ssyncadd.s32 $0xFFFFFF00  }
0x21: {  	[spmem:s14], [sflag:s5] =	dma.local [hbm:s2], $0x100  }
0x22: {  	_ =	swait.ge [sflag:s10], $0x100  }
0x23: {  	[sflag:s10] =	ssyncset.done $0x0  }
0x24: {  	[sflag:s10] =	ssyncadd.s32 $0xFFFFFF00  }
0x25: {  	[tilespmem:s15], [sflag:$0x2] =	stream.linear.gather [hbm4b:s2+s4], $0x800, $0x38;
	[tilespmem:$0x8000] =	vst v63  }
0x26: {  	_ =	swait.ge [sflag:s10], $0x800  }
0x27: {  	[sflag:s10] =	ssyncset.done $0x0  }
0x28: {  	[sflag:s10] =	ssyncadd.s32 $0xFFFFF800  }
0x29: {  	[tilespmem:s4], [sflag:$0x2] =	stream.linear.gather [hbm4b:s6+s4], $0x5000, $0x38;
	[tilespmem:$0x8000] =	vst v63  }
0x2a: {  	_ =	swait.ge [sflag:s10], $0x5000  }
0x2b: {  	[sflag:s10] =	ssyncset.done $0x0  }
0x2c: {  	[sflag:s10] =	ssyncadd.s32 $0xFFFFB000  }
0x2d: {  	s19 =	simm.s32 $0x0;
	[bflag:$0x0] =	sbarrier.arrive $0xFFFF  }
0x2e: {  	[spmem:s3] =	stream.indirect.scatter.add.f32 [tilespmem:s15], [sflag:$0x1], $0x10, s19, s16, $0xb8;
	[tilespmem:$0x8000] =	vst v63  }
0x2f: {  	s24 =	simm.s32 $0x80  }
0x30: {  	[spmem:s3] =	stream.indirect.scatter.add.f32 [tilespmem:s15], [sflag:$0x1], $0x10, s24, s16, $0xb8;
	[tilespmem:$0x8000] =	vst v63  }
0x31: {  	s25 =	simm.s32 $0x100  }
0x32: {  	[spmem:s3] =	stream.indirect.scatter.add.f32 [tilespmem:s15], [sflag:$0x1], $0x10, s25, s16, $0xb8;
	[tilespmem:$0x8000] =	vst v63  }
0x33: {  	s26 =	simm.s32 $0x180  }
0x34: {  	[spmem:s3] =	stream.indirect.scatter.add.f32 [tilespmem:s15], [sflag:$0x1], $0x10, s26, s16, $0xb8;
	[tilespmem:$0x8000] =	vst v63  }
0x35: {  	s28 =	simm.s32 $0x200  }
0x36: {  	[spmem:s3] =	stream.indirect.scatter.add.f32 [tilespmem:s15], [sflag:$0x1], $0x10, s28, s16, $0xb8;
	[tilespmem:$0x8000] =	vst v63  }
0x37: {  	s29 =	simm.s32 $0x280  }
0x38: {  	[spmem:s3] =	stream.indirect.scatter.add.f32 [tilespmem:s15], [sflag:$0x1], $0x10, s29, s16, $0xb8;
	[tilespmem:$0x8000] =	vst v63  }
0x39: {  	s30 =	simm.s32 $0x300  }
0x3a: {  	[spmem:s3] =	stream.indirect.scatter.add.f32 [tilespmem:s15], [sflag:$0x1], $0x10, s30, s16, $0xb8;
	[tilespmem:$0x8000] =	vst v63  }
0x3b: {  	s31 =	simm.s32 $0x380  }
0x3c: {  	[spmem:s3] =	stream.indirect.scatter.add.f32 [tilespmem:s15], [sflag:$0x1], $0x10, s31, s16, $0xb8;
	[tilespmem:$0x8000] =	vst v63  }
0x3d: {  	_ =	swait.ge [sflag:s17], $0x800  }
0x3e: {  	[sflag:s17] =	ssyncset.done $0x0  }
0x3f: {  	[sflag:s17] =	ssyncadd.s32 $0xFFFFF800  }
0x40: {  	_ =	swait.ge [sflag:s17], $0x800  }
0x41: {  	[sflag:s17] =	ssyncset.done $0x0  }
0x42: {  	[sflag:s17] =	ssyncadd.s32 $0xFFFFF800  }
0x43: {  	_ =	swait.ge [sflag:s17], $0x800  }
0x44: {  	[sflag:s17] =	ssyncset.done $0x0  }
0x45: {  	[sflag:s17] =	ssyncadd.s32 $0xFFFFF800  }
0x46: {  	_ =	swait.ge [sflag:s17], $0x800  }
0x47: {  	[sflag:s17] =	ssyncset.done $0x0  }
0x48: {  	[sflag:s17] =	ssyncadd.s32 $0xFFFFF800  }
0x49: {  	_ =	swait.ge [sflag:s17], $0x800  }
0x4a: {  	[sflag:s17] =	ssyncset.done $0x0  }
0x4b: {  	[sflag:s17] =	ssyncadd.s32 $0xFFFFF800  }
0x4c: {  	_ =	swait.ge [sflag:s17], $0x800  }
0x4d: {  	[sflag:s17] =	ssyncset.done $0x0  }
0x4e: {  	[sflag:s17] =	ssyncadd.s32 $0xFFFFF800  }
0x4f: {  	_ =	swait.ge [sflag:s17], $0x800  }
0x50: {  	[sflag:s17] =	ssyncset.done $0x0  }
0x51: {  	[sflag:s17] =	ssyncadd.s32 $0xFFFFF800  }
0x52: {  	_ =	swait.ge [sflag:s17], $0x800  }
0x53: {  	s21 =	simm.s32 $0x2000;
	s19 =	simm.s32 $0x1000;
	[sflag:s17] =	ssyncset.done $0x0  }
.LBB2_2:
0x54: {  	s22 =	sshra.s32 s19, $0x2  }
0x55: {  	[sflag:s17] =	ssyncadd.s32 $0xFFFFF800;
	s19 =	smov.u32 s21;
	s20 =	sadd.s32 $0x1000, s21  }
0x56: {  	[spmem:s3] =	stream.indirect.scatter.add.f32 [tilespmem:s15], [sflag:$0x1], $0x10, s22, s16, $0xb8;
	[tilespmem:$0x8000] =	vst v63  }
0x57: {  	p0 =	sne.s32 s21, $0x13000;
	s21 =	sadd.s32 $0x80, s22  }
0x58: {  	[spmem:s3] =	stream.indirect.scatter.add.f32 [tilespmem:s15], [sflag:$0x1], $0x10, s21, s16, $0xb8;
	[tilespmem:$0x8000] =	vst v63  }
0x59: {  	s21 =	sadd.s32 $0x100, s22  }
0x5a: {  	[spmem:s3] =	stream.indirect.scatter.add.f32 [tilespmem:s15], [sflag:$0x1], $0x10, s21, s16, $0xb8;
	[tilespmem:$0x8000] =	vst v63  }
0x5b: {  	s21 =	sadd.s32 $0x180, s22  }
0x5c: {  	[spmem:s3] =	stream.indirect.scatter.add.f32 [tilespmem:s15], [sflag:$0x1], $0x10, s21, s16, $0xb8;
	[tilespmem:$0x8000] =	vst v63  }
0x5d: {  	s21 =	sadd.s32 $0x200, s22  }
0x5e: {  	[spmem:s3] =	stream.indirect.scatter.add.f32 [tilespmem:s15], [sflag:$0x1], $0x10, s21, s16, $0xb8;
	[tilespmem:$0x8000] =	vst v63  }
0x5f: {  	s21 =	sadd.s32 $0x280, s22  }
0x60: {  	[spmem:s3] =	stream.indirect.scatter.add.f32 [tilespmem:s15], [sflag:$0x1], $0x10, s21, s16, $0xb8;
	[tilespmem:$0x8000] =	vst v63  }
0x61: {  	s21 =	sadd.s32 $0x300, s22  }
0x62: {  	[spmem:s3] =	stream.indirect.scatter.add.f32 [tilespmem:s15], [sflag:$0x1], $0x10, s21, s16, $0xb8;
	[tilespmem:$0x8000] =	vst v63  }
0x63: {  	s21 =	sadd.s32 $0x380, s22  }
0x64: {  	[spmem:s3] =	stream.indirect.scatter.add.f32 [tilespmem:s15], [sflag:$0x1], $0x10, s21, s16, $0xb8;
	[tilespmem:$0x8000] =	vst v63  }
0x65: {  	_ =	swait.ge [sflag:s17], $0x800  }
0x66: {  	[sflag:s17] =	ssyncset.done $0x0  }
0x67: {  	[sflag:s17] =	ssyncadd.s32 $0xFFFFF800  }
0x68: {  	_ =	swait.ge [sflag:s17], $0x800  }
0x69: {  	[sflag:s17] =	ssyncset.done $0x0  }
0x6a: {  	[sflag:s17] =	ssyncadd.s32 $0xFFFFF800  }
0x6b: {  	_ =	swait.ge [sflag:s17], $0x800  }
0x6c: {  	[sflag:s17] =	ssyncset.done $0x0  }
0x6d: {  	[sflag:s17] =	ssyncadd.s32 $0xFFFFF800  }
0x6e: {  	_ =	swait.ge [sflag:s17], $0x800  }
0x6f: {  	[sflag:s17] =	ssyncset.done $0x0  }
0x70: {  	[sflag:s17] =	ssyncadd.s32 $0xFFFFF800  }
0x71: {  	_ =	swait.ge [sflag:s17], $0x800  }
0x72: {  	[sflag:s17] =	ssyncset.done $0x0  }
0x73: {  	[sflag:s17] =	ssyncadd.s32 $0xFFFFF800  }
0x74: {  	_ =	swait.ge [sflag:s17], $0x800  }
0x75: {  	[sflag:s17] =	ssyncset.done $0x0  }
0x76: {  	[sflag:s17] =	ssyncadd.s32 $0xFFFFF800  }
.Ltmp0:
0x77: {  	_ =	swait.ge [sflag:s17], $0x800;
	(pc) =	sbr.rel @p0 .LBB2_2-.Ltmp0, $4  }
0x78: {  	[sflag:s17] =	ssyncset.done $0x0  }
0x79: {  	[sflag:s17] =	ssyncadd.s32 $0xFFFFF800  }
0x7a: {  	_ =	swait.ge [sflag:s17], $0x800  }
0x7b: {  	s21 =	smov.u32 s20;
	[sflag:s17] =	ssyncset.done $0x0  }
0x7c: {  	s19 =	sshra.s32 s19, $0x2;
	[sflag:s17] =	ssyncadd.s32 $0xFFFFF800  }
0x7d: {  	[spmem:s3] =	stream.indirect.scatter.add.f32 [tilespmem:s15], [sflag:$0x1], $0x10, s19, s16, $0xb8;
	[tilespmem:$0x8000] =	vst v63  }
0x7e: {  	s20 =	sadd.s32 $0x80, s19  }
0x7f: {  	[spmem:s3] =	stream.indirect.scatter.add.f32 [tilespmem:s15], [sflag:$0x1], $0x10, s20, s16, $0xb8;
	[tilespmem:$0x8000] =	vst v63  }
0x80: {  	s26 =	sadd.s32 $0x100, s19  }
0x81: {  	[spmem:s3] =	stream.indirect.scatter.add.f32 [tilespmem:s15], [sflag:$0x1], $0x10, s26, s16, $0xb8;
	[tilespmem:$0x8000] =	vst v63  }
0x82: {  	s28 =	sadd.s32 $0x180, s19  }
0x83: {  	[spmem:s3] =	stream.indirect.scatter.add.f32 [tilespmem:s15], [sflag:$0x1], $0x10, s28, s16, $0xb8;
	[tilespmem:$0x8000] =	vst v63  }
0x84: {  	s29 =	sadd.s32 $0x200, s19  }
0x85: {  	[spmem:s3] =	stream.indirect.scatter.add.f32 [tilespmem:s15], [sflag:$0x1], $0x10, s29, s16, $0xb8;
	[tilespmem:$0x8000] =	vst v63  }
0x86: {  	s30 =	sadd.s32 $0x280, s19  }
0x87: {  	[spmem:s3] =	stream.indirect.scatter.add.f32 [tilespmem:s15], [sflag:$0x1], $0x10, s30, s16, $0xb8;
	[tilespmem:$0x8000] =	vst v63  }
0x88: {  	s31 =	sadd.s32 $0x300, s19  }
0x89: {  	[spmem:s3] =	stream.indirect.scatter.add.f32 [tilespmem:s15], [sflag:$0x1], $0x10, s31, s16, $0xb8;
	[tilespmem:$0x8000] =	vst v63  }
0x8a: {  	s19 =	sadd.s32 $0x380, s19  }
0x8b: {  	[spmem:s3] =	stream.indirect.scatter.add.f32 [tilespmem:s15], [sflag:$0x1], $0x10, s19, s16, $0xb8;
	[tilespmem:$0x8000] =	vst v63  }
0x8c: {  	_ =	swait.ge [sflag:s17], $0x800  }
0x8d: {  	[sflag:s17] =	ssyncset.done $0x0  }
0x8e: {  	[sflag:s17] =	ssyncadd.s32 $0xFFFFF800  }
0x8f: {  	_ =	swait.ge [sflag:s17], $0x800  }
0x90: {  	[sflag:s17] =	ssyncset.done $0x0  }
0x91: {  	[sflag:s17] =	ssyncadd.s32 $0xFFFFF800  }
0x92: {  	_ =	swait.ge [sflag:s17], $0x800  }
0x93: {  	[sflag:s17] =	ssyncset.done $0x0  }
0x94: {  	[sflag:s17] =	ssyncadd.s32 $0xFFFFF800  }
0x95: {  	_ =	swait.ge [sflag:s17], $0x800  }
0x96: {  	[sflag:s17] =	ssyncset.done $0x0  }
0x97: {  	[sflag:s17] =	ssyncadd.s32 $0xFFFFF800  }
0x98: {  	_ =	swait.ge [sflag:s17], $0x800  }
0x99: {  	[sflag:s17] =	ssyncset.done $0x0  }
0x9a: {  	[sflag:s17] =	ssyncadd.s32 $0xFFFFF800  }
0x9b: {  	_ =	swait.ge [sflag:s17], $0x800  }
0x9c: {  	[sflag:s17] =	ssyncset.done $0x0  }
0x9d: {  	[sflag:s17] =	ssyncadd.s32 $0xFFFFF800  }
0x9e: {  	_ =	swait.ge [sflag:s17], $0x800  }
0x9f: {  	[sflag:s17] =	ssyncset.done $0x0  }
0xa0: {  	[sflag:s17] =	ssyncadd.s32 $0xFFFFF800  }
0xa1: {  	_ =	swait.ge [sflag:s17], $0x800  }
0xa2: {  	s18 =	sadd.s32 $0x1, s18;
	[sflag:s17] =	ssyncset.done $0x0  }
0xa3: {  	p0 =	sne.s32 s18, s8;
	[sflag:s17] =	ssyncadd.s32 $0xFFFFF800  }
.Ltmp1:
0xa4: {  	[bflag:$0x0] =	sbarrier.arrive $0xFFFF;
	(pc) =	sbr.rel @p0 .LBB2_1-.Ltmp1, $4  }
0xa5: {  	[hbm:s7], [sflag:s5] =	dma.local [spmem:s9], $0x500  }
0xa6: {  	_ =	swait.ge [sflag:s10], $0x500  }
0xa7: {  	[sflag:s10] =	ssyncset.done $0x0  }
0xa8: {  	[sflag:s10] =	ssyncadd.s32 $0xFFFFFB00  }
0xa9: {  	_ =	sfence.sel $0x180000  }
0xaa: {  	[bflag:$0x0] =	sbarrier.arrive $0xFFFF  }
0xab: {  	p0 =	sne.s32 s0, $0x0;
	_ =	strace $0x90000047  }
0xac: {  	s0 =	sadd.s32 @!p0 $0x100000, s1;
	[bflag:$0x2] =	sbarrier.arrive $0xFFFF  }
0xad: {  	[sflag:s0] =	ssyncadd.tile.s32 @!p0 $0x1;
	_ =	shalt  }
.Lfunc_end2:
_tile_overlayer_lowered:
.L_overlay_start_2:
0xae: {  	(tag) =	ssettag $0x2  }
0xaf: {  	s0 =	rddreg [dreg:$0x0];
	s2 =	stileid.u32  }
0xb0: {  	s1 =	rddreg [dreg:$0x1];
	p0 =	sne.s32 s2, $0x0  }
0xb1: {  	s3 =	rddreg [dreg:$0x2];
	[bflag:$0x3] =	sbarrier.arrive $0xFFFF;
	s2 =	simm.s32 @!p0 $0x1C02  }
0xb2: {  	[timem:s3], [sflag:s2] =	dma.local @!p0 [hbm:s0], s1  }
0xb3: {  	s0 =	simm.s32 @!p0 $0x2  }
0xb4: {  	_ =	swait.ge @!p0 [sflag:s0], s1  }
0xb5: {  	s1 =	ssub.s32 @!p0 $0x0, s1;
	[sflag:s0] =	ssyncset.done @!p0 $0x0  }
0xb6: {  	[sflag:s0] =	ssyncadd.s32 @!p0 s1  }
0xb7: {  	[bflag:$0x3] =	sbarrier.arrive $0xFFFF  }
0xb8: {  	_ =	shalt  }

// kernel: kernel.13.cloned.1.call-start
scs
__scs_entry_jumppad:
0x0: {  	(pc) =	sbr.rel $0x88, $3  }
0x1: {  	(tag) =	ssettag $0x0;
	lr =	simm.s32 $0x1  }
0x2: {  	[smem:$0x3F98] =	sst lr;
	_ =	strace $0xD0000000  }
0x3: {  	_ = 	snop  }
0x4: {  	_ = 	snop  }
0x5: {  	_ = 	snop  }
0x6: {  	_ = 	snop  }
0x7: {  	_ = 	snop  }
__scs_overlays_trampoline_lowered:
0x8: {  	[smem:$0x3FA7] =	sst s0  }
0x9: {  	[smem:$0x3FA8] =	sst s1  }
0xa: {  	[smem:$0x3FA9] =	sst s2  }
0xb: {  	[smem:$0x3FAA] =	sst s3  }
0xc: {  	[smem:$0x3FAB] =	sst s4  }
0xd: {  	[smem:$0x3FAC] =	sst s5  }
0xe: {  	[smem:$0x3FAD] =	sst s6  }
0xf: {  	[smem:$0x3FAE] =	sst s7  }
0x10: {  	[smem:$0x3FAF] =	sst s8  }
0x11: {  	[smem:$0x3FB0] =	sst s9;
	s0 =	simm.s32 @!p0 $0x0  }
0x12: {  	s1 =	sld [smem:$0x3F96];
	s0 =	simm.s32 @p0 $0x1  }
0x13: {  	[smem:$0x3FB1] =	sst s0;
	s0 =	simm.s32 @!p1 $0x0  }
0x14: {  	s2 =	sld [smem:$0x3F95];
	s0 =	simm.s32 @p1 $0x1  }
0x15: {  	[smem:$0x3FB2] =	sst s0;
	s0 =	simm.s32 @!p2 $0x0  }
0x16: {  	s3 =	sld [smem:$0x3FDB];
	s0 =	simm.s32 @p2 $0x1  }
0x17: {  	s4 =	simm.s32 $0x1BF5;
	[smem:$0x3FB4] =	sst s0  }
0x18: {  	s0 =	sld [smem:$0x3F97];
	_ =	swait.ge [sflag:s4], $0x0  }
0x19: {  	s7 =	sld [smem:$0x3F98]  }
0x1a: {  	s8 =	sadd.s32 $0xFFFFE003, lr  }
0x1b: {  	s9 =	sadd.s32 $0xFFFFFEF7, lr;
	s5 =	simm.s32 $0xFFFFFFFF;
	p2 =	slt.u32 s8, $0xFFFFF086  }
0x1c: {  	p1 =	slt.u32 s9, $0xF7A;
	s5 =	simm.s32 @!p2 $0x0  }
0x1d: {  	s5 =	simm.s32 @p1 $0x1;
	p0 =	seq.s32 s7, s2  }
0x1e: {  	s7 =	smul.u32 @!p0 $0xF7A, s2;
	p2 =	seq.s32 @!p0 s5, $0x0  }
0x1f: {  	s9 =	smul.u32 $0xF7A, s1;
	s8 =	simm.s32 @!p0 $0x1BF5;
	p2 =	por !p2, p0  }
0x20: {  	[sflag:s8] =	ssyncset.s32 @!p0 $0xFFFFF086;
	s6 =	sadd.s32 @!p0 s3, s7;
	s7 =	simm.s32 @!p0 $0x108  }
0x21: {  	s3 =	sadd.s32 s3, s9;
	s6 =	sadd.s32 @!p0 $0x88, s6;
	s7 =	simm.s32 @p2 $0x1082  }
0x22: {  	[simem:s7], [sflag:s8] =	dma.local @!p0 [hbm:s6], $0xF7A  }
0x23: {  	s9 =	sor.u32 $0xD0000000, s2;
	s6 =	simm.s32 $0x108;
	_ =	swait.ge @!p0 [sflag:s8], $0x0  }
0x24: {  	s3 =	sadd.s32 $0x88, s3;
	s6 =	simm.s32 @!p1 $0x1082;
	[sflag:s4] =	ssyncset.s32 $0xFFFFF086  }
0x25: {  	[simem:s6], [sflag:s4] =	dma.local [hbm:s3], $0xF7A  }
0x26: {  	[smem:$0x3F98] =	sst s1;
	(tag) =	ssettag s2;
	_ =	strace s9  }
0x27: {  	s1 =	sld [smem:$0x3FA8]  }
0x28: {  	s2 =	sld [smem:$0x3FA9]  }
0x29: {  	s4 =	sld [smem:$0x3FAB]  }
0x2a: {  	p0 =	seq.s32 s5, $0x0;
	s5 =	sld [smem:$0x3FAC]  }
0x2b: {  	s6 =	sld [smem:$0x3FAD]  }
0x2c: {  	s7 =	sld [smem:$0x3FAE]  }
0x2d: {  	s3 =	simm.s32 $0x108;
	s8 =	sld [smem:$0x3FAF]  }
0x2e: {  	s3 =	simm.s32 @!p0 $0x1082;
	s9 =	sld [smem:$0x3FB0]  }
0x2f: {  	lr =	sadd.s32 s0, s3;
	s0 =	sld [smem:$0x3FA7]  }
0x30: {  	s3 =	sld [smem:$0x3FAA]  }
0x31: {  	[smem:$0x3FB3] =	sst s10  }
0x32: {  	s10 =	sld [smem:$0x3FB1];
	_ =	sdelay $0x3  }
0x33: {  	p0 =	seq.s32 s10, $0x1;
	s10 =	sld [smem:$0x3FB3];
	_ =	sdelay $0x3  }
0x34: {  	[smem:$0x3FB3] =	sst s10  }
0x35: {  	s10 =	sld [smem:$0x3FB2];
	_ =	sdelay $0x3  }
0x36: {  	p1 =	seq.s32 s10, $0x1;
	s10 =	sld [smem:$0x3FB3];
	_ =	sdelay $0x3  }
0x37: {  	[smem:$0x3FB3] =	sst s10  }
0x38: {  	s10 =	sld [smem:$0x3FB4]  }
0x39: {  	_ = 	snop;
	(pc) =	sbr.ind lr, $3  }
0x3a: {  	_ = 	snop  }
0x3b: {  	_ = 	snop  }
0x3c: {  	p2 =	seq.s32 s10, $0x1;
	s10 =	sld [smem:$0x3FB3]  }
0x3d: {  	_ =	shalt  }
0x3e: {  	_ =	shalt  }
0x3f: {  	_ =	shalt  }
0x40: {  	_ =	shalt  }
0x41: {  	_ =	shalt  }
0x42: {  	_ =	shalt  }
0x43: {  	_ =	shalt  }
0x44: {  	_ =	shalt  }
0x45: {  	_ =	shalt  }
0x46: {  	_ =	shalt  }
0x47: {  	_ =	shalt  }
0x48: {  	_ =	shalt  }
0x49: {  	_ =	shalt  }
0x4a: {  	_ =	shalt  }
0x4b: {  	_ =	shalt  }
0x4c: {  	_ =	shalt  }
0x4d: {  	_ =	shalt  }
0x4e: {  	_ =	shalt  }
0x4f: {  	_ =	shalt  }
0x50: {  	_ =	shalt  }
0x51: {  	_ =	shalt  }
0x52: {  	_ =	shalt  }
0x53: {  	_ =	shalt  }
0x54: {  	_ =	shalt  }
0x55: {  	_ =	shalt  }
0x56: {  	_ =	shalt  }
0x57: {  	_ =	shalt  }
0x58: {  	_ =	shalt  }
0x59: {  	_ =	shalt  }
0x5a: {  	_ =	shalt  }
0x5b: {  	_ =	shalt  }
0x5c: {  	_ =	shalt  }
0x5d: {  	_ =	shalt  }
0x5e: {  	_ =	shalt  }
0x5f: {  	_ =	shalt  }
0x60: {  	_ =	shalt  }
0x61: {  	_ =	shalt  }
0x62: {  	_ =	shalt  }
0x63: {  	_ =	shalt  }
0x64: {  	_ =	shalt  }
0x65: {  	_ =	shalt  }
0x66: {  	_ =	shalt  }
0x67: {  	_ =	shalt  }
0x68: {  	_ =	shalt  }
0x69: {  	_ =	shalt  }
0x6a: {  	_ =	shalt  }
0x6b: {  	_ =	shalt  }
0x6c: {  	_ =	shalt  }
0x6d: {  	_ =	shalt  }
0x6e: {  	_ =	shalt  }
0x6f: {  	_ =	shalt  }
0x70: {  	_ =	shalt  }
0x71: {  	_ =	shalt  }
0x72: {  	_ =	shalt  }
0x73: {  	_ =	shalt  }
0x74: {  	_ =	shalt  }
0x75: {  	_ =	shalt  }
0x76: {  	_ =	shalt  }
0x77: {  	_ =	shalt  }
0x78: {  	_ =	shalt  }
0x79: {  	_ =	shalt  }
0x7a: {  	_ =	shalt  }
0x7b: {  	_ =	shalt  }
0x7c: {  	_ =	shalt  }
0x7d: {  	_ =	shalt  }
0x7e: {  	_ =	shalt  }
0x7f: {  	_ =	shalt  }
0x80: {  	_ =	shalt  }
0x81: {  	_ =	shalt  }
0x82: {  	_ =	shalt  }
0x83: {  	_ =	shalt  }
0x84: {  	_ =	shalt  }
0x85: {  	_ =	shalt  }
0x86: {  	_ =	shalt  }
0x87: {  	_ =	shalt  }
.Lfunc_end0:
.L_simem_size_0:
called_computation.1_lowered:
.L_overlay_start_0:
0x88: {  	s2 =	sld [smem:$0x3FD9]  }
0x89: {  	s3 =	sld [smem:$0x3FFE];
	_ =	sdelay $0x1  }
0x8a: {  	s1 =	srdreg.scid  }
0x8b: {  	s0 =	sand.u32 $0x1, s1  }
0x8c: {  	s16 =	sshll.u32 s0, $0xA;
	s2 =	sadd.s32 s3, s2  }
0x8d: {  	s2 =	sadd.s32 s2, s16  }
0x8e: {  	[smem:$0x3FBF] =	sst s2  }
0x8f: {  	_ = 	snop  }
0x90: {  	(tm) =	ssettm $0x1  }
0x91: {  	s17 =	sld [smem:$0x3FFB];
	_ =	sdelay $0x3  }
0x92: {  	_ =	strace s17  }
0x93: {  	s2 =	sld [smem:$0x3FFC];
	_ =	sdelay $0x3  }
0x94: {  	_ =	strace s2  }
0x95: {  	s2 =	sld [smem:$0x3FFD];
	_ =	sdelay $0x3  }
0x96: {  	_ =	strace s2  }
0x97: {  	_ =	strace $0x8FFFFFFF  }
0x98: {  	s18 =	sld [smem:$0x3FDB];
	_ =	sdelay $0x1  }
0x99: {  	s19 =	simm.s32 $_scs_section_size  }
0x9a: {  	s4 =	simm.s32 $_size__tile_overlayer_lowered;
	s5 =	simm.s32 $_tile_overlayer_lowered  }
0x9b: {  	s22 =	simm.s32 $0x1BFF;
	s21 =	sshll.u32 s5, $0x1;
	s2 =	sadd.s32 s19, s18  }
0x9c: {  	s6 =	simm.s32 $0x0;
	s20 =	sshll.u32 s4, $0x1;
	s4 =	sadd.s32 s21, s2  }
0x9d: {  	[timem:s6], [sflag:s22] =	dma.local [hbm:s4], s20  }
0x9e: {  	_ =	swait.ge [sflag:s22], s20  }
0x9f: {  	s3 =	ssub.s32 $0x0, s20;
	[sflag:s22] =	ssyncset.done $0x0  }
0xa0: {  	[sflag:s22] =	ssyncadd.s32 s3;
	_ =	sdelay $0x1  }
0xa1: {  	s23 =	simm.s32 $0x1B8B  }
0xa2: {  	_ =	swait.ge [sflag:s23], $0x1  }
0xa3: {  	[sflag:s23] =	ssyncset.done $0x0  }
0xa4: {  	s25 =	simm.s32 $0x1B8E;
	s24 =	sld [smem:$0x3FFE];
	[sflag:s23] =	ssyncadd.s32 $0xFFFFFFFF  }
0xa5: {  	s26 =	simm.s32 $execute0_lowered;
	[smem:$0x3FD2] =	sst s25  }
0xa6: {  	s4 =	sshll.u32 s26, $0x1;
	_ =	strace $0x80000049;
	[dreg:$0x1] =	wrdreg $0xFFFFFFFF  }
0xa7: {  	s28 =	simm.s32 $_size_execute0_lowered;
	s2 =	sadd.s32 s2, s4;
	[dreg:$0x0] =	wrdreg $0x0  }
0xa8: {  	s4 =	sshll.u32 s28, $0x1;
	[dreg:$0x2] =	wrdreg s2  }
0xa9: {  	[dreg:$0x3] =	wrdreg s4  }
0xaa: {  	[dreg:$0x4] =	wrdreg $0xC0  }
0xab: {  	_ =	task [dreg:s6], $0x5FFFF  }
0xac: {  	[dreg:$0x1] =	wrdreg $0xFFFFFFFF  }
0xad: {  	[dreg:$0x0] =	wrdreg $0x60  }
0xae: {  	[dreg:$0x2] =	wrdreg s24  }
0xaf: {  	[dreg:$0x3] =	wrdreg $0xE0000  }
0xb0: {  	[dreg:$0x4] =	wrdreg $0x9  }
0xb1: {  	_ =	task.clear_ibuf [dreg:s6], $0x5FFFF;
	_ =	strace $0x90000049  }
0xb2: {  	s29 =	simm.s32 $0x9;
	_ =	strace $0x8000004B  }
0xb3: {  	_ =	swait.ge [sflag:s29], $0x1  }
0xb4: {  	[sflag:s29] =	ssyncadd.s32 $0xFFFFFFFF  }
0xb5: {  	_ =	strace $0x9000004B  }
0xb6: {  	_ =	sfence  }
0xb7: {  	s30 =	sld [smem:$0x0];
	_ =	sdelay $0x2  }
0xb8: {  	s31 =	sshll.u32 s1, $0xD;
	s1 =	sshrl.u32 s1, $0x2  }
0xb9: {  	s3 =	sand.u32 $0x4000, s31;
	s1 =	sadd.s32 s1, s30  }
0xba: {  	s0 =	sor.u32 s3, s0;
	s1 =	sshll.u32 s1, $0x11  }
0xbb: {  	s0 =	sor.u32 s1, s0  }
0xbc: {  	s0 =	sadd.s32 $0x8F2B, s0  }
0xbd: {  	[sflag:s0] =	ssyncadd.remote.s32 $0x1  }
0xbe: {  	_ =	sfence.sel $0xFFFF  }
0xbf: {  	[dreg:$0x0] =	wrdreg $0xFFFFFFFF;
	(pc) =	sbr.abs _section_cstart, $3  }
0xc0: {  	[dreg:$0x1] =	wrdreg $0xFFFFFFFF  }
0xc1: {  	_ =	task.clear_ibuf [dreg:s6], $0x2FFFF;
	_ =	strace $0x9FFFFFFF  }
0xc2: {  	(tm) =	ssettm $0x7FFFFFFF  }
0xc3: {  	_ =	shalt  }
tec
execute0_lowered:
.L_overlay_start_1:
0x0: {  	(tag) =	ssettag $0x1  }
0x1: {  	s5 =	rddreg [dreg:$0x0]  }
0x2: {  	s0 =	srdreg.scid;
	s2 =	rddreg [dreg:$0x1];
	s3 =	simm.s32 $0x0  }
0x3: {  	s14 =	simm.s32 $0x80;
	s15 =	simm.s32 $0xA000;
	s16 =	simm.s32 $0xA800  }
0x4: {  	s17 =	simm.s32 $0xB000;
	s18 =	simm.s32 $0xB800;
	s19 =	simm.s32 $0xC000  }
0x5: {  	s20 =	simm.s32 $0xC800;
	s21 =	simm.s32 $0xD000;
	s22 =	simm.s32 $0xD800  }
0x6: {  	s23 =	simm.s32 $0x1;
	s4 =	sand.u32 $0x1, s0;
	s0 =	stileid.u32  }
0x7: {  	s24 =	simm.s32 $0x2;
	s25 =	simm.s32 $0x0;
	s7 =	smul.u32 $0x500, s0  }
0x8: {  	[smem:$0x7FF] =	sst s3;
	s1 =	sshll.u32 s4, $0x4;
	s8 =	smul.u32 $0x5000, s4  }
0x9: {  	s28 =	ssub.s32 $0x2, s4;
	s10 =	smul.u32 $0x2800, s0;
	s4 =	sadd.s32 $0x17800, s5  }
0xa: {  	s31 =	sshll.u32 s0, $0x6;
	s1 =	sor.u32 s0, s1;
	s29 =	sshrl.u32 s28, $0x1  }
0xb: {  	s6 =	smul.u32 $0xA00, s1;
	s1 =	rddreg [dreg:$0x2];
	_ =	strace $0x8000004A  }
0xc: {  	s7 =	sadd.s32 s7, s8;
	s12 =	ssub.s32 s28, s29;
	s13 =	sadd.s32 s10, s2  }
0xd: {  	s30 =	sshrl.u32 s10, $0x3;
	s11 =	sadd.s32 s7, s5;
	s10 =	smax.u32 s12, $0x1  }
0xe: {  	s12 =	simm.s32 $0x3;
	s9 =	sadd.s32 s6, s5;
	s5 =	sadd.s32 s4, s30  }
0xf: {  	s6 =	sor.u32 $0x1C03, s31;
	s7 =	sadd.s32 $0x21800, s9;
	s8 =	sadd.s32 $0x3800, s9  }
0x10: {  	s9 =	sadd.s32 $0x35800, s11;
	s11 =	sshrl.u32 s13, $0x3;
	s13 =	simm.s32 $0x5000  }
.LBB2_1:
0x11: {  	[spmem:s11], [sflag:s6] =	dma.local [hbm:s5], $0x500  }
0x12: {  	_ =	swait.ge [sflag:s12], $0x500  }
0x13: {  	[sflag:s12] =	ssyncset.done $0x0  }
0x14: {  	[sflag:s12] =	ssyncadd.s32 $0xFFFFFB00  }
0x15: {  	[bflag:$0x0] =	sbarrier.arrive $0xFFFF  }
0x16: {  	[tilespmem:s3], [sflag:$0x3] =	stream.linear.gather [hbm4b:s7+s3], $0x5000, $0x38;
	[tilespmem:$0x10800] =	vst v63  }
0x17: {  	_ =	swait.ge [sflag:s12], $0x5000  }
0x18: {  	[sflag:s12] =	ssyncset.done $0x0  }
0x19: {  	[sflag:s12] =	ssyncadd.s32 $0xFFFFB000  }
0x1a: {  	[tilespmem:s13], [sflag:$0x3] =	stream.linear.gather [hbm4b:s8+s3], $0x5000, $0x38;
	[tilespmem:$0x10800] =	vst v63  }
0x1b: {  	_ =	swait.ge [sflag:s12], $0x5000  }
0x1c: {  	[sflag:s12] =	ssyncset.done $0x0  }
0x1d: {  	s26 =	simm.s32 $0x0;
	[sflag:s12] =	ssyncadd.s32 $0xFFFFB000  }
0x1e: {  	[tilespmem:s15], [sflag:$0x1] =	stream.indirect.gather [hbm4b:s4+s14], $0x10, s26, s14, $0xb8;
	[tilespmem:$0x10800] =	vst v63  }
0x1f: {  	s28 =	simm.s32 $0x80  }
0x20: {  	[tilespmem:s16], [sflag:$0x1] =	stream.indirect.gather [hbm4b:s4+s14], $0x10, s28, s14, $0xb8;
	[tilespmem:$0x10800] =	vst v63  }
0x21: {  	s29 =	simm.s32 $0x100  }
0x22: {  	[tilespmem:s17], [sflag:$0x1] =	stream.indirect.gather [hbm4b:s4+s14], $0x10, s29, s14, $0xb8;
	[tilespmem:$0x10800] =	vst v63  }
0x23: {  	s31 =	simm.s32 $0x180  }
0x24: {  	[tilespmem:s18], [sflag:$0x1] =	stream.indirect.gather [hbm4b:s4+s14], $0x10, s31, s14, $0xb8;
	[tilespmem:$0x10800] =	vst v63  }
0x25: {  	s28 =	simm.s32 $0x200  }
0x26: {  	[tilespmem:s19], [sflag:$0x1] =	stream.indirect.gather [hbm4b:s4+s14], $0x10, s28, s14, $0xb8;
	[tilespmem:$0x10800] =	vst v63  }
0x27: {  	s29 =	simm.s32 $0x280  }
0x28: {  	[tilespmem:s20], [sflag:$0x1] =	stream.indirect.gather [hbm4b:s4+s14], $0x10, s29, s14, $0xb8;
	[tilespmem:$0x10800] =	vst v63  }
0x29: {  	s31 =	simm.s32 $0x300  }
0x2a: {  	[tilespmem:s21], [sflag:$0x1] =	stream.indirect.gather [hbm4b:s4+s14], $0x10, s31, s14, $0xb8;
	[tilespmem:$0x10800] =	vst v63  }
0x2b: {  	s28 =	simm.s32 $0x380  }
0x2c: {  	[tilespmem:s22], [sflag:$0x1] =	stream.indirect.gather [hbm4b:s4+s14], $0x10, s28, s14, $0xb8;
	[tilespmem:$0x10800] =	vst v63  }
0x2d: {  	_ =	swait.ge [sflag:s23], $0x800  }
0x2e: {  	[sflag:s23] =	ssyncset.done $0x0  }
0x2f: {  	[sflag:s23] =	ssyncadd.s32 $0xFFFFF800  }
0x30: {  	_ =	swait.ge [sflag:s23], $0x800  }
0x31: {  	[sflag:s23] =	ssyncset.done $0x0  }
0x32: {  	[sflag:s23] =	ssyncadd.s32 $0xFFFFF800  }
0x33: {  	_ =	swait.ge [sflag:s23], $0x800  }
0x34: {  	[sflag:s23] =	ssyncset.done $0x0  }
0x35: {  	[sflag:s23] =	ssyncadd.s32 $0xFFFFF800  }
0x36: {  	_ =	swait.ge [sflag:s23], $0x800  }
0x37: {  	[sflag:s23] =	ssyncset.done $0x0  }
0x38: {  	[sflag:s23] =	ssyncadd.s32 $0xFFFFF800  }
0x39: {  	_ =	swait.ge [sflag:s23], $0x800  }
0x3a: {  	[sflag:s23] =	ssyncset.done $0x0  }
0x3b: {  	[sflag:s23] =	ssyncadd.s32 $0xFFFFF800  }
0x3c: {  	_ =	swait.ge [sflag:s23], $0x800  }
0x3d: {  	[sflag:s23] =	ssyncset.done $0x0  }
0x3e: {  	[sflag:s23] =	ssyncadd.s32 $0xFFFFF800  }
0x3f: {  	_ =	swait.ge [sflag:s23], $0x800  }
0x40: {  	[sflag:s23] =	ssyncset.done $0x0  }
0x41: {  	[sflag:s23] =	ssyncadd.s32 $0xFFFFF800  }
0x42: {  	_ =	swait.ge [sflag:s23], $0x800  }
0x43: {  	[sflag:s23] =	ssyncset.done $0x0  }
0x44: {  	s29 =	simm.s32 $0x5000;
	[sflag:s23] =	ssyncadd.s32 $0xFFFFF800  }
0x45: {  	[spmem:s2] =	stream.indirect.scatter.add.f32 [tilespmem:s15], [sflag:$0x2], $0x10, s29, s14, $0xb8;
	[tilespmem:$0x10800] =	vst v63  }
0x46: {  	s31 =	simm.s32 $0x5080  }
0x47: {  	[spmem:s2] =	stream.indirect.scatter.add.f32 [tilespmem:s16], [sflag:$0x2], $0x10, s31, s14, $0xb8;
	[tilespmem:$0x10800] =	vst v63  }
0x48: {  	s28 =	simm.s32 $0x5100  }
0x49: {  	[spmem:s2] =	stream.indirect.scatter.add.f32 [tilespmem:s17], [sflag:$0x2], $0x10, s28, s14, $0xb8;
	[tilespmem:$0x10800] =	vst v63  }
0x4a: {  	s29 =	simm.s32 $0x5180  }
0x4b: {  	[spmem:s2] =	stream.indirect.scatter.add.f32 [tilespmem:s18], [sflag:$0x2], $0x10, s29, s14, $0xb8;
	[tilespmem:$0x10800] =	vst v63  }
0x4c: {  	s31 =	simm.s32 $0x5200  }
0x4d: {  	[spmem:s2] =	stream.indirect.scatter.add.f32 [tilespmem:s19], [sflag:$0x2], $0x10, s31, s14, $0xb8;
	[tilespmem:$0x10800] =	vst v63  }
0x4e: {  	s28 =	simm.s32 $0x5280  }
0x4f: {  	[spmem:s2] =	stream.indirect.scatter.add.f32 [tilespmem:s20], [sflag:$0x2], $0x10, s28, s14, $0xb8;
	[tilespmem:$0x10800] =	vst v63  }
0x50: {  	s29 =	simm.s32 $0x5300  }
0x51: {  	[spmem:s2] =	stream.indirect.scatter.add.f32 [tilespmem:s21], [sflag:$0x2], $0x10, s29, s14, $0xb8;
	[tilespmem:$0x10800] =	vst v63  }
0x52: {  	s31 =	simm.s32 $0x5380  }
0x53: {  	[spmem:s2] =	stream.indirect.scatter.add.f32 [tilespmem:s22], [sflag:$0x2], $0x10, s31, s14, $0xb8;
	[tilespmem:$0x10800] =	vst v63  }
0x54: {  	_ =	swait.ge [sflag:s24], $0x800  }
0x55: {  	[sflag:s24] =	ssyncset.done $0x0  }
0x56: {  	[sflag:s24] =	ssyncadd.s32 $0xFFFFF800  }
0x57: {  	_ =	swait.ge [sflag:s24], $0x800  }
0x58: {  	[sflag:s24] =	ssyncset.done $0x0  }
0x59: {  	[sflag:s24] =	ssyncadd.s32 $0xFFFFF800  }
0x5a: {  	_ =	swait.ge [sflag:s24], $0x800  }
0x5b: {  	[sflag:s24] =	ssyncset.done $0x0  }
0x5c: {  	[sflag:s24] =	ssyncadd.s32 $0xFFFFF800  }
0x5d: {  	_ =	swait.ge [sflag:s24], $0x800  }
0x5e: {  	[sflag:s24] =	ssyncset.done $0x0  }
0x5f: {  	[sflag:s24] =	ssyncadd.s32 $0xFFFFF800  }
0x60: {  	_ =	swait.ge [sflag:s24], $0x800  }
0x61: {  	[sflag:s24] =	ssyncset.done $0x0  }
0x62: {  	[sflag:s24] =	ssyncadd.s32 $0xFFFFF800  }
0x63: {  	_ =	swait.ge [sflag:s24], $0x800  }
0x64: {  	[sflag:s24] =	ssyncset.done $0x0  }
0x65: {  	[sflag:s24] =	ssyncadd.s32 $0xFFFFF800  }
0x66: {  	_ =	swait.ge [sflag:s24], $0x800  }
0x67: {  	[sflag:s24] =	ssyncset.done $0x0  }
0x68: {  	[sflag:s24] =	ssyncadd.s32 $0xFFFFF800  }
0x69: {  	_ =	swait.ge [sflag:s24], $0x800  }
0x6a: {  	s30 =	simm.s32 $0x2000;
	s26 =	simm.s32 $0x1000;
	[sflag:s24] =	ssyncset.done $0x0  }
.LBB2_2:
0x6b: {  	s29 =	sshra.s32 s26, $0x2  }
0x6c: {  	[sflag:s24] =	ssyncadd.s32 $0xFFFFF800;
	s26 =	smov.u32 s30;
	s28 =	sadd.s32 $0x1000, s30  }
0x6d: {  	[tilespmem:s15], [sflag:$0x1] =	stream.indirect.gather [hbm4b:s4+s14], $0x10, s29, s14, $0xb8;
	[tilespmem:$0x10800] =	vst v63  }
0x6e: {  	p0 =	sne.s32 s30, $0x13000;
	s30 =	sadd.s32 $0x80, s29  }
0x6f: {  	[tilespmem:s16], [sflag:$0x1] =	stream.indirect.gather [hbm4b:s4+s14], $0x10, s30, s14, $0xb8;
	[tilespmem:$0x10800] =	vst v63  }
0x70: {  	s30 =	sadd.s32 $0x100, s29  }
0x71: {  	[tilespmem:s17], [sflag:$0x1] =	stream.indirect.gather [hbm4b:s4+s14], $0x10, s30, s14, $0xb8;
	[tilespmem:$0x10800] =	vst v63  }
0x72: {  	s30 =	sadd.s32 $0x180, s29  }
0x73: {  	[tilespmem:s18], [sflag:$0x1] =	stream.indirect.gather [hbm4b:s4+s14], $0x10, s30, s14, $0xb8;
	[tilespmem:$0x10800] =	vst v63  }
0x74: {  	s30 =	sadd.s32 $0x200, s29  }
0x75: {  	[tilespmem:s19], [sflag:$0x1] =	stream.indirect.gather [hbm4b:s4+s14], $0x10, s30, s14, $0xb8;
	[tilespmem:$0x10800] =	vst v63  }
0x76: {  	s30 =	sadd.s32 $0x280, s29  }
0x77: {  	[tilespmem:s20], [sflag:$0x1] =	stream.indirect.gather [hbm4b:s4+s14], $0x10, s30, s14, $0xb8;
	[tilespmem:$0x10800] =	vst v63  }
0x78: {  	s30 =	sadd.s32 $0x300, s29  }
0x79: {  	[tilespmem:s21], [sflag:$0x1] =	stream.indirect.gather [hbm4b:s4+s14], $0x10, s30, s14, $0xb8;
	[tilespmem:$0x10800] =	vst v63  }
0x7a: {  	s30 =	sadd.s32 $0x380, s29  }
0x7b: {  	[tilespmem:s22], [sflag:$0x1] =	stream.indirect.gather [hbm4b:s4+s14], $0x10, s30, s14, $0xb8;
	[tilespmem:$0x10800] =	vst v63  }
0x7c: {  	_ =	swait.ge [sflag:s23], $0x800  }
0x7d: {  	[sflag:s23] =	ssyncset.done $0x0  }
0x7e: {  	[sflag:s23] =	ssyncadd.s32 $0xFFFFF800  }
0x7f: {  	_ =	swait.ge [sflag:s23], $0x800  }
0x80: {  	[sflag:s23] =	ssyncset.done $0x0  }
0x81: {  	[sflag:s23] =	ssyncadd.s32 $0xFFFFF800  }
0x82: {  	_ =	swait.ge [sflag:s23], $0x800  }
0x83: {  	[sflag:s23] =	ssyncset.done $0x0  }
0x84: {  	[sflag:s23] =	ssyncadd.s32 $0xFFFFF800  }
0x85: {  	_ =	swait.ge [sflag:s23], $0x800  }
0x86: {  	[sflag:s23] =	ssyncset.done $0x0  }
0x87: {  	[sflag:s23] =	ssyncadd.s32 $0xFFFFF800  }
0x88: {  	_ =	swait.ge [sflag:s23], $0x800  }
0x89: {  	[sflag:s23] =	ssyncset.done $0x0  }
0x8a: {  	[sflag:s23] =	ssyncadd.s32 $0xFFFFF800  }
0x8b: {  	_ =	swait.ge [sflag:s23], $0x800  }
0x8c: {  	[sflag:s23] =	ssyncset.done $0x0  }
0x8d: {  	[sflag:s23] =	ssyncadd.s32 $0xFFFFF800  }
0x8e: {  	_ =	swait.ge [sflag:s23], $0x800  }
0x8f: {  	[sflag:s23] =	ssyncset.done $0x0  }
0x90: {  	[sflag:s23] =	ssyncadd.s32 $0xFFFFF800  }
0x91: {  	_ =	swait.ge [sflag:s23], $0x800  }
0x92: {  	[sflag:s23] =	ssyncset.done $0x0  }
0x93: {  	s30 =	sadd.s32 $0x5000, s29;
	[sflag:s23] =	ssyncadd.s32 $0xFFFFF800  }
0x94: {  	[spmem:s2] =	stream.indirect.scatter.add.f32 [tilespmem:s15], [sflag:$0x2], $0x10, s30, s14, $0xb8;
	[tilespmem:$0x10800] =	vst v63  }
0x95: {  	s30 =	sadd.s32 $0x5080, s29  }
0x96: {  	[spmem:s2] =	stream.indirect.scatter.add.f32 [tilespmem:s16], [sflag:$0x2], $0x10, s30, s14, $0xb8;
	[tilespmem:$0x10800] =	vst v63  }
0x97: {  	s30 =	sadd.s32 $0x5100, s29  }
0x98: {  	[spmem:s2] =	stream.indirect.scatter.add.f32 [tilespmem:s17], [sflag:$0x2], $0x10, s30, s14, $0xb8;
	[tilespmem:$0x10800] =	vst v63  }
0x99: {  	s30 =	sadd.s32 $0x5180, s29  }
0x9a: {  	[spmem:s2] =	stream.indirect.scatter.add.f32 [tilespmem:s18], [sflag:$0x2], $0x10, s30, s14, $0xb8;
	[tilespmem:$0x10800] =	vst v63  }
0x9b: {  	s30 =	sadd.s32 $0x5200, s29  }
0x9c: {  	[spmem:s2] =	stream.indirect.scatter.add.f32 [tilespmem:s19], [sflag:$0x2], $0x10, s30, s14, $0xb8;
	[tilespmem:$0x10800] =	vst v63  }
0x9d: {  	s30 =	sadd.s32 $0x5280, s29  }
0x9e: {  	[spmem:s2] =	stream.indirect.scatter.add.f32 [tilespmem:s20], [sflag:$0x2], $0x10, s30, s14, $0xb8;
	[tilespmem:$0x10800] =	vst v63  }
0x9f: {  	s30 =	sadd.s32 $0x5300, s29  }
0xa0: {  	[spmem:s2] =	stream.indirect.scatter.add.f32 [tilespmem:s21], [sflag:$0x2], $0x10, s30, s14, $0xb8;
	[tilespmem:$0x10800] =	vst v63  }
0xa1: {  	s29 =	sadd.s32 $0x5380, s29  }
0xa2: {  	[spmem:s2] =	stream.indirect.scatter.add.f32 [tilespmem:s22], [sflag:$0x2], $0x10, s29, s14, $0xb8;
	[tilespmem:$0x10800] =	vst v63  }
0xa3: {  	_ =	swait.ge [sflag:s24], $0x800  }
0xa4: {  	[sflag:s24] =	ssyncset.done $0x0  }
0xa5: {  	[sflag:s24] =	ssyncadd.s32 $0xFFFFF800  }
0xa6: {  	_ =	swait.ge [sflag:s24], $0x800  }
0xa7: {  	[sflag:s24] =	ssyncset.done $0x0  }
0xa8: {  	[sflag:s24] =	ssyncadd.s32 $0xFFFFF800  }
0xa9: {  	_ =	swait.ge [sflag:s24], $0x800  }
0xaa: {  	[sflag:s24] =	ssyncset.done $0x0  }
0xab: {  	[sflag:s24] =	ssyncadd.s32 $0xFFFFF800  }
0xac: {  	_ =	swait.ge [sflag:s24], $0x800  }
0xad: {  	[sflag:s24] =	ssyncset.done $0x0  }
0xae: {  	[sflag:s24] =	ssyncadd.s32 $0xFFFFF800  }
0xaf: {  	_ =	swait.ge [sflag:s24], $0x800  }
0xb0: {  	[sflag:s24] =	ssyncset.done $0x0  }
0xb1: {  	[sflag:s24] =	ssyncadd.s32 $0xFFFFF800  }
0xb2: {  	_ =	swait.ge [sflag:s24], $0x800  }
0xb3: {  	[sflag:s24] =	ssyncset.done $0x0  }
0xb4: {  	[sflag:s24] =	ssyncadd.s32 $0xFFFFF800  }
.Ltmp0:
0xb5: {  	_ =	swait.ge [sflag:s24], $0x800;
	(pc) =	sbr.rel @p0 .LBB2_2-.Ltmp0, $4  }
0xb6: {  	[sflag:s24] =	ssyncset.done $0x0  }
0xb7: {  	[sflag:s24] =	ssyncadd.s32 $0xFFFFF800  }
0xb8: {  	_ =	swait.ge [sflag:s24], $0x800  }
0xb9: {  	s30 =	smov.u32 s28;
	[sflag:s24] =	ssyncset.done $0x0  }
0xba: {  	s26 =	sshra.s32 s26, $0x2;
	[sflag:s24] =	ssyncadd.s32 $0xFFFFF800  }
0xbb: {  	[tilespmem:s15], [sflag:$0x1] =	stream.indirect.gather [hbm4b:s4+s14], $0x10, s26, s14, $0xb8;
	[tilespmem:$0x10800] =	vst v63  }
0xbc: {  	s28 =	sadd.s32 $0x80, s26  }
0xbd: {  	[tilespmem:s16], [sflag:$0x1] =	stream.indirect.gather [hbm4b:s4+s14], $0x10, s28, s14, $0xb8;
	[tilespmem:$0x10800] =	vst v63  }
0xbe: {  	s31 =	sadd.s32 $0x100, s26  }
0xbf: {  	[tilespmem:s17], [sflag:$0x1] =	stream.indirect.gather [hbm4b:s4+s14], $0x10, s31, s14, $0xb8;
	[tilespmem:$0x10800] =	vst v63  }
0xc0: {  	s29 =	sadd.s32 $0x180, s26  }
0xc1: {  	[tilespmem:s18], [sflag:$0x1] =	stream.indirect.gather [hbm4b:s4+s14], $0x10, s29, s14, $0xb8;
	[tilespmem:$0x10800] =	vst v63  }
0xc2: {  	s30 =	sadd.s32 $0x200, s26  }
0xc3: {  	[tilespmem:s19], [sflag:$0x1] =	stream.indirect.gather [hbm4b:s4+s14], $0x10, s30, s14, $0xb8;
	[tilespmem:$0x10800] =	vst v63  }
0xc4: {  	s31 =	sadd.s32 $0x280, s26  }
0xc5: {  	[tilespmem:s20], [sflag:$0x1] =	stream.indirect.gather [hbm4b:s4+s14], $0x10, s31, s14, $0xb8;
	[tilespmem:$0x10800] =	vst v63  }
0xc6: {  	s29 =	sadd.s32 $0x300, s26  }
0xc7: {  	[tilespmem:s21], [sflag:$0x1] =	stream.indirect.gather [hbm4b:s4+s14], $0x10, s29, s14, $0xb8;
	[tilespmem:$0x10800] =	vst v63  }
0xc8: {  	s30 =	sadd.s32 $0x380, s26  }
0xc9: {  	[tilespmem:s22], [sflag:$0x1] =	stream.indirect.gather [hbm4b:s4+s14], $0x10, s30, s14, $0xb8;
	[tilespmem:$0x10800] =	vst v63  }
0xca: {  	_ =	swait.ge [sflag:s23], $0x800  }
0xcb: {  	[sflag:s23] =	ssyncset.done $0x0  }
0xcc: {  	[sflag:s23] =	ssyncadd.s32 $0xFFFFF800  }
0xcd: {  	_ =	swait.ge [sflag:s23], $0x800  }
0xce: {  	[sflag:s23] =	ssyncset.done $0x0  }
0xcf: {  	[sflag:s23] =	ssyncadd.s32 $0xFFFFF800  }
0xd0: {  	_ =	swait.ge [sflag:s23], $0x800  }
0xd1: {  	[sflag:s23] =	ssyncset.done $0x0  }
0xd2: {  	[sflag:s23] =	ssyncadd.s32 $0xFFFFF800  }
0xd3: {  	_ =	swait.ge [sflag:s23], $0x800  }
0xd4: {  	[sflag:s23] =	ssyncset.done $0x0  }
0xd5: {  	[sflag:s23] =	ssyncadd.s32 $0xFFFFF800  }
0xd6: {  	_ =	swait.ge [sflag:s23], $0x800  }
0xd7: {  	[sflag:s23] =	ssyncset.done $0x0  }
0xd8: {  	[sflag:s23] =	ssyncadd.s32 $0xFFFFF800  }
0xd9: {  	_ =	swait.ge [sflag:s23], $0x800  }
0xda: {  	[sflag:s23] =	ssyncset.done $0x0  }
0xdb: {  	[sflag:s23] =	ssyncadd.s32 $0xFFFFF800  }
0xdc: {  	_ =	swait.ge [sflag:s23], $0x800  }
0xdd: {  	[sflag:s23] =	ssyncset.done $0x0  }
0xde: {  	[sflag:s23] =	ssyncadd.s32 $0xFFFFF800  }
0xdf: {  	_ =	swait.ge [sflag:s23], $0x800  }
0xe0: {  	[sflag:s23] =	ssyncset.done $0x0  }
0xe1: {  	s31 =	sadd.s32 $0x5000, s26;
	[sflag:s23] =	ssyncadd.s32 $0xFFFFF800  }
0xe2: {  	[spmem:s2] =	stream.indirect.scatter.add.f32 [tilespmem:s15], [sflag:$0x2], $0x10, s31, s14, $0xb8;
	[tilespmem:$0x10800] =	vst v63  }
0xe3: {  	s29 =	sadd.s32 $0x5080, s26  }
0xe4: {  	[spmem:s2] =	stream.indirect.scatter.add.f32 [tilespmem:s16], [sflag:$0x2], $0x10, s29, s14, $0xb8;
	[tilespmem:$0x10800] =	vst v63  }
0xe5: {  	s30 =	sadd.s32 $0x5100, s26  }
0xe6: {  	[spmem:s2] =	stream.indirect.scatter.add.f32 [tilespmem:s17], [sflag:$0x2], $0x10, s30, s14, $0xb8;
	[tilespmem:$0x10800] =	vst v63  }
0xe7: {  	s31 =	sadd.s32 $0x5180, s26  }
0xe8: {  	[spmem:s2] =	stream.indirect.scatter.add.f32 [tilespmem:s18], [sflag:$0x2], $0x10, s31, s14, $0xb8;
	[tilespmem:$0x10800] =	vst v63  }
0xe9: {  	s29 =	sadd.s32 $0x5200, s26  }
0xea: {  	[spmem:s2] =	stream.indirect.scatter.add.f32 [tilespmem:s19], [sflag:$0x2], $0x10, s29, s14, $0xb8;
	[tilespmem:$0x10800] =	vst v63  }
0xeb: {  	s30 =	sadd.s32 $0x5280, s26  }
0xec: {  	[spmem:s2] =	stream.indirect.scatter.add.f32 [tilespmem:s20], [sflag:$0x2], $0x10, s30, s14, $0xb8;
	[tilespmem:$0x10800] =	vst v63  }
0xed: {  	s31 =	sadd.s32 $0x5300, s26  }
0xee: {  	[spmem:s2] =	stream.indirect.scatter.add.f32 [tilespmem:s21], [sflag:$0x2], $0x10, s31, s14, $0xb8;
	[tilespmem:$0x10800] =	vst v63  }
0xef: {  	s26 =	sadd.s32 $0x5380, s26  }
0xf0: {  	[spmem:s2] =	stream.indirect.scatter.add.f32 [tilespmem:s22], [sflag:$0x2], $0x10, s26, s14, $0xb8;
	[tilespmem:$0x10800] =	vst v63  }
0xf1: {  	_ =	swait.ge [sflag:s24], $0x800  }
0xf2: {  	[sflag:s24] =	ssyncset.done $0x0  }
0xf3: {  	[sflag:s24] =	ssyncadd.s32 $0xFFFFF800  }
0xf4: {  	_ =	swait.ge [sflag:s24], $0x800  }
0xf5: {  	[sflag:s24] =	ssyncset.done $0x0  }
0xf6: {  	[sflag:s24] =	ssyncadd.s32 $0xFFFFF800  }
0xf7: {  	_ =	swait.ge [sflag:s24], $0x800  }
0xf8: {  	[sflag:s24] =	ssyncset.done $0x0  }
0xf9: {  	[sflag:s24] =	ssyncadd.s32 $0xFFFFF800  }
0xfa: {  	_ =	swait.ge [sflag:s24], $0x800  }
0xfb: {  	[sflag:s24] =	ssyncset.done $0x0  }
0xfc: {  	[sflag:s24] =	ssyncadd.s32 $0xFFFFF800  }
0xfd: {  	_ =	swait.ge [sflag:s24], $0x800  }
0xfe: {  	[sflag:s24] =	ssyncset.done $0x0  }
0xff: {  	[sflag:s24] =	ssyncadd.s32 $0xFFFFF800  }
0x100: {  	_ =	swait.ge [sflag:s24], $0x800  }
0x101: {  	[sflag:s24] =	ssyncset.done $0x0  }
0x102: {  	[sflag:s24] =	ssyncadd.s32 $0xFFFFF800  }
0x103: {  	_ =	swait.ge [sflag:s24], $0x800  }
0x104: {  	[sflag:s24] =	ssyncset.done $0x0  }
0x105: {  	[sflag:s24] =	ssyncadd.s32 $0xFFFFF800  }
0x106: {  	_ =	swait.ge [sflag:s24], $0x800  }
0x107: {  	s25 =	sadd.s32 $0x1, s25;
	[sflag:s24] =	ssyncset.done $0x0  }
0x108: {  	p0 =	sne.s32 s25, s10;
	[sflag:s24] =	ssyncadd.s32 $0xFFFFF800  }
.Ltmp1:
0x109: {  	[bflag:$0x0] =	sbarrier.arrive $0xFFFF;
	(pc) =	sbr.rel @p0 .LBB2_1-.Ltmp1, $4  }
0x10a: {  	[hbm:s9], [sflag:s6] =	dma.local [spmem:s11], $0x500  }
0x10b: {  	_ =	swait.ge [sflag:s12], $0x500  }
0x10c: {  	[sflag:s12] =	ssyncset.done $0x0  }
0x10d: {  	[sflag:s12] =	ssyncadd.s32 $0xFFFFFB00  }
0x10e: {  	_ =	sfence.sel $0x180000  }
0x10f: {  	[bflag:$0x0] =	sbarrier.arrive $0xFFFF  }
0x110: {  	p0 =	sne.s32 s0, $0x0;
	_ =	strace $0x9000004A  }
0x111: {  	s0 =	sadd.s32 @!p0 $0x100000, s1;
	[bflag:$0x2] =	sbarrier.arrive $0xFFFF  }
0x112: {  	[sflag:s0] =	ssyncadd.tile.s32 @!p0 $0x1;
	_ =	shalt  }
.Lfunc_end2:
_tile_overlayer_lowered:
.L_overlay_start_2:
0x113: {  	(tag) =	ssettag $0x2  }
0x114: {  	s0 =	rddreg [dreg:$0x0];
	s2 =	stileid.u32  }
0x115: {  	s1 =	rddreg [dreg:$0x1];
	p0 =	sne.s32 s2, $0x0  }
0x116: {  	s3 =	rddreg [dreg:$0x2];
	[bflag:$0x3] =	sbarrier.arrive $0xFFFF;
	s2 =	simm.s32 @!p0 $0x1C03  }
0x117: {  	[timem:s3], [sflag:s2] =	dma.local @!p0 [hbm:s0], s1  }
0x118: {  	s0 =	simm.s32 @!p0 $0x3  }
0x119: {  	_ =	swait.ge @!p0 [sflag:s0], s1  }
0x11a: {  	s1 =	ssub.s32 @!p0 $0x0, s1;
	[sflag:s0] =	ssyncset.done @!p0 $0x0  }
0x11b: {  	[sflag:s0] =	ssyncadd.s32 @!p0 s1  }
0x11c: {  	[bflag:$0x3] =	sbarrier.arrive $0xFFFF  }
0x11d: {  	_ =	shalt  }

// kernel: kernel.16.cloned.1.call-start
scs
__scs_entry_jumppad:
0x0: {  	(pc) =	sbr.rel $0x88, $3  }
0x1: {  	(tag) =	ssettag $0x0;
	lr =	simm.s32 $0x1  }
0x2: {  	[smem:$0x3F98] =	sst lr;
	_ =	strace $0xD0000000  }
0x3: {  	_ = 	snop  }
0x4: {  	_ = 	snop  }
0x5: {  	_ = 	snop  }
0x6: {  	_ = 	snop  }
0x7: {  	_ = 	snop  }
__scs_overlays_trampoline_lowered:
0x8: {  	[smem:$0x3FA7] =	sst s0  }
0x9: {  	[smem:$0x3FA8] =	sst s1  }
0xa: {  	[smem:$0x3FA9] =	sst s2  }
0xb: {  	[smem:$0x3FAA] =	sst s3  }
0xc: {  	[smem:$0x3FAB] =	sst s4  }
0xd: {  	[smem:$0x3FAC] =	sst s5  }
0xe: {  	[smem:$0x3FAD] =	sst s6  }
0xf: {  	[smem:$0x3FAE] =	sst s7  }
0x10: {  	[smem:$0x3FAF] =	sst s8  }
0x11: {  	[smem:$0x3FB0] =	sst s9;
	s0 =	simm.s32 @!p0 $0x0  }
0x12: {  	s1 =	sld [smem:$0x3F96];
	s0 =	simm.s32 @p0 $0x1  }
0x13: {  	[smem:$0x3FB1] =	sst s0;
	s0 =	simm.s32 @!p1 $0x0  }
0x14: {  	s2 =	sld [smem:$0x3F95];
	s0 =	simm.s32 @p1 $0x1  }
0x15: {  	[smem:$0x3FB2] =	sst s0;
	s0 =	simm.s32 @!p2 $0x0  }
0x16: {  	s3 =	sld [smem:$0x3FDB];
	s0 =	simm.s32 @p2 $0x1  }
0x17: {  	s4 =	simm.s32 $0x1BF5;
	[smem:$0x3FB4] =	sst s0  }
0x18: {  	s0 =	sld [smem:$0x3F97];
	_ =	swait.ge [sflag:s4], $0x0  }
0x19: {  	s7 =	sld [smem:$0x3F98]  }
0x1a: {  	s8 =	sadd.s32 $0xFFFFE003, lr  }
0x1b: {  	s9 =	sadd.s32 $0xFFFFFEF7, lr;
	s5 =	simm.s32 $0xFFFFFFFF;
	p2 =	slt.u32 s8, $0xFFFFF086  }
0x1c: {  	p1 =	slt.u32 s9, $0xF7A;
	s5 =	simm.s32 @!p2 $0x0  }
0x1d: {  	s5 =	simm.s32 @p1 $0x1;
	p0 =	seq.s32 s7, s2  }
0x1e: {  	s7 =	smul.u32 @!p0 $0xF7A, s2;
	p2 =	seq.s32 @!p0 s5, $0x0  }
0x1f: {  	s9 =	smul.u32 $0xF7A, s1;
	s8 =	simm.s32 @!p0 $0x1BF5;
	p2 =	por !p2, p0  }
0x20: {  	[sflag:s8] =	ssyncset.s32 @!p0 $0xFFFFF086;
	s6 =	sadd.s32 @!p0 s3, s7;
	s7 =	simm.s32 @!p0 $0x108  }
0x21: {  	s3 =	sadd.s32 s3, s9;
	s6 =	sadd.s32 @!p0 $0x88, s6;
	s7 =	simm.s32 @p2 $0x1082  }
0x22: {  	[simem:s7], [sflag:s8] =	dma.local @!p0 [hbm:s6], $0xF7A  }
0x23: {  	s9 =	sor.u32 $0xD0000000, s2;
	s6 =	simm.s32 $0x108;
	_ =	swait.ge @!p0 [sflag:s8], $0x0  }
0x24: {  	s3 =	sadd.s32 $0x88, s3;
	s6 =	simm.s32 @!p1 $0x1082;
	[sflag:s4] =	ssyncset.s32 $0xFFFFF086  }
0x25: {  	[simem:s6], [sflag:s4] =	dma.local [hbm:s3], $0xF7A  }
0x26: {  	[smem:$0x3F98] =	sst s1;
	(tag) =	ssettag s2;
	_ =	strace s9  }
0x27: {  	s1 =	sld [smem:$0x3FA8]  }
0x28: {  	s2 =	sld [smem:$0x3FA9]  }
0x29: {  	s4 =	sld [smem:$0x3FAB]  }
0x2a: {  	p0 =	seq.s32 s5, $0x0;
	s5 =	sld [smem:$0x3FAC]  }
0x2b: {  	s6 =	sld [smem:$0x3FAD]  }
0x2c: {  	s7 =	sld [smem:$0x3FAE]  }
0x2d: {  	s3 =	simm.s32 $0x108;
	s8 =	sld [smem:$0x3FAF]  }
0x2e: {  	s3 =	simm.s32 @!p0 $0x1082;
	s9 =	sld [smem:$0x3FB0]  }
0x2f: {  	lr =	sadd.s32 s0, s3;
	s0 =	sld [smem:$0x3FA7]  }
0x30: {  	s3 =	sld [smem:$0x3FAA]  }
0x31: {  	[smem:$0x3FB3] =	sst s10  }
0x32: {  	s10 =	sld [smem:$0x3FB1];
	_ =	sdelay $0x3  }
0x33: {  	p0 =	seq.s32 s10, $0x1;
	s10 =	sld [smem:$0x3FB3];
	_ =	sdelay $0x3  }
0x34: {  	[smem:$0x3FB3] =	sst s10  }
0x35: {  	s10 =	sld [smem:$0x3FB2];
	_ =	sdelay $0x3  }
0x36: {  	p1 =	seq.s32 s10, $0x1;
	s10 =	sld [smem:$0x3FB3];
	_ =	sdelay $0x3  }
0x37: {  	[smem:$0x3FB3] =	sst s10  }
0x38: {  	s10 =	sld [smem:$0x3FB4]  }
0x39: {  	_ = 	snop;
	(pc) =	sbr.ind lr, $3  }
0x3a: {  	_ = 	snop  }
0x3b: {  	_ = 	snop  }
0x3c: {  	p2 =	seq.s32 s10, $0x1;
	s10 =	sld [smem:$0x3FB3]  }
0x3d: {  	_ =	shalt  }
0x3e: {  	_ =	shalt  }
0x3f: {  	_ =	shalt  }
0x40: {  	_ =	shalt  }
0x41: {  	_ =	shalt  }
0x42: {  	_ =	shalt  }
0x43: {  	_ =	shalt  }
0x44: {  	_ =	shalt  }
0x45: {  	_ =	shalt  }
0x46: {  	_ =	shalt  }
0x47: {  	_ =	shalt  }
0x48: {  	_ =	shalt  }
0x49: {  	_ =	shalt  }
0x4a: {  	_ =	shalt  }
0x4b: {  	_ =	shalt  }
0x4c: {  	_ =	shalt  }
0x4d: {  	_ =	shalt  }
0x4e: {  	_ =	shalt  }
0x4f: {  	_ =	shalt  }
0x50: {  	_ =	shalt  }
0x51: {  	_ =	shalt  }
0x52: {  	_ =	shalt  }
0x53: {  	_ =	shalt  }
0x54: {  	_ =	shalt  }
0x55: {  	_ =	shalt  }
0x56: {  	_ =	shalt  }
0x57: {  	_ =	shalt  }
0x58: {  	_ =	shalt  }
0x59: {  	_ =	shalt  }
0x5a: {  	_ =	shalt  }
0x5b: {  	_ =	shalt  }
0x5c: {  	_ =	shalt  }
0x5d: {  	_ =	shalt  }
0x5e: {  	_ =	shalt  }
0x5f: {  	_ =	shalt  }
0x60: {  	_ =	shalt  }
0x61: {  	_ =	shalt  }
0x62: {  	_ =	shalt  }
0x63: {  	_ =	shalt  }
0x64: {  	_ =	shalt  }
0x65: {  	_ =	shalt  }
0x66: {  	_ =	shalt  }
0x67: {  	_ =	shalt  }
0x68: {  	_ =	shalt  }
0x69: {  	_ =	shalt  }
0x6a: {  	_ =	shalt  }
0x6b: {  	_ =	shalt  }
0x6c: {  	_ =	shalt  }
0x6d: {  	_ =	shalt  }
0x6e: {  	_ =	shalt  }
0x6f: {  	_ =	shalt  }
0x70: {  	_ =	shalt  }
0x71: {  	_ =	shalt  }
0x72: {  	_ =	shalt  }
0x73: {  	_ =	shalt  }
0x74: {  	_ =	shalt  }
0x75: {  	_ =	shalt  }
0x76: {  	_ =	shalt  }
0x77: {  	_ =	shalt  }
0x78: {  	_ =	shalt  }
0x79: {  	_ =	shalt  }
0x7a: {  	_ =	shalt  }
0x7b: {  	_ =	shalt  }
0x7c: {  	_ =	shalt  }
0x7d: {  	_ =	shalt  }
0x7e: {  	_ =	shalt  }
0x7f: {  	_ =	shalt  }
0x80: {  	_ =	shalt  }
0x81: {  	_ =	shalt  }
0x82: {  	_ =	shalt  }
0x83: {  	_ =	shalt  }
0x84: {  	_ =	shalt  }
0x85: {  	_ =	shalt  }
0x86: {  	_ =	shalt  }
0x87: {  	_ =	shalt  }
.Lfunc_end0:
.L_simem_size_0:
called_computation.2_lowered:
.L_overlay_start_0:
0x88: {  	s2 =	sld [smem:$0x3FD9]  }
0x89: {  	s3 =	sld [smem:$0x3FFE];
	_ =	sdelay $0x1  }
0x8a: {  	s1 =	srdreg.scid  }
0x8b: {  	s0 =	sand.u32 $0x1, s1  }
0x8c: {  	s16 =	sshll.u32 s0, $0xA;
	s2 =	sadd.s32 s3, s2  }
0x8d: {  	s2 =	sadd.s32 s2, s16  }
0x8e: {  	[smem:$0x3FBF] =	sst s2  }
0x8f: {  	_ = 	snop  }
0x90: {  	(tm) =	ssettm $0x1  }
0x91: {  	s17 =	sld [smem:$0x3FFB];
	_ =	sdelay $0x3  }
0x92: {  	_ =	strace s17  }
0x93: {  	s2 =	sld [smem:$0x3FFC];
	_ =	sdelay $0x3  }
0x94: {  	_ =	strace s2  }
0x95: {  	s2 =	sld [smem:$0x3FFD];
	_ =	sdelay $0x3  }
0x96: {  	_ =	strace s2  }
0x97: {  	_ =	strace $0x8FFFFFFF  }
0x98: {  	s18 =	sld [smem:$0x3FDB];
	_ =	sdelay $0x1  }
0x99: {  	s19 =	simm.s32 $_scs_section_size  }
0x9a: {  	s4 =	simm.s32 $_size__tile_overlayer_lowered;
	s5 =	simm.s32 $_tile_overlayer_lowered  }
0x9b: {  	s22 =	simm.s32 $0x1BFF;
	s21 =	sshll.u32 s5, $0x1;
	s2 =	sadd.s32 s19, s18  }
0x9c: {  	s6 =	simm.s32 $0x0;
	s20 =	sshll.u32 s4, $0x1;
	s4 =	sadd.s32 s21, s2  }
0x9d: {  	[timem:s6], [sflag:s22] =	dma.local [hbm:s4], s20  }
0x9e: {  	_ =	swait.ge [sflag:s22], s20  }
0x9f: {  	s3 =	ssub.s32 $0x0, s20;
	[sflag:s22] =	ssyncset.done $0x0  }
0xa0: {  	[sflag:s22] =	ssyncadd.s32 s3;
	_ =	sdelay $0x1  }
0xa1: {  	s23 =	simm.s32 $0x1B8B  }
0xa2: {  	_ =	swait.ge [sflag:s23], $0x1  }
0xa3: {  	[sflag:s23] =	ssyncset.done $0x0  }
0xa4: {  	s25 =	simm.s32 $0x1B8E;
	s24 =	sld [smem:$0x3FFE];
	[sflag:s23] =	ssyncadd.s32 $0xFFFFFFFF  }
0xa5: {  	s26 =	simm.s32 $execute0_lowered;
	[smem:$0x3FD2] =	sst s25  }
0xa6: {  	s4 =	sshll.u32 s26, $0x1;
	_ =	strace $0x8000004C;
	[dreg:$0x1] =	wrdreg $0xFFFFFFFF  }
0xa7: {  	s28 =	simm.s32 $_size_execute0_lowered;
	s2 =	sadd.s32 s2, s4;
	[dreg:$0x0] =	wrdreg $0x0  }
0xa8: {  	s4 =	sshll.u32 s28, $0x1;
	[dreg:$0x2] =	wrdreg s2  }
0xa9: {  	[dreg:$0x3] =	wrdreg s4  }
0xaa: {  	[dreg:$0x4] =	wrdreg $0xC0  }
0xab: {  	_ =	task [dreg:s6], $0x5FFFF  }
0xac: {  	[dreg:$0x1] =	wrdreg $0xFFFFFFFF  }
0xad: {  	[dreg:$0x0] =	wrdreg $0x60  }
0xae: {  	[dreg:$0x2] =	wrdreg s24  }
0xaf: {  	[dreg:$0x3] =	wrdreg $0xB4000  }
0xb0: {  	[dreg:$0x4] =	wrdreg $0x9  }
0xb1: {  	_ =	task.clear_ibuf [dreg:s6], $0x5FFFF;
	_ =	strace $0x9000004C  }
0xb2: {  	s29 =	simm.s32 $0x9;
	_ =	strace $0x8000004E  }
0xb3: {  	_ =	swait.ge [sflag:s29], $0x1  }
0xb4: {  	[sflag:s29] =	ssyncadd.s32 $0xFFFFFFFF  }
0xb5: {  	_ =	strace $0x9000004E  }
0xb6: {  	_ =	sfence  }
0xb7: {  	s30 =	sld [smem:$0x0];
	_ =	sdelay $0x2  }
0xb8: {  	s31 =	sshll.u32 s1, $0xD;
	s1 =	sshrl.u32 s1, $0x2  }
0xb9: {  	s3 =	sand.u32 $0x4000, s31;
	s1 =	sadd.s32 s1, s30  }
0xba: {  	s0 =	sor.u32 s3, s0;
	s1 =	sshll.u32 s1, $0x11  }
0xbb: {  	s0 =	sor.u32 s1, s0  }
0xbc: {  	s0 =	sadd.s32 $0x8F2B, s0  }
0xbd: {  	[sflag:s0] =	ssyncadd.remote.s32 $0x1  }
0xbe: {  	_ =	sfence.sel $0xFFFF  }
0xbf: {  	[dreg:$0x0] =	wrdreg $0xFFFFFFFF;
	(pc) =	sbr.abs _section_cstart, $3  }
0xc0: {  	[dreg:$0x1] =	wrdreg $0xFFFFFFFF  }
0xc1: {  	_ =	task.clear_ibuf [dreg:s6], $0x2FFFF;
	_ =	strace $0x9FFFFFFF  }
0xc2: {  	(tm) =	ssettm $0x7FFFFFFF  }
0xc3: {  	_ =	shalt  }
tec
execute0_lowered:
.L_overlay_start_1:
0x0: {  	(tag) =	ssettag $0x1  }
0x1: {  	s7 =	rddreg [dreg:$0x0]  }
0x2: {  	s2 =	rddreg [dreg:$0x1]  }
0x3: {  	s0 =	rddreg [dreg:$0x2];
	s3 =	simm.s32 $0x0;
	s4 =	srdreg.scid  }
0x4: {  	s1 =	stileid.u32;
	s15 =	simm.s32 $0x40;
	s16 =	simm.s32 $0x1400  }
0x5: {  	s17 =	simm.s32 $0x3400;
	s18 =	simm.s32 $0x5400;
	s19 =	simm.s32 $0x7400  }
0x6: {  	s20 =	simm.s32 $0x9400;
	s21 =	simm.s32 $0x1;
	s22 =	simm.s32 $0x2  }
0x7: {  	[smem:$0x7FF] =	sst s3;
	s8 =	sand.u32 $0x1, s4;
	s9 =	smul.u32 $0x2800, s1  }
0x8: {  	s4 =	sadd.s32 $0x21800, s7;
	s5 =	sadd.s32 $0x3800, s7;
	s6 =	sadd.s32 $0x35800, s7  }
0x9: {  	s11 =	smul.u32 $0x14000, s1;
	s31 =	sshll.u32 s1, $0x6;
	_ =	strace $0x8000004D  }
0xa: {  	s10 =	smul.u32 $0x28000, s8;
	s26 =	ssub.s32 $0x2, s8;
	s8 =	sshll.u32 s8, $0x4  }
0xb: {  	s28 =	sshrl.u32 s26, $0x1;
	s29 =	sor.u32 s1, s8;
	s30 =	sshrl.u32 s11, $0x3  }
0xc: {  	s14 =	sadd.s32 s11, s2;
	s8 =	sor.u32 $0x1C03, s31;
	s9 =	sadd.s32 s9, s10  }
0xd: {  	s13 =	ssub.s32 s26, s28;
	s12 =	sadd.s32 s9, s7;
	s7 =	sadd.s32 s6, s30  }
0xe: {  	s9 =	smul.u32 $0x5000, s29;
	s11 =	smax.u32 s13, $0x1;
	s13 =	simm.s32 $0x3  }
0xf: {  	s10 =	sadd.s32 $0x5D800, s12;
	s12 =	sshrl.u32 s14, $0x3;
	s14 =	simm.s32 $0xA00  }
.LBB2_1:
0x10: {  	[spmem:s12], [sflag:s8] =	dma.local [hbm:s7], $0x2800  }
0x11: {  	_ =	swait.ge [sflag:s13], $0x2800  }
0x12: {  	[sflag:s13] =	ssyncset.done $0x0  }
0x13: {  	[sflag:s13] =	ssyncadd.s32 $0xFFFFD800  }
0x14: {  	s23 =	simm.s32 $0x0;
	[bflag:$0x0] =	sbarrier.arrive $0xFFFF  }
.LBB2_2:
0x15: {  	s24 =	smul.u32 $0xA00, s23;
	_ =	sdelay $0x1  }
0x16: {  	s24 =	sadd.s32 s9, s24  }
0x17: {  	s24 =	sshrl.u32 s24, $0x3  }
0x18: {  	s26 =	simm.s32 $0x0;
	s25 =	sadd.s32 s4, s24  }
0x19: {  	[tilespmem:s26], [sflag:$0x3] =	stream.linear.gather [hbm4b:s25+s26], $0xA00, $0x38;
	[tilespmem:$0x1F400] =	vst v63  }
0x1a: {  	_ =	swait.ge [sflag:s13], $0xA00  }
0x1b: {  	[sflag:s13] =	ssyncset.done $0x0  }
0x1c: {  	s24 =	sadd.s32 s5, s24;
	[sflag:s13] =	ssyncadd.s32 $0xFFFFF600  }
0x1d: {  	[tilespmem:s14], [sflag:$0x3] =	stream.linear.gather [hbm4b:s24+s26], $0xA00, $0x38;
	[tilespmem:$0x1F400] =	vst v63  }
0x1e: {  	_ =	swait.ge [sflag:s13], $0xA00  }
0x1f: {  	[sflag:s13] =	ssyncset.done $0x0  }
0x20: {  	s25 =	simm.s32 $0x0;
	[sflag:s13] =	ssyncadd.s32 $0xFFFFF600  }
0x21: {  	[tilespmem:s16], [sflag:$0x1] =	stream.indirect.gather [hbm4b:s6+s15], $0x80, s25, s15, $0xb8;
	[tilespmem:$0x1F400] =	vst v63  }
0x22: {  	s26 =	simm.s32 $0x40  }
0x23: {  	[tilespmem:s17], [sflag:$0x1] =	stream.indirect.gather [hbm4b:s6+s15], $0x80, s26, s15, $0xb8;
	[tilespmem:$0x1F400] =	vst v63  }
0x24: {  	s29 =	simm.s32 $0x80  }
0x25: {  	[tilespmem:s18], [sflag:$0x1] =	stream.indirect.gather [hbm4b:s6+s15], $0x80, s29, s15, $0xb8;
	[tilespmem:$0x1F400] =	vst v63  }
0x26: {  	s30 =	simm.s32 $0xC0  }
0x27: {  	[tilespmem:s19], [sflag:$0x1] =	stream.indirect.gather [hbm4b:s6+s15], $0x80, s30, s15, $0xb8;
	[tilespmem:$0x1F400] =	vst v63  }
0x28: {  	s31 =	simm.s32 $0x100  }
0x29: {  	[tilespmem:s20], [sflag:$0x1] =	stream.indirect.gather [hbm4b:s6+s15], $0x80, s31, s15, $0xb8;
	[tilespmem:$0x1F400] =	vst v63  }
0x2a: {  	_ =	swait.ge [sflag:s21], $0x2000  }
0x2b: {  	[sflag:s21] =	ssyncset.done $0x0  }
0x2c: {  	[sflag:s21] =	ssyncadd.s32 $0xFFFFE000  }
0x2d: {  	_ =	swait.ge [sflag:s21], $0x2000  }
0x2e: {  	[sflag:s21] =	ssyncset.done $0x0  }
0x2f: {  	[sflag:s21] =	ssyncadd.s32 $0xFFFFE000  }
0x30: {  	_ =	swait.ge [sflag:s21], $0x2000  }
0x31: {  	[sflag:s21] =	ssyncset.done $0x0  }
0x32: {  	[sflag:s21] =	ssyncadd.s32 $0xFFFFE000  }
0x33: {  	_ =	swait.ge [sflag:s21], $0x2000  }
0x34: {  	[sflag:s21] =	ssyncset.done $0x0  }
0x35: {  	[sflag:s21] =	ssyncadd.s32 $0xFFFFE000  }
0x36: {  	_ =	swait.ge [sflag:s21], $0x2000  }
0x37: {  	[sflag:s21] =	ssyncset.done $0x0  }
0x38: {  	s25 =	simm.s32 $0xA00;
	[sflag:s21] =	ssyncadd.s32 $0xFFFFE000  }
0x39: {  	[spmem:s2] =	stream.indirect.scatter.add.f32 [tilespmem:s16], [sflag:$0x2], $0x80, s25, s15, $0xb8;
	[tilespmem:$0x1F400] =	vst v63  }
0x3a: {  	s26 =	simm.s32 $0xA40  }
0x3b: {  	[spmem:s2] =	stream.indirect.scatter.add.f32 [tilespmem:s17], [sflag:$0x2], $0x80, s26, s15, $0xb8;
	[tilespmem:$0x1F400] =	vst v63  }
0x3c: {  	s29 =	simm.s32 $0xA80  }
0x3d: {  	[spmem:s2] =	stream.indirect.scatter.add.f32 [tilespmem:s18], [sflag:$0x2], $0x80, s29, s15, $0xb8;
	[tilespmem:$0x1F400] =	vst v63  }
0x3e: {  	s30 =	simm.s32 $0xAC0  }
0x3f: {  	[spmem:s2] =	stream.indirect.scatter.add.f32 [tilespmem:s19], [sflag:$0x2], $0x80, s30, s15, $0xb8;
	[tilespmem:$0x1F400] =	vst v63  }
0x40: {  	s31 =	simm.s32 $0xB00  }
0x41: {  	[spmem:s2] =	stream.indirect.scatter.add.f32 [tilespmem:s20], [sflag:$0x2], $0x80, s31, s15, $0xb8;
	[tilespmem:$0x1F400] =	vst v63  }
0x42: {  	_ =	swait.ge [sflag:s22], $0x2000  }
0x43: {  	[sflag:s22] =	ssyncset.done $0x0  }
0x44: {  	[sflag:s22] =	ssyncadd.s32 $0xFFFFE000  }
0x45: {  	_ =	swait.ge [sflag:s22], $0x2000  }
0x46: {  	[sflag:s22] =	ssyncset.done $0x0  }
0x47: {  	[sflag:s22] =	ssyncadd.s32 $0xFFFFE000  }
0x48: {  	_ =	swait.ge [sflag:s22], $0x2000  }
0x49: {  	[sflag:s22] =	ssyncset.done $0x0  }
0x4a: {  	[sflag:s22] =	ssyncadd.s32 $0xFFFFE000  }
0x4b: {  	_ =	swait.ge [sflag:s22], $0x2000  }
0x4c: {  	[sflag:s22] =	ssyncset.done $0x0  }
0x4d: {  	[sflag:s22] =	ssyncadd.s32 $0xFFFFE000  }
0x4e: {  	_ =	swait.ge [sflag:s22], $0x2000  }
0x4f: {  	s28 =	simm.s32 $0xA00;
	s24 =	simm.s32 $0x500;
	[sflag:s22] =	ssyncset.done $0x0  }
.LBB2_3:
0x50: {  	s26 =	sshra.s32 s24, $0x2  }
0x51: {  	[sflag:s22] =	ssyncadd.s32 $0xFFFFE000;
	s24 =	smov.u32 s28;
	s25 =	sadd.s32 $0x500, s28  }
0x52: {  	[tilespmem:s16], [sflag:$0x1] =	stream.indirect.gather [hbm4b:s6+s15], $0x80, s26, s15, $0xb8;
	[tilespmem:$0x1F400] =	vst v63  }
0x53: {  	p0 =	sne.s32 s28, $0x2300;
	s28 =	sadd.s32 $0x40, s26  }
0x54: {  	[tilespmem:s17], [sflag:$0x1] =	stream.indirect.gather [hbm4b:s6+s15], $0x80, s28, s15, $0xb8;
	[tilespmem:$0x1F400] =	vst v63  }
0x55: {  	s28 =	sadd.s32 $0x80, s26  }
0x56: {  	[tilespmem:s18], [sflag:$0x1] =	stream.indirect.gather [hbm4b:s6+s15], $0x80, s28, s15, $0xb8;
	[tilespmem:$0x1F400] =	vst v63  }
0x57: {  	s28 =	sadd.s32 $0xC0, s26  }
0x58: {  	[tilespmem:s19], [sflag:$0x1] =	stream.indirect.gather [hbm4b:s6+s15], $0x80, s28, s15, $0xb8;
	[tilespmem:$0x1F400] =	vst v63  }
0x59: {  	s28 =	sadd.s32 $0x100, s26  }
0x5a: {  	[tilespmem:s20], [sflag:$0x1] =	stream.indirect.gather [hbm4b:s6+s15], $0x80, s28, s15, $0xb8;
	[tilespmem:$0x1F400] =	vst v63  }
0x5b: {  	_ =	swait.ge [sflag:s21], $0x2000  }
0x5c: {  	[sflag:s21] =	ssyncset.done $0x0  }
0x5d: {  	[sflag:s21] =	ssyncadd.s32 $0xFFFFE000  }
0x5e: {  	_ =	swait.ge [sflag:s21], $0x2000  }
0x5f: {  	[sflag:s21] =	ssyncset.done $0x0  }
0x60: {  	[sflag:s21] =	ssyncadd.s32 $0xFFFFE000  }
0x61: {  	_ =	swait.ge [sflag:s21], $0x2000  }
0x62: {  	[sflag:s21] =	ssyncset.done $0x0  }
0x63: {  	[sflag:s21] =	ssyncadd.s32 $0xFFFFE000  }
0x64: {  	_ =	swait.ge [sflag:s21], $0x2000  }
0x65: {  	[sflag:s21] =	ssyncset.done $0x0  }
0x66: {  	[sflag:s21] =	ssyncadd.s32 $0xFFFFE000  }
0x67: {  	_ =	swait.ge [sflag:s21], $0x2000  }
0x68: {  	[sflag:s21] =	ssyncset.done $0x0  }
0x69: {  	s28 =	sadd.s32 $0xA00, s26;
	[sflag:s21] =	ssyncadd.s32 $0xFFFFE000  }
0x6a: {  	[spmem:s2] =	stream.indirect.scatter.add.f32 [tilespmem:s16], [sflag:$0x2], $0x80, s28, s15, $0xb8;
	[tilespmem:$0x1F400] =	vst v63  }
0x6b: {  	s28 =	sadd.s32 $0xA40, s26  }
0x6c: {  	[spmem:s2] =	stream.indirect.scatter.add.f32 [tilespmem:s17], [sflag:$0x2], $0x80, s28, s15, $0xb8;
	[tilespmem:$0x1F400] =	vst v63  }
0x6d: {  	s28 =	sadd.s32 $0xA80, s26  }
0x6e: {  	[spmem:s2] =	stream.indirect.scatter.add.f32 [tilespmem:s18], [sflag:$0x2], $0x80, s28, s15, $0xb8;
	[tilespmem:$0x1F400] =	vst v63  }
0x6f: {  	s28 =	sadd.s32 $0xAC0, s26  }
0x70: {  	[spmem:s2] =	stream.indirect.scatter.add.f32 [tilespmem:s19], [sflag:$0x2], $0x80, s28, s15, $0xb8;
	[tilespmem:$0x1F400] =	vst v63  }
0x71: {  	s26 =	sadd.s32 $0xB00, s26  }
0x72: {  	[spmem:s2] =	stream.indirect.scatter.add.f32 [tilespmem:s20], [sflag:$0x2], $0x80, s26, s15, $0xb8;
	[tilespmem:$0x1F400] =	vst v63  }
0x73: {  	_ =	swait.ge [sflag:s22], $0x2000  }
0x74: {  	[sflag:s22] =	ssyncset.done $0x0  }
0x75: {  	[sflag:s22] =	ssyncadd.s32 $0xFFFFE000  }
0x76: {  	_ =	swait.ge [sflag:s22], $0x2000  }
0x77: {  	[sflag:s22] =	ssyncset.done $0x0  }
0x78: {  	[sflag:s22] =	ssyncadd.s32 $0xFFFFE000  }
0x79: {  	_ =	swait.ge [sflag:s22], $0x2000  }
0x7a: {  	[sflag:s22] =	ssyncset.done $0x0  }
0x7b: {  	[sflag:s22] =	ssyncadd.s32 $0xFFFFE000  }
.Ltmp0:
0x7c: {  	_ =	swait.ge [sflag:s22], $0x2000;
	(pc) =	sbr.rel @p0 .LBB2_3-.Ltmp0, $4  }
0x7d: {  	[sflag:s22] =	ssyncset.done $0x0  }
0x7e: {  	[sflag:s22] =	ssyncadd.s32 $0xFFFFE000  }
0x7f: {  	_ =	swait.ge [sflag:s22], $0x2000  }
0x80: {  	s28 =	smov.u32 s25;
	[sflag:s22] =	ssyncset.done $0x0  }
0x81: {  	s24 =	sshra.s32 s24, $0x2;
	[sflag:s22] =	ssyncadd.s32 $0xFFFFE000  }
0x82: {  	[tilespmem:s16], [sflag:$0x1] =	stream.indirect.gather [hbm4b:s6+s15], $0x80, s24, s15, $0xb8;
	[tilespmem:$0x1F400] =	vst v63  }
0x83: {  	s25 =	sadd.s32 $0x40, s24  }
0x84: {  	[tilespmem:s17], [sflag:$0x1] =	stream.indirect.gather [hbm4b:s6+s15], $0x80, s25, s15, $0xb8;
	[tilespmem:$0x1F400] =	vst v63  }
0x85: {  	s30 =	sadd.s32 $0x80, s24  }
0x86: {  	[tilespmem:s18], [sflag:$0x1] =	stream.indirect.gather [hbm4b:s6+s15], $0x80, s30, s15, $0xb8;
	[tilespmem:$0x1F400] =	vst v63  }
0x87: {  	s31 =	sadd.s32 $0xC0, s24  }
0x88: {  	[tilespmem:s19], [sflag:$0x1] =	stream.indirect.gather [hbm4b:s6+s15], $0x80, s31, s15, $0xb8;
	[tilespmem:$0x1F400] =	vst v63  }
0x89: {  	s26 =	sadd.s32 $0x100, s24  }
0x8a: {  	[tilespmem:s20], [sflag:$0x1] =	stream.indirect.gather [hbm4b:s6+s15], $0x80, s26, s15, $0xb8;
	[tilespmem:$0x1F400] =	vst v63  }
0x8b: {  	_ =	swait.ge [sflag:s21], $0x2000  }
0x8c: {  	[sflag:s21] =	ssyncset.done $0x0  }
0x8d: {  	[sflag:s21] =	ssyncadd.s32 $0xFFFFE000  }
0x8e: {  	_ =	swait.ge [sflag:s21], $0x2000  }
0x8f: {  	[sflag:s21] =	ssyncset.done $0x0  }
0x90: {  	[sflag:s21] =	ssyncadd.s32 $0xFFFFE000  }
0x91: {  	_ =	swait.ge [sflag:s21], $0x2000  }
0x92: {  	[sflag:s21] =	ssyncset.done $0x0  }
0x93: {  	[sflag:s21] =	ssyncadd.s32 $0xFFFFE000  }
0x94: {  	_ =	swait.ge [sflag:s21], $0x2000  }
0x95: {  	[sflag:s21] =	ssyncset.done $0x0  }
0x96: {  	[sflag:s21] =	ssyncadd.s32 $0xFFFFE000  }
0x97: {  	_ =	swait.ge [sflag:s21], $0x2000  }
0x98: {  	[sflag:s21] =	ssyncset.done $0x0  }
0x99: {  	s28 =	sadd.s32 $0xA00, s24;
	[sflag:s21] =	ssyncadd.s32 $0xFFFFE000  }
0x9a: {  	[spmem:s2] =	stream.indirect.scatter.add.f32 [tilespmem:s16], [sflag:$0x2], $0x80, s28, s15, $0xb8;
	[tilespmem:$0x1F400] =	vst v63  }
0x9b: {  	s29 =	sadd.s32 $0xA40, s24  }
0x9c: {  	[spmem:s2] =	stream.indirect.scatter.add.f32 [tilespmem:s17], [sflag:$0x2], $0x80, s29, s15, $0xb8;
	[tilespmem:$0x1F400] =	vst v63  }
0x9d: {  	s30 =	sadd.s32 $0xA80, s24  }
0x9e: {  	[spmem:s2] =	stream.indirect.scatter.add.f32 [tilespmem:s18], [sflag:$0x2], $0x80, s30, s15, $0xb8;
	[tilespmem:$0x1F400] =	vst v63  }
0x9f: {  	s31 =	sadd.s32 $0xAC0, s24  }
0xa0: {  	[spmem:s2] =	stream.indirect.scatter.add.f32 [tilespmem:s19], [sflag:$0x2], $0x80, s31, s15, $0xb8;
	[tilespmem:$0x1F400] =	vst v63  }
0xa1: {  	s24 =	sadd.s32 $0xB00, s24  }
0xa2: {  	[spmem:s2] =	stream.indirect.scatter.add.f32 [tilespmem:s20], [sflag:$0x2], $0x80, s24, s15, $0xb8;
	[tilespmem:$0x1F400] =	vst v63  }
0xa3: {  	_ =	swait.ge [sflag:s22], $0x2000  }
0xa4: {  	[sflag:s22] =	ssyncset.done $0x0  }
0xa5: {  	[sflag:s22] =	ssyncadd.s32 $0xFFFFE000  }
0xa6: {  	_ =	swait.ge [sflag:s22], $0x2000  }
0xa7: {  	[sflag:s22] =	ssyncset.done $0x0  }
0xa8: {  	[sflag:s22] =	ssyncadd.s32 $0xFFFFE000  }
0xa9: {  	_ =	swait.ge [sflag:s22], $0x2000  }
0xaa: {  	[sflag:s22] =	ssyncset.done $0x0  }
0xab: {  	s23 =	sadd.s32 $0x1, s23;
	[sflag:s22] =	ssyncadd.s32 $0xFFFFE000  }
0xac: {  	p0 =	sne.s32 s23, $0x8;
	_ =	swait.ge [sflag:s22], $0x2000  }
.Ltmp1:
0xad: {  	[sflag:s22] =	ssyncset.done $0x0;
	(pc) =	sbr.rel @p0 .LBB2_2-.Ltmp1, $4  }
0xae: {  	[sflag:s22] =	ssyncadd.s32 $0xFFFFE000  }
0xaf: {  	_ =	swait.ge [sflag:s22], $0x2000  }
0xb0: {  	[sflag:s22] =	ssyncset.done $0x0  }
0xb1: {  	[sflag:s22] =	ssyncadd.s32 $0xFFFFE000  }
0xb2: {  	s3 =	sadd.s32 $0x1, s3  }
0xb3: {  	p0 =	sne.s32 s3, s11  }
.Ltmp2:
0xb4: {  	[bflag:$0x0] =	sbarrier.arrive $0xFFFF;
	(pc) =	sbr.rel @p0 .LBB2_1-.Ltmp2, $4  }
0xb5: {  	[hbm:s10], [sflag:s8] =	dma.local [spmem:s12], $0x2800  }
0xb6: {  	_ =	swait.ge [sflag:s13], $0x2800  }
0xb7: {  	[sflag:s13] =	ssyncset.done $0x0  }
0xb8: {  	[sflag:s13] =	ssyncadd.s32 $0xFFFFD800  }
0xb9: {  	_ =	sfence.sel $0x180000  }
0xba: {  	[bflag:$0x0] =	sbarrier.arrive $0xFFFF  }
0xbb: {  	p0 =	sne.s32 s1, $0x0;
	_ =	strace $0x9000004D  }
0xbc: {  	s0 =	sadd.s32 @!p0 $0x100000, s0;
	[bflag:$0x2] =	sbarrier.arrive $0xFFFF  }
0xbd: {  	[sflag:s0] =	ssyncadd.tile.s32 @!p0 $0x1;
	_ =	shalt  }
.Lfunc_end2:
_tile_overlayer_lowered:
.L_overlay_start_2:
0xbe: {  	(tag) =	ssettag $0x2  }
0xbf: {  	s0 =	rddreg [dreg:$0x0];
	s2 =	stileid.u32  }
0xc0: {  	s1 =	rddreg [dreg:$0x1];
	p0 =	sne.s32 s2, $0x0  }
0xc1: {  	s3 =	rddreg [dreg:$0x2];
	[bflag:$0x3] =	sbarrier.arrive $0xFFFF;
	s2 =	simm.s32 @!p0 $0x1C03  }
0xc2: {  	[timem:s3], [sflag:s2] =	dma.local @!p0 [hbm:s0], s1  }
0xc3: {  	s0 =	simm.s32 @!p0 $0x3  }
0xc4: {  	_ =	swait.ge @!p0 [sflag:s0], s1  }
0xc5: {  	s1 =	ssub.s32 @!p0 $0x0, s1;
	[sflag:s0] =	ssyncset.done @!p0 $0x0  }
0xc6: {  	[sflag:s0] =	ssyncadd.s32 @!p0 s1  }
0xc7: {  	[bflag:$0x3] =	sbarrier.arrive $0xFFFF  }
0xc8: {  	_ =	shalt  }

// kernel: kernel.19.cloned.1.call-start
scs
__scs_entry_jumppad:
0x0: {  	(pc) =	sbr.rel $0x88, $3  }
0x1: {  	(tag) =	ssettag $0x0;
	lr =	simm.s32 $0x1  }
0x2: {  	[smem:$0x3F98] =	sst lr;
	_ =	strace $0xD0000000  }
0x3: {  	_ = 	snop  }
0x4: {  	_ = 	snop  }
0x5: {  	_ = 	snop  }
0x6: {  	_ = 	snop  }
0x7: {  	_ = 	snop  }
__scs_overlays_trampoline_lowered:
0x8: {  	[smem:$0x3FA7] =	sst s0  }
0x9: {  	[smem:$0x3FA8] =	sst s1  }
0xa: {  	[smem:$0x3FA9] =	sst s2  }
0xb: {  	[smem:$0x3FAA] =	sst s3  }
0xc: {  	[smem:$0x3FAB] =	sst s4  }
0xd: {  	[smem:$0x3FAC] =	sst s5  }
0xe: {  	[smem:$0x3FAD] =	sst s6  }
0xf: {  	[smem:$0x3FAE] =	sst s7  }
0x10: {  	[smem:$0x3FAF] =	sst s8  }
0x11: {  	[smem:$0x3FB0] =	sst s9;
	s0 =	simm.s32 @!p0 $0x0  }
0x12: {  	s1 =	sld [smem:$0x3F96];
	s0 =	simm.s32 @p0 $0x1  }
0x13: {  	[smem:$0x3FB1] =	sst s0;
	s0 =	simm.s32 @!p1 $0x0  }
0x14: {  	s2 =	sld [smem:$0x3F95];
	s0 =	simm.s32 @p1 $0x1  }
0x15: {  	[smem:$0x3FB2] =	sst s0;
	s0 =	simm.s32 @!p2 $0x0  }
0x16: {  	s3 =	sld [smem:$0x3FDB];
	s0 =	simm.s32 @p2 $0x1  }
0x17: {  	s4 =	simm.s32 $0x1BF5;
	[smem:$0x3FB4] =	sst s0  }
0x18: {  	s0 =	sld [smem:$0x3F97];
	_ =	swait.ge [sflag:s4], $0x0  }
0x19: {  	s7 =	sld [smem:$0x3F98]  }
0x1a: {  	s8 =	sadd.s32 $0xFFFFE003, lr  }
0x1b: {  	s9 =	sadd.s32 $0xFFFFFEF7, lr;
	s5 =	simm.s32 $0xFFFFFFFF;
	p2 =	slt.u32 s8, $0xFFFFF086  }
0x1c: {  	p1 =	slt.u32 s9, $0xF7A;
	s5 =	simm.s32 @!p2 $0x0  }
0x1d: {  	s5 =	simm.s32 @p1 $0x1;
	p0 =	seq.s32 s7, s2  }
0x1e: {  	s7 =	smul.u32 @!p0 $0xF7A, s2;
	p2 =	seq.s32 @!p0 s5, $0x0  }
0x1f: {  	s9 =	smul.u32 $0xF7A, s1;
	s8 =	simm.s32 @!p0 $0x1BF5;
	p2 =	por !p2, p0  }
0x20: {  	[sflag:s8] =	ssyncset.s32 @!p0 $0xFFFFF086;
	s6 =	sadd.s32 @!p0 s3, s7;
	s7 =	simm.s32 @!p0 $0x108  }
0x21: {  	s3 =	sadd.s32 s3, s9;
	s6 =	sadd.s32 @!p0 $0x88, s6;
	s7 =	simm.s32 @p2 $0x1082  }
0x22: {  	[simem:s7], [sflag:s8] =	dma.local @!p0 [hbm:s6], $0xF7A  }
0x23: {  	s9 =	sor.u32 $0xD0000000, s2;
	s6 =	simm.s32 $0x108;
	_ =	swait.ge @!p0 [sflag:s8], $0x0  }
0x24: {  	s3 =	sadd.s32 $0x88, s3;
	s6 =	simm.s32 @!p1 $0x1082;
	[sflag:s4] =	ssyncset.s32 $0xFFFFF086  }
0x25: {  	[simem:s6], [sflag:s4] =	dma.local [hbm:s3], $0xF7A  }
0x26: {  	[smem:$0x3F98] =	sst s1;
	(tag) =	ssettag s2;
	_ =	strace s9  }
0x27: {  	s1 =	sld [smem:$0x3FA8]  }
0x28: {  	s2 =	sld [smem:$0x3FA9]  }
0x29: {  	s4 =	sld [smem:$0x3FAB]  }
0x2a: {  	p0 =	seq.s32 s5, $0x0;
	s5 =	sld [smem:$0x3FAC]  }
0x2b: {  	s6 =	sld [smem:$0x3FAD]  }
0x2c: {  	s7 =	sld [smem:$0x3FAE]  }
0x2d: {  	s3 =	simm.s32 $0x108;
	s8 =	sld [smem:$0x3FAF]  }
0x2e: {  	s3 =	simm.s32 @!p0 $0x1082;
	s9 =	sld [smem:$0x3FB0]  }
0x2f: {  	lr =	sadd.s32 s0, s3;
	s0 =	sld [smem:$0x3FA7]  }
0x30: {  	s3 =	sld [smem:$0x3FAA]  }
0x31: {  	[smem:$0x3FB3] =	sst s10  }
0x32: {  	s10 =	sld [smem:$0x3FB1];
	_ =	sdelay $0x3  }
0x33: {  	p0 =	seq.s32 s10, $0x1;
	s10 =	sld [smem:$0x3FB3];
	_ =	sdelay $0x3  }
0x34: {  	[smem:$0x3FB3] =	sst s10  }
0x35: {  	s10 =	sld [smem:$0x3FB2];
	_ =	sdelay $0x3  }
0x36: {  	p1 =	seq.s32 s10, $0x1;
	s10 =	sld [smem:$0x3FB3];
	_ =	sdelay $0x3  }
0x37: {  	[smem:$0x3FB3] =	sst s10  }
0x38: {  	s10 =	sld [smem:$0x3FB4]  }
0x39: {  	_ = 	snop;
	(pc) =	sbr.ind lr, $3  }
0x3a: {  	_ = 	snop  }
0x3b: {  	_ = 	snop  }
0x3c: {  	p2 =	seq.s32 s10, $0x1;
	s10 =	sld [smem:$0x3FB3]  }
0x3d: {  	_ =	shalt  }
0x3e: {  	_ =	shalt  }
0x3f: {  	_ =	shalt  }
0x40: {  	_ =	shalt  }
0x41: {  	_ =	shalt  }
0x42: {  	_ =	shalt  }
0x43: {  	_ =	shalt  }
0x44: {  	_ =	shalt  }
0x45: {  	_ =	shalt  }
0x46: {  	_ =	shalt  }
0x47: {  	_ =	shalt  }
0x48: {  	_ =	shalt  }
0x49: {  	_ =	shalt  }
0x4a: {  	_ =	shalt  }
0x4b: {  	_ =	shalt  }
0x4c: {  	_ =	shalt  }
0x4d: {  	_ =	shalt  }
0x4e: {  	_ =	shalt  }
0x4f: {  	_ =	shalt  }
0x50: {  	_ =	shalt  }
0x51: {  	_ =	shalt  }
0x52: {  	_ =	shalt  }
0x53: {  	_ =	shalt  }
0x54: {  	_ =	shalt  }
0x55: {  	_ =	shalt  }
0x56: {  	_ =	shalt  }
0x57: {  	_ =	shalt  }
0x58: {  	_ =	shalt  }
0x59: {  	_ =	shalt  }
0x5a: {  	_ =	shalt  }
0x5b: {  	_ =	shalt  }
0x5c: {  	_ =	shalt  }
0x5d: {  	_ =	shalt  }
0x5e: {  	_ =	shalt  }
0x5f: {  	_ =	shalt  }
0x60: {  	_ =	shalt  }
0x61: {  	_ =	shalt  }
0x62: {  	_ =	shalt  }
0x63: {  	_ =	shalt  }
0x64: {  	_ =	shalt  }
0x65: {  	_ =	shalt  }
0x66: {  	_ =	shalt  }
0x67: {  	_ =	shalt  }
0x68: {  	_ =	shalt  }
0x69: {  	_ =	shalt  }
0x6a: {  	_ =	shalt  }
0x6b: {  	_ =	shalt  }
0x6c: {  	_ =	shalt  }
0x6d: {  	_ =	shalt  }
0x6e: {  	_ =	shalt  }
0x6f: {  	_ =	shalt  }
0x70: {  	_ =	shalt  }
0x71: {  	_ =	shalt  }
0x72: {  	_ =	shalt  }
0x73: {  	_ =	shalt  }
0x74: {  	_ =	shalt  }
0x75: {  	_ =	shalt  }
0x76: {  	_ =	shalt  }
0x77: {  	_ =	shalt  }
0x78: {  	_ =	shalt  }
0x79: {  	_ =	shalt  }
0x7a: {  	_ =	shalt  }
0x7b: {  	_ =	shalt  }
0x7c: {  	_ =	shalt  }
0x7d: {  	_ =	shalt  }
0x7e: {  	_ =	shalt  }
0x7f: {  	_ =	shalt  }
0x80: {  	_ =	shalt  }
0x81: {  	_ =	shalt  }
0x82: {  	_ =	shalt  }
0x83: {  	_ =	shalt  }
0x84: {  	_ =	shalt  }
0x85: {  	_ =	shalt  }
0x86: {  	_ =	shalt  }
0x87: {  	_ =	shalt  }
.Lfunc_end0:
.L_simem_size_0:
called_computation.3_lowered:
.L_overlay_start_0:
0x88: {  	s2 =	sld [smem:$0x3FD9]  }
0x89: {  	s3 =	sld [smem:$0x3FFE];
	_ =	sdelay $0x1  }
0x8a: {  	s1 =	srdreg.scid  }
0x8b: {  	s0 =	sand.u32 $0x1, s1  }
0x8c: {  	s16 =	sshll.u32 s0, $0xA;
	s2 =	sadd.s32 s3, s2  }
0x8d: {  	s2 =	sadd.s32 s2, s16  }
0x8e: {  	[smem:$0x3FBF] =	sst s2  }
0x8f: {  	_ = 	snop  }
0x90: {  	(tm) =	ssettm $0x1  }
0x91: {  	s17 =	sld [smem:$0x3FFB];
	_ =	sdelay $0x3  }
0x92: {  	_ =	strace s17  }
0x93: {  	s2 =	sld [smem:$0x3FFC];
	_ =	sdelay $0x3  }
0x94: {  	_ =	strace s2  }
0x95: {  	s2 =	sld [smem:$0x3FFD];
	_ =	sdelay $0x3  }
0x96: {  	_ =	strace s2  }
0x97: {  	_ =	strace $0x8FFFFFFF  }
0x98: {  	s18 =	sld [smem:$0x3FDB];
	_ =	sdelay $0x1  }
0x99: {  	s19 =	simm.s32 $_scs_section_size  }
0x9a: {  	s4 =	simm.s32 $_size__tile_overlayer_lowered;
	s5 =	simm.s32 $_tile_overlayer_lowered  }
0x9b: {  	s22 =	simm.s32 $0x1BFF;
	s21 =	sshll.u32 s5, $0x1;
	s2 =	sadd.s32 s19, s18  }
0x9c: {  	s6 =	simm.s32 $0x0;
	s20 =	sshll.u32 s4, $0x1;
	s4 =	sadd.s32 s21, s2  }
0x9d: {  	[timem:s6], [sflag:s22] =	dma.local [hbm:s4], s20  }
0x9e: {  	_ =	swait.ge [sflag:s22], s20  }
0x9f: {  	s3 =	ssub.s32 $0x0, s20;
	[sflag:s22] =	ssyncset.done $0x0  }
0xa0: {  	[sflag:s22] =	ssyncadd.s32 s3;
	_ =	sdelay $0x1  }
0xa1: {  	s23 =	simm.s32 $0x1B8B  }
0xa2: {  	_ =	swait.ge [sflag:s23], $0x1  }
0xa3: {  	[sflag:s23] =	ssyncset.done $0x0  }
0xa4: {  	s25 =	simm.s32 $0x1B8E;
	s24 =	sld [smem:$0x3FFE];
	[sflag:s23] =	ssyncadd.s32 $0xFFFFFFFF  }
0xa5: {  	s26 =	simm.s32 $execute0_lowered;
	[smem:$0x3FD2] =	sst s25  }
0xa6: {  	s4 =	sshll.u32 s26, $0x1;
	_ =	strace $0x8000004F;
	[dreg:$0x1] =	wrdreg $0xFFFFFFFF  }
0xa7: {  	s28 =	simm.s32 $_size_execute0_lowered;
	s2 =	sadd.s32 s2, s4;
	[dreg:$0x0] =	wrdreg $0x0  }
0xa8: {  	s4 =	sshll.u32 s28, $0x1;
	[dreg:$0x2] =	wrdreg s2  }
0xa9: {  	[dreg:$0x3] =	wrdreg s4  }
0xaa: {  	[dreg:$0x4] =	wrdreg $0xC0  }
0xab: {  	_ =	task [dreg:s6], $0x5FFFF  }
0xac: {  	[dreg:$0x1] =	wrdreg $0xFFFFFFFF  }
0xad: {  	[dreg:$0x0] =	wrdreg $0x60  }
0xae: {  	[dreg:$0x2] =	wrdreg s24  }
0xaf: {  	[dreg:$0x3] =	wrdreg $0xB4000  }
0xb0: {  	[dreg:$0x4] =	wrdreg $0x9  }
0xb1: {  	_ =	task.clear_ibuf [dreg:s6], $0x5FFFF;
	_ =	strace $0x9000004F  }
0xb2: {  	s29 =	simm.s32 $0x9;
	_ =	strace $0x80000051  }
0xb3: {  	_ =	swait.ge [sflag:s29], $0x1  }
0xb4: {  	[sflag:s29] =	ssyncadd.s32 $0xFFFFFFFF  }
0xb5: {  	_ =	strace $0x90000051  }
0xb6: {  	_ =	sfence  }
0xb7: {  	s30 =	sld [smem:$0x0];
	_ =	sdelay $0x2  }
0xb8: {  	s31 =	sshll.u32 s1, $0xD;
	s1 =	sshrl.u32 s1, $0x2  }
0xb9: {  	s3 =	sand.u32 $0x4000, s31;
	s1 =	sadd.s32 s1, s30  }
0xba: {  	s0 =	sor.u32 s3, s0;
	s1 =	sshll.u32 s1, $0x11  }
0xbb: {  	s0 =	sor.u32 s1, s0  }
0xbc: {  	s0 =	sadd.s32 $0x8F2B, s0  }
0xbd: {  	[sflag:s0] =	ssyncadd.remote.s32 $0x1  }
0xbe: {  	_ =	sfence.sel $0xFFFF  }
0xbf: {  	[dreg:$0x0] =	wrdreg $0xFFFFFFFF;
	(pc) =	sbr.abs _section_cstart, $3  }
0xc0: {  	[dreg:$0x1] =	wrdreg $0xFFFFFFFF  }
0xc1: {  	_ =	task.clear_ibuf [dreg:s6], $0x2FFFF;
	_ =	strace $0x9FFFFFFF  }
0xc2: {  	(tm) =	ssettm $0x7FFFFFFF  }
0xc3: {  	_ =	shalt  }
tec
execute0_lowered:
.L_overlay_start_1:
0x0: {  	(tag) =	ssettag $0x1  }
0x1: {  	s7 =	rddreg [dreg:$0x0]  }
0x2: {  	s2 =	rddreg [dreg:$0x1]  }
0x3: {  	s0 =	rddreg [dreg:$0x2];
	s3 =	simm.s32 $0x0;
	s4 =	srdreg.scid  }
0x4: {  	s1 =	stileid.u32;
	s15 =	simm.s32 $0x40;
	s16 =	simm.s32 $0x1400  }
0x5: {  	s17 =	simm.s32 $0x3400;
	s18 =	simm.s32 $0x5400;
	s19 =	simm.s32 $0x7400  }
0x6: {  	s20 =	simm.s32 $0x9400;
	s21 =	simm.s32 $0x1;
	s22 =	simm.s32 $0x2  }
0x7: {  	[smem:$0x7FF] =	sst s3;
	s8 =	sand.u32 $0x1, s4;
	s9 =	smul.u32 $0x2800, s1  }
0x8: {  	s4 =	sadd.s32 $0x21800, s7;
	s5 =	sadd.s32 $0x3800, s7;
	s6 =	sadd.s32 $0x35800, s7  }
0x9: {  	s11 =	smul.u32 $0x14000, s1;
	s31 =	sshll.u32 s1, $0x6;
	_ =	strace $0x80000050  }
0xa: {  	s10 =	smul.u32 $0x28000, s8;
	s26 =	ssub.s32 $0x2, s8;
	s8 =	sshll.u32 s8, $0x4  }
0xb: {  	s28 =	sshrl.u32 s26, $0x1;
	s29 =	sor.u32 s1, s8;
	s30 =	sshrl.u32 s11, $0x3  }
0xc: {  	s14 =	sadd.s32 s11, s2;
	s8 =	sor.u32 $0x1C03, s31;
	s9 =	sadd.s32 s9, s10  }
0xd: {  	s13 =	ssub.s32 s26, s28;
	s12 =	sadd.s32 s9, s7;
	s7 =	sadd.s32 s6, s30  }
0xe: {  	s9 =	smul.u32 $0x5000, s29;
	s11 =	smax.u32 s13, $0x1;
	s13 =	simm.s32 $0x3  }
0xf: {  	s10 =	sadd.s32 $0x5D800, s12;
	s12 =	sshrl.u32 s14, $0x3;
	s14 =	simm.s32 $0xA00  }
.LBB2_1:
0x10: {  	[spmem:s12], [sflag:s8] =	dma.local [hbm:s7], $0x2800  }
0x11: {  	_ =	swait.ge [sflag:s13], $0x2800  }
0x12: {  	[sflag:s13] =	ssyncset.done $0x0  }
0x13: {  	[sflag:s13] =	ssyncadd.s32 $0xFFFFD800  }
0x14: {  	s23 =	simm.s32 $0x0;
	[bflag:$0x0] =	sbarrier.arrive $0xFFFF  }
.LBB2_2:
0x15: {  	s24 =	smul.u32 $0xA00, s23;
	_ =	sdelay $0x1  }
0x16: {  	s24 =	sadd.s32 s9, s24  }
0x17: {  	s24 =	sshrl.u32 s24, $0x3  }
0x18: {  	s26 =	simm.s32 $0x0;
	s25 =	sadd.s32 s4, s24  }
0x19: {  	[tilespmem:s26], [sflag:$0x3] =	stream.linear.gather [hbm4b:s25+s26], $0xA00, $0x38;
	[tilespmem:$0x1F400] =	vst v63  }
0x1a: {  	_ =	swait.ge [sflag:s13], $0xA00  }
0x1b: {  	[sflag:s13] =	ssyncset.done $0x0  }
0x1c: {  	s24 =	sadd.s32 s5, s24;
	[sflag:s13] =	ssyncadd.s32 $0xFFFFF600  }
0x1d: {  	[tilespmem:s14], [sflag:$0x3] =	stream.linear.gather [hbm4b:s24+s26], $0xA00, $0x38;
	[tilespmem:$0x1F400] =	vst v63  }
0x1e: {  	_ =	swait.ge [sflag:s13], $0xA00  }
0x1f: {  	[sflag:s13] =	ssyncset.done $0x0  }
0x20: {  	s25 =	simm.s32 $0x0;
	[sflag:s13] =	ssyncadd.s32 $0xFFFFF600  }
0x21: {  	[tilespmem:s16], [sflag:$0x1] =	stream.indirect.gather [hbm4b:s6+s15], $0x80, s25, s15, $0xb8;
	[tilespmem:$0x1F400] =	vst v63  }
0x22: {  	s26 =	simm.s32 $0x40  }
0x23: {  	[tilespmem:s17], [sflag:$0x1] =	stream.indirect.gather [hbm4b:s6+s15], $0x80, s26, s15, $0xb8;
	[tilespmem:$0x1F400] =	vst v63  }
0x24: {  	s29 =	simm.s32 $0x80  }
0x25: {  	[tilespmem:s18], [sflag:$0x1] =	stream.indirect.gather [hbm4b:s6+s15], $0x80, s29, s15, $0xb8;
	[tilespmem:$0x1F400] =	vst v63  }
0x26: {  	s30 =	simm.s32 $0xC0  }
0x27: {  	[tilespmem:s19], [sflag:$0x1] =	stream.indirect.gather [hbm4b:s6+s15], $0x80, s30, s15, $0xb8;
	[tilespmem:$0x1F400] =	vst v63  }
0x28: {  	s31 =	simm.s32 $0x100  }
0x29: {  	[tilespmem:s20], [sflag:$0x1] =	stream.indirect.gather [hbm4b:s6+s15], $0x80, s31, s15, $0xb8;
	[tilespmem:$0x1F400] =	vst v63  }
0x2a: {  	_ =	swait.ge [sflag:s21], $0x2000  }
0x2b: {  	[sflag:s21] =	ssyncset.done $0x0  }
0x2c: {  	[sflag:s21] =	ssyncadd.s32 $0xFFFFE000  }
0x2d: {  	_ =	swait.ge [sflag:s21], $0x2000  }
0x2e: {  	[sflag:s21] =	ssyncset.done $0x0  }
0x2f: {  	[sflag:s21] =	ssyncadd.s32 $0xFFFFE000  }
0x30: {  	_ =	swait.ge [sflag:s21], $0x2000  }
0x31: {  	[sflag:s21] =	ssyncset.done $0x0  }
0x32: {  	[sflag:s21] =	ssyncadd.s32 $0xFFFFE000  }
0x33: {  	_ =	swait.ge [sflag:s21], $0x2000  }
0x34: {  	[sflag:s21] =	ssyncset.done $0x0  }
0x35: {  	[sflag:s21] =	ssyncadd.s32 $0xFFFFE000  }
0x36: {  	_ =	swait.ge [sflag:s21], $0x2000  }
0x37: {  	[sflag:s21] =	ssyncset.done $0x0  }
0x38: {  	s25 =	simm.s32 $0xA00;
	[sflag:s21] =	ssyncadd.s32 $0xFFFFE000  }
0x39: {  	[spmem:s2] =	stream.indirect.scatter.add.f32 [tilespmem:s16], [sflag:$0x2], $0x80, s25, s15, $0xb8;
	[tilespmem:$0x1F400] =	vst v63  }
0x3a: {  	s26 =	simm.s32 $0xA40  }
0x3b: {  	[spmem:s2] =	stream.indirect.scatter.add.f32 [tilespmem:s17], [sflag:$0x2], $0x80, s26, s15, $0xb8;
	[tilespmem:$0x1F400] =	vst v63  }
0x3c: {  	s29 =	simm.s32 $0xA80  }
0x3d: {  	[spmem:s2] =	stream.indirect.scatter.add.f32 [tilespmem:s18], [sflag:$0x2], $0x80, s29, s15, $0xb8;
	[tilespmem:$0x1F400] =	vst v63  }
0x3e: {  	s30 =	simm.s32 $0xAC0  }
0x3f: {  	[spmem:s2] =	stream.indirect.scatter.add.f32 [tilespmem:s19], [sflag:$0x2], $0x80, s30, s15, $0xb8;
	[tilespmem:$0x1F400] =	vst v63  }
0x40: {  	s31 =	simm.s32 $0xB00  }
0x41: {  	[spmem:s2] =	stream.indirect.scatter.add.f32 [tilespmem:s20], [sflag:$0x2], $0x80, s31, s15, $0xb8;
	[tilespmem:$0x1F400] =	vst v63  }
0x42: {  	_ =	swait.ge [sflag:s22], $0x2000  }
0x43: {  	[sflag:s22] =	ssyncset.done $0x0  }
0x44: {  	[sflag:s22] =	ssyncadd.s32 $0xFFFFE000  }
0x45: {  	_ =	swait.ge [sflag:s22], $0x2000  }
0x46: {  	[sflag:s22] =	ssyncset.done $0x0  }
0x47: {  	[sflag:s22] =	ssyncadd.s32 $0xFFFFE000  }
0x48: {  	_ =	swait.ge [sflag:s22], $0x2000  }
0x49: {  	[sflag:s22] =	ssyncset.done $0x0  }
0x4a: {  	[sflag:s22] =	ssyncadd.s32 $0xFFFFE000  }
0x4b: {  	_ =	swait.ge [sflag:s22], $0x2000  }
0x4c: {  	[sflag:s22] =	ssyncset.done $0x0  }
0x4d: {  	[sflag:s22] =	ssyncadd.s32 $0xFFFFE000  }
0x4e: {  	_ =	swait.ge [sflag:s22], $0x2000  }
0x4f: {  	s28 =	simm.s32 $0xA00;
	s24 =	simm.s32 $0x500;
	[sflag:s22] =	ssyncset.done $0x0  }
.LBB2_3:
0x50: {  	s26 =	sshra.s32 s24, $0x2  }
0x51: {  	[sflag:s22] =	ssyncadd.s32 $0xFFFFE000;
	s24 =	smov.u32 s28;
	s25 =	sadd.s32 $0x500, s28  }
0x52: {  	[tilespmem:s16], [sflag:$0x1] =	stream.indirect.gather [hbm4b:s6+s15], $0x80, s26, s15, $0xb8;
	[tilespmem:$0x1F400] =	vst v63  }
0x53: {  	p0 =	sne.s32 s28, $0x2300;
	s28 =	sadd.s32 $0x40, s26  }
0x54: {  	[tilespmem:s17], [sflag:$0x1] =	stream.indirect.gather [hbm4b:s6+s15], $0x80, s28, s15, $0xb8;
	[tilespmem:$0x1F400] =	vst v63  }
0x55: {  	s28 =	sadd.s32 $0x80, s26  }
0x56: {  	[tilespmem:s18], [sflag:$0x1] =	stream.indirect.gather [hbm4b:s6+s15], $0x80, s28, s15, $0xb8;
	[tilespmem:$0x1F400] =	vst v63  }
0x57: {  	s28 =	sadd.s32 $0xC0, s26  }
0x58: {  	[tilespmem:s19], [sflag:$0x1] =	stream.indirect.gather [hbm4b:s6+s15], $0x80, s28, s15, $0xb8;
	[tilespmem:$0x1F400] =	vst v63  }
0x59: {  	s28 =	sadd.s32 $0x100, s26  }
0x5a: {  	[tilespmem:s20], [sflag:$0x1] =	stream.indirect.gather [hbm4b:s6+s15], $0x80, s28, s15, $0xb8;
	[tilespmem:$0x1F400] =	vst v63  }
0x5b: {  	_ =	swait.ge [sflag:s21], $0x2000  }
0x5c: {  	[sflag:s21] =	ssyncset.done $0x0  }
0x5d: {  	[sflag:s21] =	ssyncadd.s32 $0xFFFFE000  }
0x5e: {  	_ =	swait.ge [sflag:s21], $0x2000  }
0x5f: {  	[sflag:s21] =	ssyncset.done $0x0  }
0x60: {  	[sflag:s21] =	ssyncadd.s32 $0xFFFFE000  }
0x61: {  	_ =	swait.ge [sflag:s21], $0x2000  }
0x62: {  	[sflag:s21] =	ssyncset.done $0x0  }
0x63: {  	[sflag:s21] =	ssyncadd.s32 $0xFFFFE000  }
0x64: {  	_ =	swait.ge [sflag:s21], $0x2000  }
0x65: {  	[sflag:s21] =	ssyncset.done $0x0  }
0x66: {  	[sflag:s21] =	ssyncadd.s32 $0xFFFFE000  }
0x67: {  	_ =	swait.ge [sflag:s21], $0x2000  }
0x68: {  	[sflag:s21] =	ssyncset.done $0x0  }
0x69: {  	s28 =	sadd.s32 $0xA00, s26;
	[sflag:s21] =	ssyncadd.s32 $0xFFFFE000  }
0x6a: {  	[spmem:s2] =	stream.indirect.scatter.add.f32 [tilespmem:s16], [sflag:$0x2], $0x80, s28, s15, $0xb8;
	[tilespmem:$0x1F400] =	vst v63  }
0x6b: {  	s28 =	sadd.s32 $0xA40, s26  }
0x6c: {  	[spmem:s2] =	stream.indirect.scatter.add.f32 [tilespmem:s17], [sflag:$0x2], $0x80, s28, s15, $0xb8;
	[tilespmem:$0x1F400] =	vst v63  }
0x6d: {  	s28 =	sadd.s32 $0xA80, s26  }
0x6e: {  	[spmem:s2] =	stream.indirect.scatter.add.f32 [tilespmem:s18], [sflag:$0x2], $0x80, s28, s15, $0xb8;
	[tilespmem:$0x1F400] =	vst v63  }
0x6f: {  	s28 =	sadd.s32 $0xAC0, s26  }
0x70: {  	[spmem:s2] =	stream.indirect.scatter.add.f32 [tilespmem:s19], [sflag:$0x2], $0x80, s28, s15, $0xb8;
	[tilespmem:$0x1F400] =	vst v63  }
0x71: {  	s26 =	sadd.s32 $0xB00, s26  }
0x72: {  	[spmem:s2] =	stream.indirect.scatter.add.f32 [tilespmem:s20], [sflag:$0x2], $0x80, s26, s15, $0xb8;
	[tilespmem:$0x1F400] =	vst v63  }
0x73: {  	_ =	swait.ge [sflag:s22], $0x2000  }
0x74: {  	[sflag:s22] =	ssyncset.done $0x0  }
0x75: {  	[sflag:s22] =	ssyncadd.s32 $0xFFFFE000  }
0x76: {  	_ =	swait.ge [sflag:s22], $0x2000  }
0x77: {  	[sflag:s22] =	ssyncset.done $0x0  }
0x78: {  	[sflag:s22] =	ssyncadd.s32 $0xFFFFE000  }
0x79: {  	_ =	swait.ge [sflag:s22], $0x2000  }
0x7a: {  	[sflag:s22] =	ssyncset.done $0x0  }
0x7b: {  	[sflag:s22] =	ssyncadd.s32 $0xFFFFE000  }
.Ltmp0:
0x7c: {  	_ =	swait.ge [sflag:s22], $0x2000;
	(pc) =	sbr.rel @p0 .LBB2_3-.Ltmp0, $4  }
0x7d: {  	[sflag:s22] =	ssyncset.done $0x0  }
0x7e: {  	[sflag:s22] =	ssyncadd.s32 $0xFFFFE000  }
0x7f: {  	_ =	swait.ge [sflag:s22], $0x2000  }
0x80: {  	s28 =	smov.u32 s25;
	[sflag:s22] =	ssyncset.done $0x0  }
0x81: {  	s24 =	sshra.s32 s24, $0x2;
	[sflag:s22] =	ssyncadd.s32 $0xFFFFE000  }
0x82: {  	[tilespmem:s16], [sflag:$0x1] =	stream.indirect.gather [hbm4b:s6+s15], $0x80, s24, s15, $0xb8;
	[tilespmem:$0x1F400] =	vst v63  }
0x83: {  	s25 =	sadd.s32 $0x40, s24  }
0x84: {  	[tilespmem:s17], [sflag:$0x1] =	stream.indirect.gather [hbm4b:s6+s15], $0x80, s25, s15, $0xb8;
	[tilespmem:$0x1F400] =	vst v63  }
0x85: {  	s30 =	sadd.s32 $0x80, s24  }
0x86: {  	[tilespmem:s18], [sflag:$0x1] =	stream.indirect.gather [hbm4b:s6+s15], $0x80, s30, s15, $0xb8;
	[tilespmem:$0x1F400] =	vst v63  }
0x87: {  	s31 =	sadd.s32 $0xC0, s24  }
0x88: {  	[tilespmem:s19], [sflag:$0x1] =	stream.indirect.gather [hbm4b:s6+s15], $0x80, s31, s15, $0xb8;
	[tilespmem:$0x1F400] =	vst v63  }
0x89: {  	s26 =	sadd.s32 $0x100, s24  }
0x8a: {  	[tilespmem:s20], [sflag:$0x1] =	stream.indirect.gather [hbm4b:s6+s15], $0x80, s26, s15, $0xb8;
	[tilespmem:$0x1F400] =	vst v63  }
0x8b: {  	_ =	swait.ge [sflag:s21], $0x2000  }
0x8c: {  	[sflag:s21] =	ssyncset.done $0x0  }
0x8d: {  	[sflag:s21] =	ssyncadd.s32 $0xFFFFE000  }
0x8e: {  	_ =	swait.ge [sflag:s21], $0x2000  }
0x8f: {  	[sflag:s21] =	ssyncset.done $0x0  }
0x90: {  	[sflag:s21] =	ssyncadd.s32 $0xFFFFE000  }
0x91: {  	_ =	swait.ge [sflag:s21], $0x2000  }
0x92: {  	[sflag:s21] =	ssyncset.done $0x0  }
0x93: {  	[sflag:s21] =	ssyncadd.s32 $0xFFFFE000  }
0x94: {  	_ =	swait.ge [sflag:s21], $0x2000  }
0x95: {  	[sflag:s21] =	ssyncset.done $0x0  }
0x96: {  	[sflag:s21] =	ssyncadd.s32 $0xFFFFE000  }
0x97: {  	_ =	swait.ge [sflag:s21], $0x2000  }
0x98: {  	[sflag:s21] =	ssyncset.done $0x0  }
0x99: {  	s28 =	sadd.s32 $0xA00, s24;
	[sflag:s21] =	ssyncadd.s32 $0xFFFFE000  }
0x9a: {  	[spmem:s2] =	stream.indirect.scatter.add.f32 [tilespmem:s16], [sflag:$0x2], $0x80, s28, s15, $0xb8;
	[tilespmem:$0x1F400] =	vst v63  }
0x9b: {  	s29 =	sadd.s32 $0xA40, s24  }
0x9c: {  	[spmem:s2] =	stream.indirect.scatter.add.f32 [tilespmem:s17], [sflag:$0x2], $0x80, s29, s15, $0xb8;
	[tilespmem:$0x1F400] =	vst v63  }
0x9d: {  	s30 =	sadd.s32 $0xA80, s24  }
0x9e: {  	[spmem:s2] =	stream.indirect.scatter.add.f32 [tilespmem:s18], [sflag:$0x2], $0x80, s30, s15, $0xb8;
	[tilespmem:$0x1F400] =	vst v63  }
0x9f: {  	s31 =	sadd.s32 $0xAC0, s24  }
0xa0: {  	[spmem:s2] =	stream.indirect.scatter.add.f32 [tilespmem:s19], [sflag:$0x2], $0x80, s31, s15, $0xb8;
	[tilespmem:$0x1F400] =	vst v63  }
0xa1: {  	s24 =	sadd.s32 $0xB00, s24  }
0xa2: {  	[spmem:s2] =	stream.indirect.scatter.add.f32 [tilespmem:s20], [sflag:$0x2], $0x80, s24, s15, $0xb8;
	[tilespmem:$0x1F400] =	vst v63  }
0xa3: {  	_ =	swait.ge [sflag:s22], $0x2000  }
0xa4: {  	[sflag:s22] =	ssyncset.done $0x0  }
0xa5: {  	[sflag:s22] =	ssyncadd.s32 $0xFFFFE000  }
0xa6: {  	_ =	swait.ge [sflag:s22], $0x2000  }
0xa7: {  	[sflag:s22] =	ssyncset.done $0x0  }
0xa8: {  	[sflag:s22] =	ssyncadd.s32 $0xFFFFE000  }
0xa9: {  	_ =	swait.ge [sflag:s22], $0x2000  }
0xaa: {  	[sflag:s22] =	ssyncset.done $0x0  }
0xab: {  	s23 =	sadd.s32 $0x1, s23;
	[sflag:s22] =	ssyncadd.s32 $0xFFFFE000  }
0xac: {  	p0 =	sne.s32 s23, $0x8;
	_ =	swait.ge [sflag:s22], $0x2000  }
.Ltmp1:
0xad: {  	[sflag:s22] =	ssyncset.done $0x0;
	(pc) =	sbr.rel @p0 .LBB2_2-.Ltmp1, $4  }
0xae: {  	[sflag:s22] =	ssyncadd.s32 $0xFFFFE000  }
0xaf: {  	_ =	swait.ge [sflag:s22], $0x2000  }
0xb0: {  	[sflag:s22] =	ssyncset.done $0x0  }
0xb1: {  	[sflag:s22] =	ssyncadd.s32 $0xFFFFE000  }
0xb2: {  	s3 =	sadd.s32 $0x1, s3  }
0xb3: {  	p0 =	sne.s32 s3, s11  }
.Ltmp2:
0xb4: {  	[bflag:$0x0] =	sbarrier.arrive $0xFFFF;
	(pc) =	sbr.rel @p0 .LBB2_1-.Ltmp2, $4  }
0xb5: {  	[hbm:s10], [sflag:s8] =	dma.local [spmem:s12], $0x2800  }
0xb6: {  	_ =	swait.ge [sflag:s13], $0x2800  }
0xb7: {  	[sflag:s13] =	ssyncset.done $0x0  }
0xb8: {  	[sflag:s13] =	ssyncadd.s32 $0xFFFFD800  }
0xb9: {  	_ =	sfence.sel $0x180000  }
0xba: {  	[bflag:$0x0] =	sbarrier.arrive $0xFFFF  }
0xbb: {  	p0 =	sne.s32 s1, $0x0;
	_ =	strace $0x90000050  }
0xbc: {  	s0 =	sadd.s32 @!p0 $0x100000, s0;
	[bflag:$0x2] =	sbarrier.arrive $0xFFFF  }
0xbd: {  	[sflag:s0] =	ssyncadd.tile.s32 @!p0 $0x1;
	_ =	shalt  }
.Lfunc_end2:
_tile_overlayer_lowered:
.L_overlay_start_2:
0xbe: {  	(tag) =	ssettag $0x2  }
0xbf: {  	s0 =	rddreg [dreg:$0x0];
	s2 =	stileid.u32  }
0xc0: {  	s1 =	rddreg [dreg:$0x1];
	p0 =	sne.s32 s2, $0x0  }
0xc1: {  	s3 =	rddreg [dreg:$0x2];
	[bflag:$0x3] =	sbarrier.arrive $0xFFFF;
	s2 =	simm.s32 @!p0 $0x1C03  }
0xc2: {  	[timem:s3], [sflag:s2] =	dma.local @!p0 [hbm:s0], s1  }
0xc3: {  	s0 =	simm.s32 @!p0 $0x3  }
0xc4: {  	_ =	swait.ge @!p0 [sflag:s0], s1  }
0xc5: {  	s1 =	ssub.s32 @!p0 $0x0, s1;
	[sflag:s0] =	ssyncset.done @!p0 $0x0  }
0xc6: {  	[sflag:s0] =	ssyncadd.s32 @!p0 s1  }
0xc7: {  	[bflag:$0x3] =	sbarrier.arrive $0xFFFF  }
0xc8: {  	_ =	shalt  }

</sc_bundles>
